<compile_context>
chip_gen: v7x
topology: tpu7x:2x2x1
jax: 0.10.2.dev20260603
libtpu: 0.0.44.dev20260713+nightly
codegen_flags: <defaults>
</compile_context>

<pallas_src>
import functools

import jax
import jax.numpy as jnp
from jax import lax
from jax.experimental import pallas as pl
from jax.experimental.pallas import tpu as pltpu
from jax.experimental.pallas import tpu_sc as plsc

B, S, H = 4, 4096, 1024
EPS = 1e-12
ROWS = B * S

NC, NS, L = 2, 16, 16
NW = NC * NS
R_SC = 2048
SC_ROWS_PER_W = R_SC // NW
CH = 16
NCHUNK = SC_ROWS_PER_W // CH
NHV = H // L

BLK = 256
N_TC_BLK = (ROWS - R_SC) // BLK
BLK0 = R_SC // BLK
NSB = S // BLK


def _lane_sum(x16):
    dnums = lax.GatherDimensionNumbers(
        offset_dims=(), collapsed_slice_dims=(0,), start_index_map=(0,))
    for k in (8, 4, 2, 1):
        perm = lax.iota(jnp.int32, L) ^ k
        x16 = x16 + lax.gather(
            x16, perm[:, None], dnums, slice_sizes=(1,),
            mode=lax.GatherScatterMode.PROMISE_IN_BOUNDS)
    return x16


def _rsqrt_vec(v16):
    bits = lax.bitcast_convert_type(v16, jnp.int32)
    y = lax.bitcast_convert_type(jnp.int32(0x5F3759DF) - (bits >> 1),
                                 jnp.float32)
    for _ in range(3):
        y = y * (1.5 - 0.5 * v16 * y * y)
    return y


def _sc_body(x_hbm, pos_hbm, gam_hbm, bet_hbm, out_hbm,
             xin_v, pos_v, out_v, gam_v, bet_v):
    wid = lax.axis_index("c") * NS + lax.axis_index("s")
    row0 = wid * SC_ROWS_PER_W
    s0 = row0 % S

    pltpu.sync_copy(gam_hbm, gam_v)
    pltpu.sync_copy(bet_hbm, bet_v)

    def chunk(c, carry):
        rbase = row0 + c * CH
        sbase = s0 + c * CH
        pltpu.sync_copy(x_hbm.at[pl.ds(rbase, CH)], xin_v)
        pltpu.sync_copy(pos_hbm.at[pl.ds(sbase, CH)], pos_v)

        def row(r, carry2):
            acc = jnp.zeros((L,), jnp.float32)
            acc2 = jnp.zeros((L,), jnp.float32)
            for i in range(NHV):
                xv = xin_v[r, pl.ds(i * L, L)] + pos_v[r, pl.ds(i * L, L)]
                out_v[r, pl.ds(i * L, L)] = xv
                acc = acc + xv
                acc2 = acc2 + xv * xv
            mvec = _lane_sum(acc) * (1.0 / H)
            vvec = _lane_sum(acc2) * (1.0 / H) - mvec * mvec
            rstd = _rsqrt_vec(vvec + EPS)
            for i in range(NHV):
                xv = out_v[r, pl.ds(i * L, L)]
                g = gam_v[pl.ds(i * L, L)]
                b = bet_v[pl.ds(i * L, L)]
                out_v[r, pl.ds(i * L, L)] = (xv - mvec) * rstd * g + b
            return carry2

        lax.fori_loop(0, CH, row, 0)
        pltpu.sync_copy(out_v, out_hbm.at[pl.ds(rbase, CH)])
        return carry

    lax.fori_loop(0, NCHUNK, chunk, 0)


def _sc_call(x2, pos, gamma, beta):
    mesh = plsc.VectorSubcoreMesh(core_axis_name="c", subcore_axis_name="s")
    f = functools.partial(
        pl.kernel,
        mesh=mesh,
        out_type=jax.ShapeDtypeStruct((R_SC, H), jnp.float32),
        scratch_types=[
            pltpu.VMEM((CH, H), jnp.float32),
            pltpu.VMEM((CH, H), jnp.float32),
            pltpu.VMEM((CH, H), jnp.float32),
            pltpu.VMEM((H,), jnp.float32),
            pltpu.VMEM((H,), jnp.float32),
        ],
    )(_sc_body)
    return f(x2, pos, gamma, beta)


def _tc_body(x_ref, pos_ref, gamma_ref, beta_ref, o_ref):
    x = x_ref[...] + pos_ref[...]
    u = jnp.mean(x, axis=-1, keepdims=True)
    xc = x - u
    v = jnp.mean(xc * xc, axis=-1, keepdims=True)
    inv = lax.rsqrt(v + EPS)
    o_ref[...] = xc * inv * gamma_ref[...] + beta_ref[...]


def _tc_call(x2, pos, g2, b2):
    return pl.pallas_call(
        _tc_body,
        grid=(N_TC_BLK,),
        in_specs=[
            pl.BlockSpec((BLK, H), lambda t: (BLK0 + t, 0)),
            pl.BlockSpec((BLK, H), lambda t: ((BLK0 + t) % NSB, 0)),
            pl.BlockSpec((1, H), lambda t: (0, 0)),
            pl.BlockSpec((1, H), lambda t: (0, 0)),
        ],
        out_specs=pl.BlockSpec((BLK, H), lambda t: (BLK0 + t, 0)),
        out_shape=jax.ShapeDtypeStruct((ROWS, H), jnp.float32),
    )(x2, pos, g2, b2)


def kernel(input_ids, position_table, gamma, beta):
    x2 = input_ids.reshape(ROWS, H)
    sc_out = _sc_call(x2, position_table, gamma, beta)
    tc_out = _tc_call(x2, position_table,
                      gamma.reshape(1, H), beta.reshape(1, H))
    out = lax.dynamic_update_slice(tc_out, sc_out, (0, 0))
    return out.reshape(B, S, H)

# --- scband reference (transcript-rebuilt; emitter-appended) ---
"""Pipeline reference for scband-trans-embeddings-18777597018741 (READ-ONLY COPY).

The authoritative reference and input builder live on the scoring server;
editing this copy changes nothing except your own understanding.
"""

import jax, jax.numpy as jnp
import numpy as np

B, S, H = 4, 4096, 1024
EPS = 1e-12


def setup_inputs(seed: int = 0) -> dict:
    key = jax.random.key(seed)
    k1, k2 = jax.random.split(key, 2)
    # NOTE: despite the name, `input_ids` is treated as a float tensor in the
    # original forward (it is added directly to position embeddings).
    input_ids = jax.random.normal(k1, (B, S, H), dtype=jnp.float32)
    position_table = jax.random.normal(k2, (S, H), dtype=jnp.float32) * 0.02
    gamma = jnp.ones((H,), dtype=jnp.float32)
    beta = jnp.zeros((H,), dtype=jnp.float32)
    return {"input_ids": input_ids, "position_table": position_table,
            "gamma": gamma, "beta": beta}


def reference(input_ids, position_table, gamma, beta):
    b, s, h = input_ids.shape
    position_ids = jnp.arange(s, dtype=jnp.int32)
    pos_emb = jnp.take(position_table, position_ids, axis=0)  # [S, H] gather
    pos_emb = jnp.broadcast_to(pos_emb[None, :, :], (b, s, h))
    embeddings = input_ids + pos_emb
    # TF-style LayerNorm (epsilon inside sqrt)
    u = embeddings.mean(-1, keepdims=True)
    v = ((embeddings - u) ** 2).mean(-1, keepdims=True)
    x = (embeddings - u) / jnp.sqrt(v + EPS)
    out = gamma * x + beta
    # dropout prob = 0.0 (eval) -> identity
    return out

if __name__ == "__main__":
    import jax
    _d = setup_inputs()
    print(jax.jit(kernel)(*tuple(_d.values())))

</pallas_src>

<mosaic_0001>
#map = affine_map<(d0, d1) -> (0, 0)>
#map1 = affine_map<(d0, d1) -> (0)>
module attributes {stable_mosaic.version = 14 : i64} {
  func.func @_sc_body(%arg0: i32, %arg1: i32, %arg2: memref<16384x1024xf32, #tpu.memory_space<hbm>>, %arg3: memref<4096x1024xf32, #tpu.memory_space<hbm>>, %arg4: memref<1024xf32, #tpu.memory_space<hbm>>, %arg5: memref<1024xf32, #tpu.memory_space<hbm>>, %arg6: memref<2048x1024xf32, #tpu.memory_space<hbm>>, %arg7: memref<16x1024xf32, #tpu.memory_space<vmem>>, %arg8: memref<16x1024xf32, #tpu.memory_space<vmem>>, %arg9: memref<16x1024xf32, #tpu.memory_space<vmem>>, %arg10: memref<1024xf32, #tpu.memory_space<vmem>>, %arg11: memref<1024xf32, #tpu.memory_space<vmem>>) attributes {dimension_semantics = [#tpu.dimension_semantics<core_parallel>, #tpu.dimension_semantics<subcore_parallel>], iteration_bounds = array<i64: 2, 16>, scalar_prefetch = 0 : i64, scratch_operands = 5 : i64, tpu.core_type = #tpu.core_type<sc_vector_subcore>, window_params = [{transform_indices = #map}, {transform_indices = #map}, {transform_indices = #map1}, {transform_indices = #map1}, {transform_indices = #map}]} {
    %mul3A = arith.constant 16 : i32
    %mul3A_0 = arith.muli %arg0, %mul3A : i32
    %add3A = arith.addi %mul3A_0, %arg1 : i32
    %mul3A_1 = arith.constant 64 : i32
    %mul3A_2 = arith.muli %add3A, %mul3A_1 : i32
    %jit3A = arith.constant 4096 : i32
    %eq3A = arith.constant 0 : i32
    %eq3A_3 = arith.cmpi eq, %jit3A, %eq3A : i32
    %jit3A_4 = arith.constant 1 : i32
    %select_n3A = arith.select %eq3A_3, %jit3A_4, %jit3A : i32
    %rem3A = arith.remsi %mul3A_2, %select_n3A : i32
    %ne3A = arith.constant 0 : i32
    %ne3A_5 = arith.cmpi ne, %rem3A, %ne3A : i32
    %lt3A = arith.constant 0 : i32
    %lt3A_6 = arith.cmpi slt, %rem3A, %lt3A : i32
    %lt3A_7 = arith.constant 0 : i32
    %lt3A_8 = arith.cmpi slt, %select_n3A, %lt3A_7 : i32
    %ne3A_9 = arith.xori %lt3A_6, %lt3A_8 : i1
    %and3A = arith.andi %ne3A_9, %ne3A_5 : i1
    %add3A_10 = arith.addi %rem3A, %select_n3A : i32
    %select_n3A_11 = arith.select %and3A, %add3A_10, %rem3A : i32
    "tpu.region"() ({
      %run_scoped3A = tpu.sem_alloc : memref<!tpu.dma_semaphore, #tpu.memory_space<semaphore_mem>>
      tpu.enqueue_dma source(%arg4 : memref<1024xf32, #tpu.memory_space<hbm>>) target(%arg10 : memref<1024xf32, #tpu.memory_space<vmem>>) target_semaphore(%run_scoped3A : memref<!tpu.dma_semaphore, #tpu.memory_space<semaphore_mem>>)
      tpu.wait_dma2 semaphore(%run_scoped3A : memref<!tpu.dma_semaphore, #tpu.memory_space<semaphore_mem>>) src(%arg4 : memref<1024xf32, #tpu.memory_space<hbm>>) dst(%arg10 : memref<1024xf32, #tpu.memory_space<vmem>>)
      tpu.yield
    }) : () -> ()
    "tpu.region"() ({
      %run_scoped3A = tpu.sem_alloc : memref<!tpu.dma_semaphore, #tpu.memory_space<semaphore_mem>>
      tpu.enqueue_dma source(%arg5 : memref<1024xf32, #tpu.memory_space<hbm>>) target(%arg11 : memref<1024xf32, #tpu.memory_space<vmem>>) target_semaphore(%run_scoped3A : memref<!tpu.dma_semaphore, #tpu.memory_space<semaphore_mem>>)
      tpu.wait_dma2 semaphore(%run_scoped3A : memref<!tpu.dma_semaphore, #tpu.memory_space<semaphore_mem>>) src(%arg5 : memref<1024xf32, #tpu.memory_space<hbm>>) dst(%arg11 : memref<1024xf32, #tpu.memory_space<vmem>>)
      tpu.yield
    }) : () -> ()
    %scan3A = arith.constant 0 : i32
    %scan3A_12 = arith.constant 0 : i32
    %scan3A_13 = arith.constant 4 : i32
    %scan3A_14 = arith.addi %scan3A_12, %scan3A_13 : i32
    %scan3A_15 = arith.constant 1 : i32
    scf.for %scan3A_17 = %scan3A_12 to %scan3A_14 step %scan3A_15  : i32 {
      %mul3A_18 = arith.constant 16 : i32
      %mul3A_19 = arith.muli %scan3A_17, %mul3A_18 : i32
      %add3A_20 = arith.addi %mul3A_2, %mul3A_19 : i32
      %mul3A_21 = arith.constant 16 : i32
      %mul3A_22 = arith.muli %scan3A_17, %mul3A_21 : i32
      %add3A_23 = arith.addi %select_n3A_11, %mul3A_22 : i32
      "tpu.region"() ({
        %run_scoped3A = tpu.sem_alloc : memref<!tpu.dma_semaphore, #tpu.memory_space<semaphore_mem>>
        %dma_start3A = arith.constant 0 : i32
        %dma_start3A_30 = tpu.memref_slice %arg2[%add3A_20, %dma_start3A] : memref<16384x1024xf32, #tpu.memory_space<hbm>> -> memref<16x1024xf32, #tpu.memory_space<hbm>>
        %dma_start3A_31 = arith.constant 0 : i32
        %dma_start3A_32 = tpu.memref_slice %arg2[%add3A_20, %dma_start3A_31] : memref<16384x1024xf32, #tpu.memory_space<hbm>> -> memref<16x1024xf32, #tpu.memory_space<hbm>>
        tpu.enqueue_dma source(%dma_start3A_32 : memref<16x1024xf32, #tpu.memory_space<hbm>>) target(%arg7 : memref<16x1024xf32, #tpu.memory_space<vmem>>) target_semaphore(%run_scoped3A : memref<!tpu.dma_semaphore, #tpu.memory_space<semaphore_mem>>)
        %dma_wait3A = arith.constant 0 : i32
        %dma_wait3A_33 = tpu.memref_slice %arg2[%add3A_20, %dma_wait3A] : memref<16384x1024xf32, #tpu.memory_space<hbm>> -> memref<16x1024xf32, #tpu.memory_space<hbm>>
        %dma_wait3A_34 = arith.constant 0 : i32
        %dma_wait3A_35 = tpu.memref_slice %arg2[%add3A_20, %dma_wait3A_34] : memref<16384x1024xf32, #tpu.memory_space<hbm>> -> memref<16x1024xf32, #tpu.memory_space<hbm>>
        tpu.wait_dma2 semaphore(%run_scoped3A : memref<!tpu.dma_semaphore, #tpu.memory_space<semaphore_mem>>) src(%dma_wait3A_35 : memref<16x1024xf32, #tpu.memory_space<hbm>>) dst(%arg7 : memref<16x1024xf32, #tpu.memory_space<vmem>>)
        tpu.yield
      }) : () -> ()
      "tpu.region"() ({
        %run_scoped3A = tpu.sem_alloc : memref<!tpu.dma_semaphore, #tpu.memory_space<semaphore_mem>>
        %dma_start3A = arith.constant 0 : i32
        %dma_start3A_30 = tpu.memref_slice %arg3[%add3A_23, %dma_start3A] : memref<4096x1024xf32, #tpu.memory_space<hbm>> -> memref<16x1024xf32, #tpu.memory_space<hbm>>
        %dma_start3A_31 = arith.constant 0 : i32
        %dma_start3A_32 = tpu.memref_slice %arg3[%add3A_23, %dma_start3A_31] : memref<4096x1024xf32, #tpu.memory_space<hbm>> -> memref<16x1024xf32, #tpu.memory_space<hbm>>
        tpu.enqueue_dma source(%dma_start3A_32 : memref<16x1024xf32, #tpu.memory_space<hbm>>) target(%arg8 : memref<16x1024xf32, #tpu.memory_space<vmem>>) target_semaphore(%run_scoped3A : memref<!tpu.dma_semaphore, #tpu.memory_space<semaphore_mem>>)
        %dma_wait3A = arith.constant 0 : i32
        %dma_wait3A_33 = tpu.memref_slice %arg3[%add3A_23, %dma_wait3A] : memref<4096x1024xf32, #tpu.memory_space<hbm>> -> memref<16x1024xf32, #tpu.memory_space<hbm>>
        %dma_wait3A_34 = arith.constant 0 : i32
        %dma_wait3A_35 = tpu.memref_slice %arg3[%add3A_23, %dma_wait3A_34] : memref<4096x1024xf32, #tpu.memory_space<hbm>> -> memref<16x1024xf32, #tpu.memory_space<hbm>>
        tpu.wait_dma2 semaphore(%run_scoped3A : memref<!tpu.dma_semaphore, #tpu.memory_space<semaphore_mem>>) src(%dma_wait3A_35 : memref<16x1024xf32, #tpu.memory_space<hbm>>) dst(%arg8 : memref<16x1024xf32, #tpu.memory_space<vmem>>)
        tpu.yield
      }) : () -> ()
      %scan3A_24 = arith.constant 0 : i32
      %scan3A_25 = arith.constant 0 : i32
      %scan3A_26 = arith.constant 16 : i32
      %scan3A_27 = arith.addi %scan3A_25, %scan3A_26 : i32
      %scan3A_28 = arith.constant 1 : i32
      scf.for %scan3A_30 = %scan3A_25 to %scan3A_27 step %scan3A_28  : i32 {
        %broadcast_in_dim3A = arith.constant 0.000000e+00 : f32
        %broadcast_in_dim3A_31 = vector.broadcast %broadcast_in_dim3A : f32 to vector<16xf32>
        %broadcast_in_dim3A_32 = arith.constant 0.000000e+00 : f32
        %broadcast_in_dim3A_33 = vector.broadcast %broadcast_in_dim3A_32 : f32 to vector<16xf32>
        %get3A = arith.index_cast %scan3A_30 : i32 to index
        %get3A_34 = arith.constant 0 : index
        %get3A_35 = tpu.vector_load %arg7[%get3A, %get3A_34] {strides = array<i32>} : memref<16x1024xf32, #tpu.memory_space<vmem>>, vector<1x16xf32>,
        %get3A_36 = vector.shape_cast %get3A_35 : vector<1x16xf32> to vector<16xf32>
        %get3A_37 = arith.index_cast %scan3A_30 : i32 to index
        %get3A_38 = arith.constant 0 : index
        %get3A_39 = tpu.vector_load %arg8[%get3A_37, %get3A_38] {strides = array<i32>} : memref<16x1024xf32, #tpu.memory_space<vmem>>, vector<1x16xf32>,
        %get3A_40 = vector.shape_cast %get3A_39 : vector<1x16xf32> to vector<16xf32>
        %add3A_41 = arith.addf %get3A_36, %get3A_40 : vector<16xf32>
        %swap3A = arith.index_cast %scan3A_30 : i32 to index
        %swap3A_42 = arith.constant 0 : index
        %swap3A_43 = tpu.vector_load %arg9[%swap3A, %swap3A_42] {strides = array<i32>} : memref<16x1024xf32, #tpu.memory_space<vmem>>, vector<1x16xf32>,
        %swap3A_44 = vector.shape_cast %swap3A_43 : vector<1x16xf32> to vector<16xf32>
        %swap3A_45 = vector.shape_cast %add3A_41 : vector<16xf32> to vector<1x16xf32>
        tpu.vector_store %arg9[%swap3A, %swap3A_42], %swap3A_45 {strides = array<i32>} : memref<16x1024xf32, #tpu.memory_space<vmem>>, vector<1x16xf32>,
        %add3A_46 = arith.addf %broadcast_in_dim3A_31, %add3A_41 : vector<16xf32>
        %mul3A_47 = arith.mulf %add3A_41, %add3A_41 : vector<16xf32>
        %add3A_48 = arith.addf %broadcast_in_dim3A_33, %mul3A_47 : vector<16xf32>
        %get3A_49 = arith.index_cast %scan3A_30 : i32 to index
        %get3A_50 = arith.constant 16 : index
        %get3A_51 = tpu.vector_load %arg7[%get3A_49, %get3A_50] {strides = array<i32>} : memref<16x1024xf32, #tpu.memory_space<vmem>>, vector<1x16xf32>,
        %get3A_52 = vector.shape_cast %get3A_51 : vector<1x16xf32> to vector<16xf32>
        %get3A_53 = arith.index_cast %scan3A_30 : i32 to index
        %get3A_54 = arith.constant 16 : index
        %get3A_55 = tpu.vector_load %arg8[%get3A_53, %get3A_54] {strides = array<i32>} : memref<16x1024xf32, #tpu.memory_space<vmem>>, vector<1x16xf32>,
        %get3A_56 = vector.shape_cast %get3A_55 : vector<1x16xf32> to vector<16xf32>
        %add3A_57 = arith.addf %get3A_52, %get3A_56 : vector<16xf32>
        %swap3A_58 = arith.index_cast %scan3A_30 : i32 to index
        %swap3A_59 = arith.constant 16 : index
        %swap3A_60 = tpu.vector_load %arg9[%swap3A_58, %swap3A_59] {strides = array<i32>} : memref<16x1024xf32, #tpu.memory_space<vmem>>, vector<1x16xf32>,
        %swap3A_61 = vector.shape_cast %swap3A_60 : vector<1x16xf32> to vector<16xf32>
        %swap3A_62 = vector.shape_cast %add3A_57 : vector<16xf32> to vector<1x16xf32>
        tpu.vector_store %arg9[%swap3A_58, %swap3A_59], %swap3A_62 {strides = array<i32>} : memref<16x1024xf32, #tpu.memory_space<vmem>>, vector<1x16xf32>,
        %add3A_63 = arith.addf %add3A_46, %add3A_57 : vector<16xf32>
        %mul3A_64 = arith.mulf %add3A_57, %add3A_57 : vector<16xf32>
        %add3A_65 = arith.addf %add3A_48, %mul3A_64 : vector<16xf32>
        %get3A_66 = arith.index_cast %scan3A_30 : i32 to index
        %get3A_67 = arith.constant 32 : index
        %get3A_68 = tpu.vector_load %arg7[%get3A_66, %get3A_67] {strides = array<i32>} : memref<16x1024xf32, #tpu.memory_space<vmem>>, vector<1x16xf32>,
        %get3A_69 = vector.shape_cast %get3A_68 : vector<1x16xf32> to vector<16xf32>
        %get3A_70 = arith.index_cast %scan3A_30 : i32 to index
        %get3A_71 = arith.constant 32 : index
        %get3A_72 = tpu.vector_load %arg8[%get3A_70, %get3A_71] {strides = array<i32>} : memref<16x1024xf32, #tpu.memory_space<vmem>>, vector<1x16xf32>,
        %get3A_73 = vector.shape_cast %get3A_72 : vector<1x16xf32> to vector<16xf32>
        %add3A_74 = arith.addf %get3A_69, %get3A_73 : vector<16xf32>
        %swap3A_75 = arith.index_cast %scan3A_30 : i32 to index
        %swap3A_76 = arith.constant 32 : index
        %swap3A_77 = tpu.vector_load %arg9[%swap3A_75, %swap3A_76] {strides = array<i32>} : memref<16x1024xf32, #tpu.memory_space<vmem>>, vector<1x16xf32>,
        %swap3A_78 = vector.shape_cast %swap3A_77 : vector<1x16xf32> to vector<16xf32>
        %swap3A_79 = vector.shape_cast %add3A_74 : vector<16xf32> to vector<1x16xf32>
        tpu.vector_store %arg9[%swap3A_75, %swap3A_76], %swap3A_79 {strides = array<i32>} : memref<16x1024xf32, #tpu.memory_space<vmem>>, vector<1x16xf32>,
        %add3A_80 = arith.addf %add3A_63, %add3A_74 : vector<16xf32>
        %mul3A_81 = arith.mulf %add3A_74, %add3A_74 : vector<16xf32>
        %add3A_82 = arith.addf %add3A_65, %mul3A_81 : vector<16xf32>
        %get3A_83 = arith.index_cast %scan3A_30 : i32 to index
        %get3A_84 = arith.constant 48 : index
        %get3A_85 = tpu.vector_load %arg7[%get3A_83, %get3A_84] {strides = array<i32>} : memref<16x1024xf32, #tpu.memory_space<vmem>>, vector<1x16xf32>,
        %get3A_86 = vector.shape_cast %get3A_85 : vector<1x16xf32> to vector<16xf32>
        %get3A_87 = arith.index_cast %scan3A_30 : i32 to index
        %get3A_88 = arith.constant 48 : index
        %get3A_89 = tpu.vector_load %arg8[%get3A_87, %get3A_88] {strides = array<i32>} : memref<16x1024xf32, #tpu.memory_space<vmem>>, vector<1x16xf32>,
        %get3A_90 = vector.shape_cast %get3A_89 : vector<1x16xf32> to vector<16xf32>
        %add3A_91 = arith.addf %get3A_86, %get3A_90 : vector<16xf32>
        %swap3A_92 = arith.index_cast %scan3A_30 : i32 to index
        %swap3A_93 = arith.constant 48 : index
        %swap3A_94 = tpu.vector_load %arg9[%swap3A_92, %swap3A_93] {strides = array<i32>} : memref<16x1024xf32, #tpu.memory_space<vmem>>, vector<1x16xf32>,
        %swap3A_95 = vector.shape_cast %swap3A_94 : vector<1x16xf32> to vector<16xf32>
        %swap3A_96 = vector.shape_cast %add3A_91 : vector<16xf32> to vector<1x16xf32>
        tpu.vector_store %arg9[%swap3A_92, %swap3A_93], %swap3A_96 {strides = array<i32>} : memref<16x1024xf32, #tpu.memory_space<vmem>>, vector<1x16xf32>,
        %add3A_97 = arith.addf %add3A_80, %add3A_91 : vector<16xf32>
        %mul3A_98 = arith.mulf %add3A_91, %add3A_91 : vector<16xf32>
        %add3A_99 = arith.addf %add3A_82, %mul3A_98 : vector<16xf32>
        %get3A_100 = arith.index_cast %scan3A_30 : i32 to index
        %get3A_101 = arith.constant 64 : index
        %get3A_102 = tpu.vector_load %arg7[%get3A_100, %get3A_101] {strides = array<i32>} : memref<16x1024xf32, #tpu.memory_space<vmem>>, vector<1x16xf32>,
        %get3A_103 = vector.shape_cast %get3A_102 : vector<1x16xf32> to vector<16xf32>
        %get3A_104 = arith.index_cast %scan3A_30 : i32 to index
        %get3A_105 = arith.constant 64 : index
        %get3A_106 = tpu.vector_load %arg8[%get3A_104, %get3A_105] {strides = array<i32>} : memref<16x1024xf32, #tpu.memory_space<vmem>>, vector<1x16xf32>,
        %get3A_107 = vector.shape_cast %get3A_106 : vector<1x16xf32> to vector<16xf32>
        %add3A_108 = arith.addf %get3A_103, %get3A_107 : vector<16xf32>
        %swap3A_109 = arith.index_cast %scan3A_30 : i32 to index
        %swap3A_110 = arith.constant 64 : index
        %swap3A_111 = tpu.vector_load %arg9[%swap3A_109, %swap3A_110] {strides = array<i32>} : memref<16x1024xf32, #tpu.memory_space<vmem>>, vector<1x16xf32>,
        %swap3A_112 = vector.shape_cast %swap3A_111 : vector<1x16xf32> to vector<16xf32>
        %swap3A_113 = vector.shape_cast %add3A_108 : vector<16xf32> to vector<1x16xf32>
        tpu.vector_store %arg9[%swap3A_109, %swap3A_110], %swap3A_113 {strides = array<i32>} : memref<16x1024xf32, #tpu.memory_space<vmem>>, vector<1x16xf32>,
        %add3A_114 = arith.addf %add3A_97, %add3A_108 : vector<16xf32>
        %mul3A_115 = arith.mulf %add3A_108, %add3A_108 : vector<16xf32>
        %add3A_116 = arith.addf %add3A_99, %mul3A_115 : vector<16xf32>
        %get3A_117 = arith.index_cast %scan3A_30 : i32 to index
        %get3A_118 = arith.constant 80 : index
        %get3A_119 = tpu.vector_load %arg7[%get3A_117, %get3A_118] {strides = array<i32>} : memref<16x1024xf32, #tpu.memory_space<vmem>>, vector<1x16xf32>,
        %get3A_120 = vector.shape_cast %get3A_119 : vector<1x16xf32> to vector<16xf32>
        %get3A_121 = arith.index_cast %scan3A_30 : i32 to index
        %get3A_122 = arith.constant 80 : index
        %get3A_123 = tpu.vector_load %arg8[%get3A_121, %get3A_122] {strides = array<i32>} : memref<16x1024xf32, #tpu.memory_space<vmem>>, vector<1x16xf32>,
        %get3A_124 = vector.shape_cast %get3A_123 : vector<1x16xf32> to vector<16xf32>
        %add3A_125 = arith.addf %get3A_120, %get3A_124 : vector<16xf32>
        %swap3A_126 = arith.index_cast %scan3A_30 : i32 to index
        %swap3A_127 = arith.constant 80 : index
        %swap3A_128 = tpu.vector_load %arg9[%swap3A_126, %swap3A_127] {strides = array<i32>} : memref<16x1024xf32, #tpu.memory_space<vmem>>, vector<1x16xf32>,
        %swap3A_129 = vector.shape_cast %swap3A_128 : vector<1x16xf32> to vector<16xf32>
        %swap3A_130 = vector.shape_cast %add3A_125 : vector<16xf32> to vector<1x16xf32>
        tpu.vector_store %arg9[%swap3A_126, %swap3A_127], %swap3A_130 {strides = array<i32>} : memref<16x1024xf32, #tpu.memory_space<vmem>>, vector<1x16xf32>,
        %add3A_131 = arith.addf %add3A_114, %add3A_125 : vector<16xf32>
        %mul3A_132 = arith.mulf %add3A_125, %add3A_125 : vector<16xf32>
        %add3A_133 = arith.addf %add3A_116, %mul3A_132 : vector<16xf32>
        %get3A_134 = arith.index_cast %scan3A_30 : i32 to index
        %get3A_135 = arith.constant 96 : index
        %get3A_136 = tpu.vector_load %arg7[%get3A_134, %get3A_135] {strides = array<i32>} : memref<16x1024xf32, #tpu.memory_space<vmem>>, vector<1x16xf32>,
        %get3A_137 = vector.shape_cast %get3A_136 : vector<1x16xf32> to vector<16xf32>
        %get3A_138 = arith.index_cast %scan3A_30 : i32 to index
        %get3A_139 = arith.constant 96 : index
        %get3A_140 = tpu.vector_load %arg8[%get3A_138, %get3A_139] {strides = array<i32>} : memref<16x1024xf32, #tpu.memory_space<vmem>>, vector<1x16xf32>,
        %get3A_141 = vector.shape_cast %get3A_140 : vector<1x16xf32> to vector<16xf32>
        %add3A_142 = arith.addf %get3A_137, %get3A_141 : vector<16xf32>
        %swap3A_143 = arith.index_cast %scan3A_30 : i32 to index
        %swap3A_144 = arith.constant 96 : index
        %swap3A_145 = tpu.vector_load %arg9[%swap3A_143, %swap3A_144] {strides = array<i32>} : memref<16x1024xf32, #tpu.memory_space<vmem>>, vector<1x16xf32>,
        %swap3A_146 = vector.shape_cast %swap3A_145 : vector<1x16xf32> to vector<16xf32>
        %swap3A_147 = vector.shape_cast %add3A_142 : vector<16xf32> to vector<1x16xf32>
        tpu.vector_store %arg9[%swap3A_143, %swap3A_144], %swap3A_147 {strides = array<i32>} : memref<16x1024xf32, #tpu.memory_space<vmem>>, vector<1x16xf32>,
        %add3A_148 = arith.addf %add3A_131, %add3A_142 : vector<16xf32>
        %mul3A_149 = arith.mulf %add3A_142, %add3A_142 : vector<16xf32>
        %add3A_150 = arith.addf %add3A_133, %mul3A_149 : vector<16xf32>
        %get3A_151 = arith.index_cast %scan3A_30 : i32 to index
        %get3A_152 = arith.constant 112 : index
        %get3A_153 = tpu.vector_load %arg7[%get3A_151, %get3A_152] {strides = array<i32>} : memref<16x1024xf32, #tpu.memory_space<vmem>>, vector<1x16xf32>,
        %get3A_154 = vector.shape_cast %get3A_153 : vector<1x16xf32> to vector<16xf32>
        %get3A_155 = arith.index_cast %scan3A_30 : i32 to index
        %get3A_156 = arith.constant 112 : index
        %get3A_157 = tpu.vector_load %arg8[%get3A_155, %get3A_156] {strides = array<i32>} : memref<16x1024xf32, #tpu.memory_space<vmem>>, vector<1x16xf32>,
        %get3A_158 = vector.shape_cast %get3A_157 : vector<1x16xf32> to vector<16xf32>
        %add3A_159 = arith.addf %get3A_154, %get3A_158 : vector<16xf32>
        %swap3A_160 = arith.index_cast %scan3A_30 : i32 to index
        %swap3A_161 = arith.constant 112 : index
        %swap3A_162 = tpu.vector_load %arg9[%swap3A_160, %swap3A_161] {strides = array<i32>} : memref<16x1024xf32, #tpu.memory_space<vmem>>, vector<1x16xf32>,
        %swap3A_163 = vector.shape_cast %swap3A_162 : vector<1x16xf32> to vector<16xf32>
        %swap3A_164 = vector.shape_cast %add3A_159 : vector<16xf32> to vector<1x16xf32>
        tpu.vector_store %arg9[%swap3A_160, %swap3A_161], %swap3A_164 {strides = array<i32>} : memref<16x1024xf32, #tpu.memory_space<vmem>>, vector<1x16xf32>,
        %add3A_165 = arith.addf %add3A_148, %add3A_159 : vector<16xf32>
        %mul3A_166 = arith.mulf %add3A_159, %add3A_159 : vector<16xf32>
        %add3A_167 = arith.addf %add3A_150, %mul3A_166 : vector<16xf32>
        %get3A_168 = arith.index_cast %scan3A_30 : i32 to index
        %get3A_169 = arith.constant 128 : index
        %get3A_170 = tpu.vector_load %arg7[%get3A_168, %get3A_169] {strides = array<i32>} : memref<16x1024xf32, #tpu.memory_space<vmem>>, vector<1x16xf32>,
        %get3A_171 = vector.shape_cast %get3A_170 : vector<1x16xf32> to vector<16xf32>
        %get3A_172 = arith.index_cast %scan3A_30 : i32 to index
        %get3A_173 = arith.constant 128 : index
        %get3A_174 = tpu.vector_load %arg8[%get3A_172, %get3A_173] {strides = array<i32>} : memref<16x1024xf32, #tpu.memory_space<vmem>>, vector<1x16xf32>,
        %get3A_175 = vector.shape_cast %get3A_174 : vector<1x16xf32> to vector<16xf32>
        %add3A_176 = arith.addf %get3A_171, %get3A_175 : vector<16xf32>
        %swap3A_177 = arith.index_cast %scan3A_30 : i32 to index
        %swap3A_178 = arith.constant 128 : index
        %swap3A_179 = tpu.vector_load %arg9[%swap3A_177, %swap3A_178] {strides = array<i32>} : memref<16x1024xf32, #tpu.memory_space<vmem>>, vector<1x16xf32>,
        %swap3A_180 = vector.shape_cast %swap3A_179 : vector<1x16xf32> to vector<16xf32>
        %swap3A_181 = vector.shape_cast %add3A_176 : vector<16xf32> to vector<1x16xf32>
        tpu.vector_store %arg9[%swap3A_177, %swap3A_178], %swap3A_181 {strides = array<i32>} : memref<16x1024xf32, #tpu.memory_space<vmem>>, vector<1x16xf32>,
        %add3A_182 = arith.addf %add3A_165, %add3A_176 : vector<16xf32>
        %mul3A_183 = arith.mulf %add3A_176, %add3A_176 : vector<16xf32>
        %add3A_184 = arith.addf %add3A_167, %mul3A_183 : vector<16xf32>
        %get3A_185 = arith.index_cast %scan3A_30 : i32 to index
        %get3A_186 = arith.constant 144 : index
        %get3A_187 = tpu.vector_load %arg7[%get3A_185, %get3A_186] {strides = array<i32>} : memref<16x1024xf32, #tpu.memory_space<vmem>>, vector<1x16xf32>,
        %get3A_188 = vector.shape_cast %get3A_187 : vector<1x16xf32> to vector<16xf32>
        %get3A_189 = arith.index_cast %scan3A_30 : i32 to index
        %get3A_190 = arith.constant 144 : index
        %get3A_191 = tpu.vector_load %arg8[%get3A_189, %get3A_190] {strides = array<i32>} : memref<16x1024xf32, #tpu.memory_space<vmem>>, vector<1x16xf32>,
        %get3A_192 = vector.shape_cast %get3A_191 : vector<1x16xf32> to vector<16xf32>
        %add3A_193 = arith.addf %get3A_188, %get3A_192 : vector<16xf32>
        %swap3A_194 = arith.index_cast %scan3A_30 : i32 to index
        %swap3A_195 = arith.constant 144 : index
        %swap3A_196 = tpu.vector_load %arg9[%swap3A_194, %swap3A_195] {strides = array<i32>} : memref<16x1024xf32, #tpu.memory_space<vmem>>, vector<1x16xf32>,
        %swap3A_197 = vector.shape_cast %swap3A_196 : vector<1x16xf32> to vector<16xf32>
        %swap3A_198 = vector.shape_cast %add3A_193 : vector<16xf32> to vector<1x16xf32>
        tpu.vector_store %arg9[%swap3A_194, %swap3A_195], %swap3A_198 {strides = array<i32>} : memref<16x1024xf32, #tpu.memory_space<vmem>>, vector<1x16xf32>,
        %add3A_199 = arith.addf %add3A_182, %add3A_193 : vector<16xf32>
        %mul3A_200 = arith.mulf %add3A_193, %add3A_193 : vector<16xf32>
        %add3A_201 = arith.addf %add3A_184, %mul3A_200 : vector<16xf32>
        %get3A_202 = arith.index_cast %scan3A_30 : i32 to index
        %get3A_203 = arith.constant 160 : index
        %get3A_204 = tpu.vector_load %arg7[%get3A_202, %get3A_203] {strides = array<i32>} : memref<16x1024xf32, #tpu.memory_space<vmem>>, vector<1x16xf32>,
        %get3A_205 = vector.shape_cast %get3A_204 : vector<1x16xf32> to vector<16xf32>
        %get3A_206 = arith.index_cast %scan3A_30 : i32 to index
        %get3A_207 = arith.constant 160 : index
        %get3A_208 = tpu.vector_load %arg8[%get3A_206, %get3A_207] {strides = array<i32>} : memref<16x1024xf32, #tpu.memory_space<vmem>>, vector<1x16xf32>,
        %get3A_209 = vector.shape_cast %get3A_208 : vector<1x16xf32> to vector<16xf32>
        %add3A_210 = arith.addf %get3A_205, %get3A_209 : vector<16xf32>
        %swap3A_211 = arith.index_cast %scan3A_30 : i32 to index
        %swap3A_212 = arith.constant 160 : index
        %swap3A_213 = tpu.vector_load %arg9[%swap3A_211, %swap3A_212] {strides = array<i32>} : memref<16x1024xf32, #tpu.memory_space<vmem>>, vector<1x16xf32>,
        %swap3A_214 = vector.shape_cast %swap3A_213 : vector<1x16xf32> to vector<16xf32>
        %swap3A_215 = vector.shape_cast %add3A_210 : vector<16xf32> to vector<1x16xf32>
        tpu.vector_store %arg9[%swap3A_211, %swap3A_212], %swap3A_215 {strides = array<i32>} : memref<16x1024xf32, #tpu.memory_space<vmem>>, vector<1x16xf32>,
        %add3A_216 = arith.addf %add3A_199, %add3A_210 : vector<16xf32>
        %mul3A_217 = arith.mulf %add3A_210, %add3A_210 : vector<16xf32>
        %add3A_218 = arith.addf %add3A_201, %mul3A_217 : vector<16xf32>
        %get3A_219 = arith.index_cast %scan3A_30 : i32 to index
        %get3A_220 = arith.constant 176 : index
        %get3A_221 = tpu.vector_load %arg7[%get3A_219, %get3A_220] {strides = array<i32>} : memref<16x1024xf32, #tpu.memory_space<vmem>>, vector<1x16xf32>,
        %get3A_222 = vector.shape_cast %get3A_221 : vector<1x16xf32> to vector<16xf32>
        %get3A_223 = arith.index_cast %scan3A_30 : i32 to index
        %get3A_224 = arith.constant 176 : index
        %get3A_225 = tpu.vector_load %arg8[%get3A_223, %get3A_224] {strides = array<i32>} : memref<16x1024xf32, #tpu.memory_space<vmem>>, vector<1x16xf32>,
        %get3A_226 = vector.shape_cast %get3A_225 : vector<1x16xf32> to vector<16xf32>
        %add3A_227 = arith.addf %get3A_222, %get3A_226 : vector<16xf32>
        %swap3A_228 = arith.index_cast %scan3A_30 : i32 to index
        %swap3A_229 = arith.constant 176 : index
        %swap3A_230 = tpu.vector_load %arg9[%swap3A_228, %swap3A_229] {strides = array<i32>} : memref<16x1024xf32, #tpu.memory_space<vmem>>, vector<1x16xf32>,
        %swap3A_231 = vector.shape_cast %swap3A_230 : vector<1x16xf32> to vector<16xf32>
        %swap3A_232 = vector.shape_cast %add3A_227 : vector<16xf32> to vector<1x16xf32>
        tpu.vector_store %arg9[%swap3A_228, %swap3A_229], %swap3A_232 {strides = array<i32>} : memref<16x1024xf32, #tpu.memory_space<vmem>>, vector<1x16xf32>,
        %add3A_233 = arith.addf %add3A_216, %add3A_227 : vector<16xf32>
        %mul3A_234 = arith.mulf %add3A_227, %add3A_227 : vector<16xf32>
        %add3A_235 = arith.addf %add3A_218, %mul3A_234 : vector<16xf32>
        %get3A_236 = arith.index_cast %scan3A_30 : i32 to index
        %get3A_237 = arith.constant 192 : index
        %get3A_238 = tpu.vector_load %arg7[%get3A_236, %get3A_237] {strides = array<i32>} : memref<16x1024xf32, #tpu.memory_space<vmem>>, vector<1x16xf32>,
        %get3A_239 = vector.shape_cast %get3A_238 : vector<1x16xf32> to vector<16xf32>
        %get3A_240 = arith.index_cast %scan3A_30 : i32 to index
        %get3A_241 = arith.constant 192 : index
        %get3A_242 = tpu.vector_load %arg8[%get3A_240, %get3A_241] {strides = array<i32>} : memref<16x1024xf32, #tpu.memory_space<vmem>>, vector<1x16xf32>,
        %get3A_243 = vector.shape_cast %get3A_242 : vector<1x16xf32> to vector<16xf32>
        %add3A_244 = arith.addf %get3A_239, %get3A_243 : vector<16xf32>
        %swap3A_245 = arith.index_cast %scan3A_30 : i32 to index
        %swap3A_246 = arith.constant 192 : index
        %swap3A_247 = tpu.vector_load %arg9[%swap3A_245, %swap3A_246] {strides = array<i32>} : memref<16x1024xf32, #tpu.memory_space<vmem>>, vector<1x16xf32>,
        %swap3A_248 = vector.shape_cast %swap3A_247 : vector<1x16xf32> to vector<16xf32>
        %swap3A_249 = vector.shape_cast %add3A_244 : vector<16xf32> to vector<1x16xf32>
        tpu.vector_store %arg9[%swap3A_245, %swap3A_246], %swap3A_249 {strides = array<i32>} : memref<16x1024xf32, #tpu.memory_space<vmem>>, vector<1x16xf32>,
        %add3A_250 = arith.addf %add3A_233, %add3A_244 : vector<16xf32>
        %mul3A_251 = arith.mulf %add3A_244, %add3A_244 : vector<16xf32>
        %add3A_252 = arith.addf %add3A_235, %mul3A_251 : vector<16xf32>
        %get3A_253 = arith.index_cast %scan3A_30 : i32 to index
        %get3A_254 = arith.constant 208 : index
        %get3A_255 = tpu.vector_load %arg7[%get3A_253, %get3A_254] {strides = array<i32>} : memref<16x1024xf32, #tpu.memory_space<vmem>>, vector<1x16xf32>,
        %get3A_256 = vector.shape_cast %get3A_255 : vector<1x16xf32> to vector<16xf32>
        %get3A_257 = arith.index_cast %scan3A_30 : i32 to index
        %get3A_258 = arith.constant 208 : index
        %get3A_259 = tpu.vector_load %arg8[%get3A_257, %get3A_258] {strides = array<i32>} : memref<16x1024xf32, #tpu.memory_space<vmem>>, vector<1x16xf32>,
        %get3A_260 = vector.shape_cast %get3A_259 : vector<1x16xf32> to vector<16xf32>
        %add3A_261 = arith.addf %get3A_256, %get3A_260 : vector<16xf32>
        %swap3A_262 = arith.index_cast %scan3A_30 : i32 to index
        %swap3A_263 = arith.constant 208 : index
        %swap3A_264 = tpu.vector_load %arg9[%swap3A_262, %swap3A_263] {strides = array<i32>} : memref<16x1024xf32, #tpu.memory_space<vmem>>, vector<1x16xf32>,
        %swap3A_265 = vector.shape_cast %swap3A_264 : vector<1x16xf32> to vector<16xf32>
        %swap3A_266 = vector.shape_cast %add3A_261 : vector<16xf32> to vector<1x16xf32>
        tpu.vector_store %arg9[%swap3A_262, %swap3A_263], %swap3A_266 {strides = array<i32>} : memref<16x1024xf32, #tpu.memory_space<vmem>>, vector<1x16xf32>,
        %add3A_267 = arith.addf %add3A_250, %add3A_261 : vector<16xf32>
        %mul3A_268 = arith.mulf %add3A_261, %add3A_261 : vector<16xf32>
        %add3A_269 = arith.addf %add3A_252, %mul3A_268 : vector<16xf32>
        %get3A_270 = arith.index_cast %scan3A_30 : i32 to index
        %get3A_271 = arith.constant 224 : index
        %get3A_272 = tpu.vector_load %arg7[%get3A_270, %get3A_271] {strides = array<i32>} : memref<16x1024xf32, #tpu.memory_space<vmem>>, vector<1x16xf32>,
        %get3A_273 = vector.shape_cast %get3A_272 : vector<1x16xf32> to vector<16xf32>
        %get3A_274 = arith.index_cast %scan3A_30 : i32 to index
        %get3A_275 = arith.constant 224 : index
        %get3A_276 = tpu.vector_load %arg8[%get3A_274, %get3A_275] {strides = array<i32>} : memref<16x1024xf32, #tpu.memory_space<vmem>>, vector<1x16xf32>,
        %get3A_277 = vector.shape_cast %get3A_276 : vector<1x16xf32> to vector<16xf32>
        %add3A_278 = arith.addf %get3A_273, %get3A_277 : vector<16xf32>
        %swap3A_279 = arith.index_cast %scan3A_30 : i32 to index
        %swap3A_280 = arith.constant 224 : index
        %swap3A_281 = tpu.vector_load %arg9[%swap3A_279, %swap3A_280] {strides = array<i32>} : memref<16x1024xf32, #tpu.memory_space<vmem>>, vector<1x16xf32>,
        %swap3A_282 = vector.shape_cast %swap3A_281 : vector<1x16xf32> to vector<16xf32>
        %swap3A_283 = vector.shape_cast %add3A_278 : vector<16xf32> to vector<1x16xf32>
        tpu.vector_store %arg9[%swap3A_279, %swap3A_280], %swap3A_283 {strides = array<i32>} : memref<16x1024xf32, #tpu.memory_space<vmem>>, vector<1x16xf32>,
        %add3A_284 = arith.addf %add3A_267, %add3A_278 : vector<16xf32>
        %mul3A_285 = arith.mulf %add3A_278, %add3A_278 : vector<16xf32>
        %add3A_286 = arith.addf %add3A_269, %mul3A_285 : vector<16xf32>
        %get3A_287 = arith.index_cast %scan3A_30 : i32 to index
        %get3A_288 = arith.constant 240 : index
        %get3A_289 = tpu.vector_load %arg7[%get3A_287, %get3A_288] {strides = array<i32>} : memref<16x1024xf32, #tpu.memory_space<vmem>>, vector<1x16xf32>,
        %get3A_290 = vector.shape_cast %get3A_289 : vector<1x16xf32> to vector<16xf32>
        %get3A_291 = arith.index_cast %scan3A_30 : i32 to index
        %get3A_292 = arith.constant 240 : index
        %get3A_293 = tpu.vector_load %arg8[%get3A_291, %get3A_292] {strides = array<i32>} : memref<16x1024xf32, #tpu.memory_space<vmem>>, vector<1x16xf32>,
        %get3A_294 = vector.shape_cast %get3A_293 : vector<1x16xf32> to vector<16xf32>
        %add3A_295 = arith.addf %get3A_290, %get3A_294 : vector<16xf32>
        %swap3A_296 = arith.index_cast %scan3A_30 : i32 to index
        %swap3A_297 = arith.constant 240 : index
        %swap3A_298 = tpu.vector_load %arg9[%swap3A_296, %swap3A_297] {strides = array<i32>} : memref<16x1024xf32, #tpu.memory_space<vmem>>, vector<1x16xf32>,
        %swap3A_299 = vector.shape_cast %swap3A_298 : vector<1x16xf32> to vector<16xf32>
        %swap3A_300 = vector.shape_cast %add3A_295 : vector<16xf32> to vector<1x16xf32>
        tpu.vector_store %arg9[%swap3A_296, %swap3A_297], %swap3A_300 {strides = array<i32>} : memref<16x1024xf32, #tpu.memory_space<vmem>>, vector<1x16xf32>,
        %add3A_301 = arith.addf %add3A_284, %add3A_295 : vector<16xf32>
        %mul3A_302 = arith.mulf %add3A_295, %add3A_295 : vector<16xf32>
        %add3A_303 = arith.addf %add3A_286, %mul3A_302 : vector<16xf32>
        %get3A_304 = arith.index_cast %scan3A_30 : i32 to index
        %get3A_305 = arith.constant 256 : index
        %get3A_306 = tpu.vector_load %arg7[%get3A_304, %get3A_305] {strides = array<i32>} : memref<16x1024xf32, #tpu.memory_space<vmem>>, vector<1x16xf32>,
        %get3A_307 = vector.shape_cast %get3A_306 : vector<1x16xf32> to vector<16xf32>
        %get3A_308 = arith.index_cast %scan3A_30 : i32 to index
        %get3A_309 = arith.constant 256 : index
        %get3A_310 = tpu.vector_load %arg8[%get3A_308, %get3A_309] {strides = array<i32>} : memref<16x1024xf32, #tpu.memory_space<vmem>>, vector<1x16xf32>,
        %get3A_311 = vector.shape_cast %get3A_310 : vector<1x16xf32> to vector<16xf32>
        %add3A_312 = arith.addf %get3A_307, %get3A_311 : vector<16xf32>
        %swap3A_313 = arith.index_cast %scan3A_30 : i32 to index
        %swap3A_314 = arith.constant 256 : index
        %swap3A_315 = tpu.vector_load %arg9[%swap3A_313, %swap3A_314] {strides = array<i32>} : memref<16x1024xf32, #tpu.memory_space<vmem>>, vector<1x16xf32>,
        %swap3A_316 = vector.shape_cast %swap3A_315 : vector<1x16xf32> to vector<16xf32>
        %swap3A_317 = vector.shape_cast %add3A_312 : vector<16xf32> to vector<1x16xf32>
        tpu.vector_store %arg9[%swap3A_313, %swap3A_314], %swap3A_317 {strides = array<i32>} : memref<16x1024xf32, #tpu.memory_space<vmem>>, vector<1x16xf32>,
        %add3A_318 = arith.addf %add3A_301, %add3A_312 : vector<16xf32>
        %mul3A_319 = arith.mulf %add3A_312, %add3A_312 : vector<16xf32>
        %add3A_320 = arith.addf %add3A_303, %mul3A_319 : vector<16xf32>
        %get3A_321 = arith.index_cast %scan3A_30 : i32 to index
        %get3A_322 = arith.constant 272 : index
        %get3A_323 = tpu.vector_load %arg7[%get3A_321, %get3A_322] {strides = array<i32>} : memref<16x1024xf32, #tpu.memory_space<vmem>>, vector<1x16xf32>,
        %get3A_324 = vector.shape_cast %get3A_323 : vector<1x16xf32> to vector<16xf32>
        %get3A_325 = arith.index_cast %scan3A_30 : i32 to index
        %get3A_326 = arith.constant 272 : index
        %get3A_327 = tpu.vector_load %arg8[%get3A_325, %get3A_326] {strides = array<i32>} : memref<16x1024xf32, #tpu.memory_space<vmem>>, vector<1x16xf32>,
        %get3A_328 = vector.shape_cast %get3A_327 : vector<1x16xf32> to vector<16xf32>
        %add3A_329 = arith.addf %get3A_324, %get3A_328 : vector<16xf32>
        %swap3A_330 = arith.index_cast %scan3A_30 : i32 to index
        %swap3A_331 = arith.constant 272 : index
        %swap3A_332 = tpu.vector_load %arg9[%swap3A_330, %swap3A_331] {strides = array<i32>} : memref<16x1024xf32, #tpu.memory_space<vmem>>, vector<1x16xf32>,
        %swap3A_333 = vector.shape_cast %swap3A_332 : vector<1x16xf32> to vector<16xf32>
        %swap3A_334 = vector.shape_cast %add3A_329 : vector<16xf32> to vector<1x16xf32>
        tpu.vector_store %arg9[%swap3A_330, %swap3A_331], %swap3A_334 {strides = array<i32>} : memref<16x1024xf32, #tpu.memory_space<vmem>>, vector<1x16xf32>,
        %add3A_335 = arith.addf %add3A_318, %add3A_329 : vector<16xf32>
        %mul3A_336 = arith.mulf %add3A_329, %add3A_329 : vector<16xf32>
        %add3A_337 = arith.addf %add3A_320, %mul3A_336 : vector<16xf32>
        %get3A_338 = arith.index_cast %scan3A_30 : i32 to index
        %get3A_339 = arith.constant 288 : index
        %get3A_340 = tpu.vector_load %arg7[%get3A_338, %get3A_339] {strides = array<i32>} : memref<16x1024xf32, #tpu.memory_space<vmem>>, vector<1x16xf32>,
        %get3A_341 = vector.shape_cast %get3A_340 : vector<1x16xf32> to vector<16xf32>
        %get3A_342 = arith.index_cast %scan3A_30 : i32 to index
        %get3A_343 = arith.constant 288 : index
        %get3A_344 = tpu.vector_load %arg8[%get3A_342, %get3A_343] {strides = array<i32>} : memref<16x1024xf32, #tpu.memory_space<vmem>>, vector<1x16xf32>,
        %get3A_345 = vector.shape_cast %get3A_344 : vector<1x16xf32> to vector<16xf32>
        %add3A_346 = arith.addf %get3A_341, %get3A_345 : vector<16xf32>
        %swap3A_347 = arith.index_cast %scan3A_30 : i32 to index
        %swap3A_348 = arith.constant 288 : index
        %swap3A_349 = tpu.vector_load %arg9[%swap3A_347, %swap3A_348] {strides = array<i32>} : memref<16x1024xf32, #tpu.memory_space<vmem>>, vector<1x16xf32>,
        %swap3A_350 = vector.shape_cast %swap3A_349 : vector<1x16xf32> to vector<16xf32>
        %swap3A_351 = vector.shape_cast %add3A_346 : vector<16xf32> to vector<1x16xf32>
        tpu.vector_store %arg9[%swap3A_347, %swap3A_348], %swap3A_351 {strides = array<i32>} : memref<16x1024xf32, #tpu.memory_space<vmem>>, vector<1x16xf32>,
        %add3A_352 = arith.addf %add3A_335, %add3A_346 : vector<16xf32>
        %mul3A_353 = arith.mulf %add3A_346, %add3A_346 : vector<16xf32>
        %add3A_354 = arith.addf %add3A_337, %mul3A_353 : vector<16xf32>
        %get3A_355 = arith.index_cast %scan3A_30 : i32 to index
        %get3A_356 = arith.constant 304 : index
        %get3A_357 = tpu.vector_load %arg7[%get3A_355, %get3A_356] {strides = array<i32>} : memref<16x1024xf32, #tpu.memory_space<vmem>>, vector<1x16xf32>,
        %get3A_358 = vector.shape_cast %get3A_357 : vector<1x16xf32> to vector<16xf32>
        %get3A_359 = arith.index_cast %scan3A_30 : i32 to index
        %get3A_360 = arith.constant 304 : index
        %get3A_361 = tpu.vector_load %arg8[%get3A_359, %get3A_360] {strides = array<i32>} : memref<16x1024xf32, #tpu.memory_space<vmem>>, vector<1x16xf32>,
        %get3A_362 = vector.shape_cast %get3A_361 : vector<1x16xf32> to vector<16xf32>
        %add3A_363 = arith.addf %get3A_358, %get3A_362 : vector<16xf32>
        %swap3A_364 = arith.index_cast %scan3A_30 : i32 to index
        %swap3A_365 = arith.constant 304 : index
        %swap3A_366 = tpu.vector_load %arg9[%swap3A_364, %swap3A_365] {strides = array<i32>} : memref<16x1024xf32, #tpu.memory_space<vmem>>, vector<1x16xf32>,
        %swap3A_367 = vector.shape_cast %swap3A_366 : vector<1x16xf32> to vector<16xf32>
        %swap3A_368 = vector.shape_cast %add3A_363 : vector<16xf32> to vector<1x16xf32>
        tpu.vector_store %arg9[%swap3A_364, %swap3A_365], %swap3A_368 {strides = array<i32>} : memref<16x1024xf32, #tpu.memory_space<vmem>>, vector<1x16xf32>,
        %add3A_369 = arith.addf %add3A_352, %add3A_363 : vector<16xf32>
        %mul3A_370 = arith.mulf %add3A_363, %add3A_363 : vector<16xf32>
        %add3A_371 = arith.addf %add3A_354, %mul3A_370 : vector<16xf32>
        %get3A_372 = arith.index_cast %scan3A_30 : i32 to index
        %get3A_373 = arith.constant 320 : index
        %get3A_374 = tpu.vector_load %arg7[%get3A_372, %get3A_373] {strides = array<i32>} : memref<16x1024xf32, #tpu.memory_space<vmem>>, vector<1x16xf32>,
        %get3A_375 = vector.shape_cast %get3A_374 : vector<1x16xf32> to vector<16xf32>
        %get3A_376 = arith.index_cast %scan3A_30 : i32 to index
        %get3A_377 = arith.constant 320 : index
        %get3A_378 = tpu.vector_load %arg8[%get3A_376, %get3A_377] {strides = array<i32>} : memref<16x1024xf32, #tpu.memory_space<vmem>>, vector<1x16xf32>,
        %get3A_379 = vector.shape_cast %get3A_378 : vector<1x16xf32> to vector<16xf32>
        %add3A_380 = arith.addf %get3A_375, %get3A_379 : vector<16xf32>
        %swap3A_381 = arith.index_cast %scan3A_30 : i32 to index
        %swap3A_382 = arith.constant 320 : index
        %swap3A_383 = tpu.vector_load %arg9[%swap3A_381, %swap3A_382] {strides = array<i32>} : memref<16x1024xf32, #tpu.memory_space<vmem>>, vector<1x16xf32>,
        %swap3A_384 = vector.shape_cast %swap3A_383 : vector<1x16xf32> to vector<16xf32>
        %swap3A_385 = vector.shape_cast %add3A_380 : vector<16xf32> to vector<1x16xf32>
        tpu.vector_store %arg9[%swap3A_381, %swap3A_382], %swap3A_385 {strides = array<i32>} : memref<16x1024xf32, #tpu.memory_space<vmem>>, vector<1x16xf32>,
        %add3A_386 = arith.addf %add3A_369, %add3A_380 : vector<16xf32>
        %mul3A_387 = arith.mulf %add3A_380, %add3A_380 : vector<16xf32>
        %add3A_388 = arith.addf %add3A_371, %mul3A_387 : vector<16xf32>
        %get3A_389 = arith.index_cast %scan3A_30 : i32 to index
        %get3A_390 = arith.constant 336 : index
        %get3A_391 = tpu.vector_load %arg7[%get3A_389, %get3A_390] {strides = array<i32>} : memref<16x1024xf32, #tpu.memory_space<vmem>>, vector<1x16xf32>,
        %get3A_392 = vector.shape_cast %get3A_391 : vector<1x16xf32> to vector<16xf32>
        %get3A_393 = arith.index_cast %scan3A_30 : i32 to index
        %get3A_394 = arith.constant 336 : index
        %get3A_395 = tpu.vector_load %arg8[%get3A_393, %get3A_394] {strides = array<i32>} : memref<16x1024xf32, #tpu.memory_space<vmem>>, vector<1x16xf32>,
        %get3A_396 = vector.shape_cast %get3A_395 : vector<1x16xf32> to vector<16xf32>
        %add3A_397 = arith.addf %get3A_392, %get3A_396 : vector<16xf32>
        %swap3A_398 = arith.index_cast %scan3A_30 : i32 to index
        %swap3A_399 = arith.constant 336 : index
        %swap3A_400 = tpu.vector_load %arg9[%swap3A_398, %swap3A_399] {strides = array<i32>} : memref<16x1024xf32, #tpu.memory_space<vmem>>, vector<1x16xf32>,
        %swap3A_401 = vector.shape_cast %swap3A_400 : vector<1x16xf32> to vector<16xf32>
        %swap3A_402 = vector.shape_cast %add3A_397 : vector<16xf32> to vector<1x16xf32>
        tpu.vector_store %arg9[%swap3A_398, %swap3A_399], %swap3A_402 {strides = array<i32>} : memref<16x1024xf32, #tpu.memory_space<vmem>>, vector<1x16xf32>,
        %add3A_403 = arith.addf %add3A_386, %add3A_397 : vector<16xf32>
        %mul3A_404 = arith.mulf %add3A_397, %add3A_397 : vector<16xf32>
        %add3A_405 = arith.addf %add3A_388, %mul3A_404 : vector<16xf32>
        %get3A_406 = arith.index_cast %scan3A_30 : i32 to index
        %get3A_407 = arith.constant 352 : index
        %get3A_408 = tpu.vector_load %arg7[%get3A_406, %get3A_407] {strides = array<i32>} : memref<16x1024xf32, #tpu.memory_space<vmem>>, vector<1x16xf32>,
        %get3A_409 = vector.shape_cast %get3A_408 : vector<1x16xf32> to vector<16xf32>
        %get3A_410 = arith.index_cast %scan3A_30 : i32 to index
        %get3A_411 = arith.constant 352 : index
        %get3A_412 = tpu.vector_load %arg8[%get3A_410, %get3A_411] {strides = array<i32>} : memref<16x1024xf32, #tpu.memory_space<vmem>>, vector<1x16xf32>,
        %get3A_413 = vector.shape_cast %get3A_412 : vector<1x16xf32> to vector<16xf32>
        %add3A_414 = arith.addf %get3A_409, %get3A_413 : vector<16xf32>
        %swap3A_415 = arith.index_cast %scan3A_30 : i32 to index
        %swap3A_416 = arith.constant 352 : index
        %swap3A_417 = tpu.vector_load %arg9[%swap3A_415, %swap3A_416] {strides = array<i32>} : memref<16x1024xf32, #tpu.memory_space<vmem>>, vector<1x16xf32>,
        %swap3A_418 = vector.shape_cast %swap3A_417 : vector<1x16xf32> to vector<16xf32>
        %swap3A_419 = vector.shape_cast %add3A_414 : vector<16xf32> to vector<1x16xf32>
        tpu.vector_store %arg9[%swap3A_415, %swap3A_416], %swap3A_419 {strides = array<i32>} : memref<16x1024xf32, #tpu.memory_space<vmem>>, vector<1x16xf32>,
        %add3A_420 = arith.addf %add3A_403, %add3A_414 : vector<16xf32>
        %mul3A_421 = arith.mulf %add3A_414, %add3A_414 : vector<16xf32>
        %add3A_422 = arith.addf %add3A_405, %mul3A_421 : vector<16xf32>
        %get3A_423 = arith.index_cast %scan3A_30 : i32 to index
        %get3A_424 = arith.constant 368 : index
        %get3A_425 = tpu.vector_load %arg7[%get3A_423, %get3A_424] {strides = array<i32>} : memref<16x1024xf32, #tpu.memory_space<vmem>>, vector<1x16xf32>,
        %get3A_426 = vector.shape_cast %get3A_425 : vector<1x16xf32> to vector<16xf32>
        %get3A_427 = arith.index_cast %scan3A_30 : i32 to index
        %get3A_428 = arith.constant 368 : index
        %get3A_429 = tpu.vector_load %arg8[%get3A_427, %get3A_428] {strides = array<i32>} : memref<16x1024xf32, #tpu.memory_space<vmem>>, vector<1x16xf32>,
        %get3A_430 = vector.shape_cast %get3A_429 : vector<1x16xf32> to vector<16xf32>
        %add3A_431 = arith.addf %get3A_426, %get3A_430 : vector<16xf32>
        %swap3A_432 = arith.index_cast %scan3A_30 : i32 to index
        %swap3A_433 = arith.constant 368 : index
        %swap3A_434 = tpu.vector_load %arg9[%swap3A_432, %swap3A_433] {strides = array<i32>} : memref<16x1024xf32, #tpu.memory_space<vmem>>, vector<1x16xf32>,
        %swap3A_435 = vector.shape_cast %swap3A_434 : vector<1x16xf32> to vector<16xf32>
        %swap3A_436 = vector.shape_cast %add3A_431 : vector<16xf32> to vector<1x16xf32>
        tpu.vector_store %arg9[%swap3A_432, %swap3A_433], %swap3A_436 {strides = array<i32>} : memref<16x1024xf32, #tpu.memory_space<vmem>>, vector<1x16xf32>,
        %add3A_437 = arith.addf %add3A_420, %add3A_431 : vector<16xf32>
        %mul3A_438 = arith.mulf %add3A_431, %add3A_431 : vector<16xf32>
        %add3A_439 = arith.addf %add3A_422, %mul3A_438 : vector<16xf32>
        %get3A_440 = arith.index_cast %scan3A_30 : i32 to index
        %get3A_441 = arith.constant 384 : index
        %get3A_442 = tpu.vector_load %arg7[%get3A_440, %get3A_441] {strides = array<i32>} : memref<16x1024xf32, #tpu.memory_space<vmem>>, vector<1x16xf32>,
        %get3A_443 = vector.shape_cast %get3A_442 : vector<1x16xf32> to vector<16xf32>
        %get3A_444 = arith.index_cast %scan3A_30 : i32 to index
        %get3A_445 = arith.constant 384 : index
        %get3A_446 = tpu.vector_load %arg8[%get3A_444, %get3A_445] {strides = array<i32>} : memref<16x1024xf32, #tpu.memory_space<vmem>>, vector<1x16xf32>,
        %get3A_447 = vector.shape_cast %get3A_446 : vector<1x16xf32> to vector<16xf32>
        %add3A_448 = arith.addf %get3A_443, %get3A_447 : vector<16xf32>
        %swap3A_449 = arith.index_cast %scan3A_30 : i32 to index
        %swap3A_450 = arith.constant 384 : index
        %swap3A_451 = tpu.vector_load %arg9[%swap3A_449, %swap3A_450] {strides = array<i32>} : memref<16x1024xf32, #tpu.memory_space<vmem>>, vector<1x16xf32>,
        %swap3A_452 = vector.shape_cast %swap3A_451 : vector<1x16xf32> to vector<16xf32>
        %swap3A_453 = vector.shape_cast %add3A_448 : vector<16xf32> to vector<1x16xf32>
        tpu.vector_store %arg9[%swap3A_449, %swap3A_450], %swap3A_453 {strides = array<i32>} : memref<16x1024xf32, #tpu.memory_space<vmem>>, vector<1x16xf32>,
        %add3A_454 = arith.addf %add3A_437, %add3A_448 : vector<16xf32>
        %mul3A_455 = arith.mulf %add3A_448, %add3A_448 : vector<16xf32>
        %add3A_456 = arith.addf %add3A_439, %mul3A_455 : vector<16xf32>
        %get3A_457 = arith.index_cast %scan3A_30 : i32 to index
        %get3A_458 = arith.constant 400 : index
        %get3A_459 = tpu.vector_load %arg7[%get3A_457, %get3A_458] {strides = array<i32>} : memref<16x1024xf32, #tpu.memory_space<vmem>>, vector<1x16xf32>,
        %get3A_460 = vector.shape_cast %get3A_459 : vector<1x16xf32> to vector<16xf32>
        %get3A_461 = arith.index_cast %scan3A_30 : i32 to index
        %get3A_462 = arith.constant 400 : index
        %get3A_463 = tpu.vector_load %arg8[%get3A_461, %get3A_462] {strides = array<i32>} : memref<16x1024xf32, #tpu.memory_space<vmem>>, vector<1x16xf32>,
        %get3A_464 = vector.shape_cast %get3A_463 : vector<1x16xf32> to vector<16xf32>
        %add3A_465 = arith.addf %get3A_460, %get3A_464 : vector<16xf32>
        %swap3A_466 = arith.index_cast %scan3A_30 : i32 to index
        %swap3A_467 = arith.constant 400 : index
        %swap3A_468 = tpu.vector_load %arg9[%swap3A_466, %swap3A_467] {strides = array<i32>} : memref<16x1024xf32, #tpu.memory_space<vmem>>, vector<1x16xf32>,
        %swap3A_469 = vector.shape_cast %swap3A_468 : vector<1x16xf32> to vector<16xf32>
        %swap3A_470 = vector.shape_cast %add3A_465 : vector<16xf32> to vector<1x16xf32>
        tpu.vector_store %arg9[%swap3A_466, %swap3A_467], %swap3A_470 {strides = array<i32>} : memref<16x1024xf32, #tpu.memory_space<vmem>>, vector<1x16xf32>,
        %add3A_471 = arith.addf %add3A_454, %add3A_465 : vector<16xf32>
        %mul3A_472 = arith.mulf %add3A_465, %add3A_465 : vector<16xf32>
        %add3A_473 = arith.addf %add3A_456, %mul3A_472 : vector<16xf32>
        %get3A_474 = arith.index_cast %scan3A_30 : i32 to index
        %get3A_475 = arith.constant 416 : index
        %get3A_476 = tpu.vector_load %arg7[%get3A_474, %get3A_475] {strides = array<i32>} : memref<16x1024xf32, #tpu.memory_space<vmem>>, vector<1x16xf32>,
        %get3A_477 = vector.shape_cast %get3A_476 : vector<1x16xf32> to vector<16xf32>
        %get3A_478 = arith.index_cast %scan3A_30 : i32 to index
        %get3A_479 = arith.constant 416 : index
        %get3A_480 = tpu.vector_load %arg8[%get3A_478, %get3A_479] {strides = array<i32>} : memref<16x1024xf32, #tpu.memory_space<vmem>>, vector<1x16xf32>,
        %get3A_481 = vector.shape_cast %get3A_480 : vector<1x16xf32> to vector<16xf32>
        %add3A_482 = arith.addf %get3A_477, %get3A_481 : vector<16xf32>
        %swap3A_483 = arith.index_cast %scan3A_30 : i32 to index
        %swap3A_484 = arith.constant 416 : index
        %swap3A_485 = tpu.vector_load %arg9[%swap3A_483, %swap3A_484] {strides = array<i32>} : memref<16x1024xf32, #tpu.memory_space<vmem>>, vector<1x16xf32>,
        %swap3A_486 = vector.shape_cast %swap3A_485 : vector<1x16xf32> to vector<16xf32>
        %swap3A_487 = vector.shape_cast %add3A_482 : vector<16xf32> to vector<1x16xf32>
        tpu.vector_store %arg9[%swap3A_483, %swap3A_484], %swap3A_487 {strides = array<i32>} : memref<16x1024xf32, #tpu.memory_space<vmem>>, vector<1x16xf32>,
        %add3A_488 = arith.addf %add3A_471, %add3A_482 : vector<16xf32>
        %mul3A_489 = arith.mulf %add3A_482, %add3A_482 : vector<16xf32>
        %add3A_490 = arith.addf %add3A_473, %mul3A_489 : vector<16xf32>
        %get3A_491 = arith.index_cast %scan3A_30 : i32 to index
        %get3A_492 = arith.constant 432 : index
        %get3A_493 = tpu.vector_load %arg7[%get3A_491, %get3A_492] {strides = array<i32>} : memref<16x1024xf32, #tpu.memory_space<vmem>>, vector<1x16xf32>,
        %get3A_494 = vector.shape_cast %get3A_493 : vector<1x16xf32> to vector<16xf32>
        %get3A_495 = arith.index_cast %scan3A_30 : i32 to index
        %get3A_496 = arith.constant 432 : index
        %get3A_497 = tpu.vector_load %arg8[%get3A_495, %get3A_496] {strides = array<i32>} : memref<16x1024xf32, #tpu.memory_space<vmem>>, vector<1x16xf32>,
        %get3A_498 = vector.shape_cast %get3A_497 : vector<1x16xf32> to vector<16xf32>
        %add3A_499 = arith.addf %get3A_494, %get3A_498 : vector<16xf32>
        %swap3A_500 = arith.index_cast %scan3A_30 : i32 to index
        %swap3A_501 = arith.constant 432 : index
        %swap3A_502 = tpu.vector_load %arg9[%swap3A_500, %swap3A_501] {strides = array<i32>} : memref<16x1024xf32, #tpu.memory_space<vmem>>, vector<1x16xf32>,
        %swap3A_503 = vector.shape_cast %swap3A_502 : vector<1x16xf32> to vector<16xf32>
        %swap3A_504 = vector.shape_cast %add3A_499 : vector<16xf32> to vector<1x16xf32>
        tpu.vector_store %arg9[%swap3A_500, %swap3A_501], %swap3A_504 {strides = array<i32>} : memref<16x1024xf32, #tpu.memory_space<vmem>>, vector<1x16xf32>,
        %add3A_505 = arith.addf %add3A_488, %add3A_499 : vector<16xf32>
        %mul3A_506 = arith.mulf %add3A_499, %add3A_499 : vector<16xf32>
        %add3A_507 = arith.addf %add3A_490, %mul3A_506 : vector<16xf32>
        %get3A_508 = arith.index_cast %scan3A_30 : i32 to index
        %get3A_509 = arith.constant 448 : index
        %get3A_510 = tpu.vector_load %arg7[%get3A_508, %get3A_509] {strides = array<i32>} : memref<16x1024xf32, #tpu.memory_space<vmem>>, vector<1x16xf32>,
        %get3A_511 = vector.shape_cast %get3A_510 : vector<1x16xf32> to vector<16xf32>
        %get3A_512 = arith.index_cast %scan3A_30 : i32 to index
        %get3A_513 = arith.constant 448 : index
        %get3A_514 = tpu.vector_load %arg8[%get3A_512, %get3A_513] {strides = array<i32>} : memref<16x1024xf32, #tpu.memory_space<vmem>>, vector<1x16xf32>,
        %get3A_515 = vector.shape_cast %get3A_514 : vector<1x16xf32> to vector<16xf32>
        %add3A_516 = arith.addf %get3A_511, %get3A_515 : vector<16xf32>
        %swap3A_517 = arith.index_cast %scan3A_30 : i32 to index
        %swap3A_518 = arith.constant 448 : index
        %swap3A_519 = tpu.vector_load %arg9[%swap3A_517, %swap3A_518] {strides = array<i32>} : memref<16x1024xf32, #tpu.memory_space<vmem>>, vector<1x16xf32>,
        %swap3A_520 = vector.shape_cast %swap3A_519 : vector<1x16xf32> to vector<16xf32>
        %swap3A_521 = vector.shape_cast %add3A_516 : vector<16xf32> to vector<1x16xf32>
        tpu.vector_store %arg9[%swap3A_517, %swap3A_518], %swap3A_521 {strides = array<i32>} : memref<16x1024xf32, #tpu.memory_space<vmem>>, vector<1x16xf32>,
        %add3A_522 = arith.addf %add3A_505, %add3A_516 : vector<16xf32>
        %mul3A_523 = arith.mulf %add3A_516, %add3A_516 : vector<16xf32>
        %add3A_524 = arith.addf %add3A_507, %mul3A_523 : vector<16xf32>
        %get3A_525 = arith.index_cast %scan3A_30 : i32 to index
        %get3A_526 = arith.constant 464 : index
        %get3A_527 = tpu.vector_load %arg7[%get3A_525, %get3A_526] {strides = array<i32>} : memref<16x1024xf32, #tpu.memory_space<vmem>>, vector<1x16xf32>,
        %get3A_528 = vector.shape_cast %get3A_527 : vector<1x16xf32> to vector<16xf32>
        %get3A_529 = arith.index_cast %scan3A_30 : i32 to index
        %get3A_530 = arith.constant 464 : index
        %get3A_531 = tpu.vector_load %arg8[%get3A_529, %get3A_530] {strides = array<i32>} : memref<16x1024xf32, #tpu.memory_space<vmem>>, vector<1x16xf32>,
        %get3A_532 = vector.shape_cast %get3A_531 : vector<1x16xf32> to vector<16xf32>
        %add3A_533 = arith.addf %get3A_528, %get3A_532 : vector<16xf32>
        %swap3A_534 = arith.index_cast %scan3A_30 : i32 to index
        %swap3A_535 = arith.constant 464 : index
        %swap3A_536 = tpu.vector_load %arg9[%swap3A_534, %swap3A_535] {strides = array<i32>} : memref<16x1024xf32, #tpu.memory_space<vmem>>, vector<1x16xf32>,
        %swap3A_537 = vector.shape_cast %swap3A_536 : vector<1x16xf32> to vector<16xf32>
        %swap3A_538 = vector.shape_cast %add3A_533 : vector<16xf32> to vector<1x16xf32>
        tpu.vector_store %arg9[%swap3A_534, %swap3A_535], %swap3A_538 {strides = array<i32>} : memref<16x1024xf32, #tpu.memory_space<vmem>>, vector<1x16xf32>,
        %add3A_539 = arith.addf %add3A_522, %add3A_533 : vector<16xf32>
        %mul3A_540 = arith.mulf %add3A_533, %add3A_533 : vector<16xf32>
        %add3A_541 = arith.addf %add3A_524, %mul3A_540 : vector<16xf32>
        %get3A_542 = arith.index_cast %scan3A_30 : i32 to index
        %get3A_543 = arith.constant 480 : index
        %get3A_544 = tpu.vector_load %arg7[%get3A_542, %get3A_543] {strides = array<i32>} : memref<16x1024xf32, #tpu.memory_space<vmem>>, vector<1x16xf32>,
        %get3A_545 = vector.shape_cast %get3A_544 : vector<1x16xf32> to vector<16xf32>
        %get3A_546 = arith.index_cast %scan3A_30 : i32 to index
        %get3A_547 = arith.constant 480 : index
        %get3A_548 = tpu.vector_load %arg8[%get3A_546, %get3A_547] {strides = array<i32>} : memref<16x1024xf32, #tpu.memory_space<vmem>>, vector<1x16xf32>,
        %get3A_549 = vector.shape_cast %get3A_548 : vector<1x16xf32> to vector<16xf32>
        %add3A_550 = arith.addf %get3A_545, %get3A_549 : vector<16xf32>
        %swap3A_551 = arith.index_cast %scan3A_30 : i32 to index
        %swap3A_552 = arith.constant 480 : index
        %swap3A_553 = tpu.vector_load %arg9[%swap3A_551, %swap3A_552] {strides = array<i32>} : memref<16x1024xf32, #tpu.memory_space<vmem>>, vector<1x16xf32>,
        %swap3A_554 = vector.shape_cast %swap3A_553 : vector<1x16xf32> to vector<16xf32>
        %swap3A_555 = vector.shape_cast %add3A_550 : vector<16xf32> to vector<1x16xf32>
        tpu.vector_store %arg9[%swap3A_551, %swap3A_552], %swap3A_555 {strides = array<i32>} : memref<16x1024xf32, #tpu.memory_space<vmem>>, vector<1x16xf32>,
        %add3A_556 = arith.addf %add3A_539, %add3A_550 : vector<16xf32>
        %mul3A_557 = arith.mulf %add3A_550, %add3A_550 : vector<16xf32>
        %add3A_558 = arith.addf %add3A_541, %mul3A_557 : vector<16xf32>
        %get3A_559 = arith.index_cast %scan3A_30 : i32 to index
        %get3A_560 = arith.constant 496 : index
        %get3A_561 = tpu.vector_load %arg7[%get3A_559, %get3A_560] {strides = array<i32>} : memref<16x1024xf32, #tpu.memory_space<vmem>>, vector<1x16xf32>,
        %get3A_562 = vector.shape_cast %get3A_561 : vector<1x16xf32> to vector<16xf32>
        %get3A_563 = arith.index_cast %scan3A_30 : i32 to index
        %get3A_564 = arith.constant 496 : index
        %get3A_565 = tpu.vector_load %arg8[%get3A_563, %get3A_564] {strides = array<i32>} : memref<16x1024xf32, #tpu.memory_space<vmem>>, vector<1x16xf32>,
        %get3A_566 = vector.shape_cast %get3A_565 : vector<1x16xf32> to vector<16xf32>
        %add3A_567 = arith.addf %get3A_562, %get3A_566 : vector<16xf32>
        %swap3A_568 = arith.index_cast %scan3A_30 : i32 to index
        %swap3A_569 = arith.constant 496 : index
        %swap3A_570 = tpu.vector_load %arg9[%swap3A_568, %swap3A_569] {strides = array<i32>} : memref<16x1024xf32, #tpu.memory_space<vmem>>, vector<1x16xf32>,
        %swap3A_571 = vector.shape_cast %swap3A_570 : vector<1x16xf32> to vector<16xf32>
        %swap3A_572 = vector.shape_cast %add3A_567 : vector<16xf32> to vector<1x16xf32>
        tpu.vector_store %arg9[%swap3A_568, %swap3A_569], %swap3A_572 {strides = array<i32>} : memref<16x1024xf32, #tpu.memory_space<vmem>>, vector<1x16xf32>,
        %add3A_573 = arith.addf %add3A_556, %add3A_567 : vector<16xf32>
        %mul3A_574 = arith.mulf %add3A_567, %add3A_567 : vector<16xf32>
        %add3A_575 = arith.addf %add3A_558, %mul3A_574 : vector<16xf32>
        %get3A_576 = arith.index_cast %scan3A_30 : i32 to index
        %get3A_577 = arith.constant 512 : index
        %get3A_578 = tpu.vector_load %arg7[%get3A_576, %get3A_577] {strides = array<i32>} : memref<16x1024xf32, #tpu.memory_space<vmem>>, vector<1x16xf32>,
        %get3A_579 = vector.shape_cast %get3A_578 : vector<1x16xf32> to vector<16xf32>
        %get3A_580 = arith.index_cast %scan3A_30 : i32 to index
        %get3A_581 = arith.constant 512 : index
        %get3A_582 = tpu.vector_load %arg8[%get3A_580, %get3A_581] {strides = array<i32>} : memref<16x1024xf32, #tpu.memory_space<vmem>>, vector<1x16xf32>,
        %get3A_583 = vector.shape_cast %get3A_582 : vector<1x16xf32> to vector<16xf32>
        %add3A_584 = arith.addf %get3A_579, %get3A_583 : vector<16xf32>
        %swap3A_585 = arith.index_cast %scan3A_30 : i32 to index
        %swap3A_586 = arith.constant 512 : index
        %swap3A_587 = tpu.vector_load %arg9[%swap3A_585, %swap3A_586] {strides = array<i32>} : memref<16x1024xf32, #tpu.memory_space<vmem>>, vector<1x16xf32>,
        %swap3A_588 = vector.shape_cast %swap3A_587 : vector<1x16xf32> to vector<16xf32>
        %swap3A_589 = vector.shape_cast %add3A_584 : vector<16xf32> to vector<1x16xf32>
        tpu.vector_store %arg9[%swap3A_585, %swap3A_586], %swap3A_589 {strides = array<i32>} : memref<16x1024xf32, #tpu.memory_space<vmem>>, vector<1x16xf32>,
        %add3A_590 = arith.addf %add3A_573, %add3A_584 : vector<16xf32>
        %mul3A_591 = arith.mulf %add3A_584, %add3A_584 : vector<16xf32>
        %add3A_592 = arith.addf %add3A_575, %mul3A_591 : vector<16xf32>
        %get3A_593 = arith.index_cast %scan3A_30 : i32 to index
        %get3A_594 = arith.constant 528 : index
        %get3A_595 = tpu.vector_load %arg7[%get3A_593, %get3A_594] {strides = array<i32>} : memref<16x1024xf32, #tpu.memory_space<vmem>>, vector<1x16xf32>,
        %get3A_596 = vector.shape_cast %get3A_595 : vector<1x16xf32> to vector<16xf32>
        %get3A_597 = arith.index_cast %scan3A_30 : i32 to index
        %get3A_598 = arith.constant 528 : index
        %get3A_599 = tpu.vector_load %arg8[%get3A_597, %get3A_598] {strides = array<i32>} : memref<16x1024xf32, #tpu.memory_space<vmem>>, vector<1x16xf32>,
        %get3A_600 = vector.shape_cast %get3A_599 : vector<1x16xf32> to vector<16xf32>
        %add3A_601 = arith.addf %get3A_596, %get3A_600 : vector<16xf32>
        %swap3A_602 = arith.index_cast %scan3A_30 : i32 to index
        %swap3A_603 = arith.constant 528 : index
        %swap3A_604 = tpu.vector_load %arg9[%swap3A_602, %swap3A_603] {strides = array<i32>} : memref<16x1024xf32, #tpu.memory_space<vmem>>, vector<1x16xf32>,
        %swap3A_605 = vector.shape_cast %swap3A_604 : vector<1x16xf32> to vector<16xf32>
        %swap3A_606 = vector.shape_cast %add3A_601 : vector<16xf32> to vector<1x16xf32>
        tpu.vector_store %arg9[%swap3A_602, %swap3A_603], %swap3A_606 {strides = array<i32>} : memref<16x1024xf32, #tpu.memory_space<vmem>>, vector<1x16xf32>,
        %add3A_607 = arith.addf %add3A_590, %add3A_601 : vector<16xf32>
        %mul3A_608 = arith.mulf %add3A_601, %add3A_601 : vector<16xf32>
        %add3A_609 = arith.addf %add3A_592, %mul3A_608 : vector<16xf32>
        %get3A_610 = arith.index_cast %scan3A_30 : i32 to index
        %get3A_611 = arith.constant 544 : index
        %get3A_612 = tpu.vector_load %arg7[%get3A_610, %get3A_611] {strides = array<i32>} : memref<16x1024xf32, #tpu.memory_space<vmem>>, vector<1x16xf32>,
        %get3A_613 = vector.shape_cast %get3A_612 : vector<1x16xf32> to vector<16xf32>
        %get3A_614 = arith.index_cast %scan3A_30 : i32 to index
        %get3A_615 = arith.constant 544 : index
        %get3A_616 = tpu.vector_load %arg8[%get3A_614, %get3A_615] {strides = array<i32>} : memref<16x1024xf32, #tpu.memory_space<vmem>>, vector<1x16xf32>,
        %get3A_617 = vector.shape_cast %get3A_616 : vector<1x16xf32> to vector<16xf32>
        %add3A_618 = arith.addf %get3A_613, %get3A_617 : vector<16xf32>
        %swap3A_619 = arith.index_cast %scan3A_30 : i32 to index
        %swap3A_620 = arith.constant 544 : index
        %swap3A_621 = tpu.vector_load %arg9[%swap3A_619, %swap3A_620] {strides = array<i32>} : memref<16x1024xf32, #tpu.memory_space<vmem>>, vector<1x16xf32>,
        %swap3A_622 = vector.shape_cast %swap3A_621 : vector<1x16xf32> to vector<16xf32>
        %swap3A_623 = vector.shape_cast %add3A_618 : vector<16xf32> to vector<1x16xf32>
        tpu.vector_store %arg9[%swap3A_619, %swap3A_620], %swap3A_623 {strides = array<i32>} : memref<16x1024xf32, #tpu.memory_space<vmem>>, vector<1x16xf32>,
        %add3A_624 = arith.addf %add3A_607, %add3A_618 : vector<16xf32>
        %mul3A_625 = arith.mulf %add3A_618, %add3A_618 : vector<16xf32>
        %add3A_626 = arith.addf %add3A_609, %mul3A_625 : vector<16xf32>
        %get3A_627 = arith.index_cast %scan3A_30 : i32 to index
        %get3A_628 = arith.constant 560 : index
        %get3A_629 = tpu.vector_load %arg7[%get3A_627, %get3A_628] {strides = array<i32>} : memref<16x1024xf32, #tpu.memory_space<vmem>>, vector<1x16xf32>,
        %get3A_630 = vector.shape_cast %get3A_629 : vector<1x16xf32> to vector<16xf32>
        %get3A_631 = arith.index_cast %scan3A_30 : i32 to index
        %get3A_632 = arith.constant 560 : index
        %get3A_633 = tpu.vector_load %arg8[%get3A_631, %get3A_632] {strides = array<i32>} : memref<16x1024xf32, #tpu.memory_space<vmem>>, vector<1x16xf32>,
        %get3A_634 = vector.shape_cast %get3A_633 : vector<1x16xf32> to vector<16xf32>
        %add3A_635 = arith.addf %get3A_630, %get3A_634 : vector<16xf32>
        %swap3A_636 = arith.index_cast %scan3A_30 : i32 to index
        %swap3A_637 = arith.constant 560 : index
        %swap3A_638 = tpu.vector_load %arg9[%swap3A_636, %swap3A_637] {strides = array<i32>} : memref<16x1024xf32, #tpu.memory_space<vmem>>, vector<1x16xf32>,
        %swap3A_639 = vector.shape_cast %swap3A_638 : vector<1x16xf32> to vector<16xf32>
        %swap3A_640 = vector.shape_cast %add3A_635 : vector<16xf32> to vector<1x16xf32>
        tpu.vector_store %arg9[%swap3A_636, %swap3A_637], %swap3A_640 {strides = array<i32>} : memref<16x1024xf32, #tpu.memory_space<vmem>>, vector<1x16xf32>,
        %add3A_641 = arith.addf %add3A_624, %add3A_635 : vector<16xf32>
        %mul3A_642 = arith.mulf %add3A_635, %add3A_635 : vector<16xf32>
        %add3A_643 = arith.addf %add3A_626, %mul3A_642 : vector<16xf32>
        %get3A_644 = arith.index_cast %scan3A_30 : i32 to index
        %get3A_645 = arith.constant 576 : index
        %get3A_646 = tpu.vector_load %arg7[%get3A_644, %get3A_645] {strides = array<i32>} : memref<16x1024xf32, #tpu.memory_space<vmem>>, vector<1x16xf32>,
        %get3A_647 = vector.shape_cast %get3A_646 : vector<1x16xf32> to vector<16xf32>
        %get3A_648 = arith.index_cast %scan3A_30 : i32 to index
        %get3A_649 = arith.constant 576 : index
        %get3A_650 = tpu.vector_load %arg8[%get3A_648, %get3A_649] {strides = array<i32>} : memref<16x1024xf32, #tpu.memory_space<vmem>>, vector<1x16xf32>,
        %get3A_651 = vector.shape_cast %get3A_650 : vector<1x16xf32> to vector<16xf32>
        %add3A_652 = arith.addf %get3A_647, %get3A_651 : vector<16xf32>
        %swap3A_653 = arith.index_cast %scan3A_30 : i32 to index
        %swap3A_654 = arith.constant 576 : index
        %swap3A_655 = tpu.vector_load %arg9[%swap3A_653, %swap3A_654] {strides = array<i32>} : memref<16x1024xf32, #tpu.memory_space<vmem>>, vector<1x16xf32>,
        %swap3A_656 = vector.shape_cast %swap3A_655 : vector<1x16xf32> to vector<16xf32>
        %swap3A_657 = vector.shape_cast %add3A_652 : vector<16xf32> to vector<1x16xf32>
        tpu.vector_store %arg9[%swap3A_653, %swap3A_654], %swap3A_657 {strides = array<i32>} : memref<16x1024xf32, #tpu.memory_space<vmem>>, vector<1x16xf32>,
        %add3A_658 = arith.addf %add3A_641, %add3A_652 : vector<16xf32>
        %mul3A_659 = arith.mulf %add3A_652, %add3A_652 : vector<16xf32>
        %add3A_660 = arith.addf %add3A_643, %mul3A_659 : vector<16xf32>
        %get3A_661 = arith.index_cast %scan3A_30 : i32 to index
        %get3A_662 = arith.constant 592 : index
        %get3A_663 = tpu.vector_load %arg7[%get3A_661, %get3A_662] {strides = array<i32>} : memref<16x1024xf32, #tpu.memory_space<vmem>>, vector<1x16xf32>,
        %get3A_664 = vector.shape_cast %get3A_663 : vector<1x16xf32> to vector<16xf32>
        %get3A_665 = arith.index_cast %scan3A_30 : i32 to index
        %get3A_666 = arith.constant 592 : index
        %get3A_667 = tpu.vector_load %arg8[%get3A_665, %get3A_666] {strides = array<i32>} : memref<16x1024xf32, #tpu.memory_space<vmem>>, vector<1x16xf32>,
        %get3A_668 = vector.shape_cast %get3A_667 : vector<1x16xf32> to vector<16xf32>
        %add3A_669 = arith.addf %get3A_664, %get3A_668 : vector<16xf32>
        %swap3A_670 = arith.index_cast %scan3A_30 : i32 to index
        %swap3A_671 = arith.constant 592 : index
        %swap3A_672 = tpu.vector_load %arg9[%swap3A_670, %swap3A_671] {strides = array<i32>} : memref<16x1024xf32, #tpu.memory_space<vmem>>, vector<1x16xf32>,
        %swap3A_673 = vector.shape_cast %swap3A_672 : vector<1x16xf32> to vector<16xf32>
        %swap3A_674 = vector.shape_cast %add3A_669 : vector<16xf32> to vector<1x16xf32>
        tpu.vector_store %arg9[%swap3A_670, %swap3A_671], %swap3A_674 {strides = array<i32>} : memref<16x1024xf32, #tpu.memory_space<vmem>>, vector<1x16xf32>,
        %add3A_675 = arith.addf %add3A_658, %add3A_669 : vector<16xf32>
        %mul3A_676 = arith.mulf %add3A_669, %add3A_669 : vector<16xf32>
        %add3A_677 = arith.addf %add3A_660, %mul3A_676 : vector<16xf32>
        %get3A_678 = arith.index_cast %scan3A_30 : i32 to index
        %get3A_679 = arith.constant 608 : index
        %get3A_680 = tpu.vector_load %arg7[%get3A_678, %get3A_679] {strides = array<i32>} : memref<16x1024xf32, #tpu.memory_space<vmem>>, vector<1x16xf32>,
        %get3A_681 = vector.shape_cast %get3A_680 : vector<1x16xf32> to vector<16xf32>
        %get3A_682 = arith.index_cast %scan3A_30 : i32 to index
        %get3A_683 = arith.constant 608 : index
        %get3A_684 = tpu.vector_load %arg8[%get3A_682, %get3A_683] {strides = array<i32>} : memref<16x1024xf32, #tpu.memory_space<vmem>>, vector<1x16xf32>,
        %get3A_685 = vector.shape_cast %get3A_684 : vector<1x16xf32> to vector<16xf32>
        %add3A_686 = arith.addf %get3A_681, %get3A_685 : vector<16xf32>
        %swap3A_687 = arith.index_cast %scan3A_30 : i32 to index
        %swap3A_688 = arith.constant 608 : index
        %swap3A_689 = tpu.vector_load %arg9[%swap3A_687, %swap3A_688] {strides = array<i32>} : memref<16x1024xf32, #tpu.memory_space<vmem>>, vector<1x16xf32>,
        %swap3A_690 = vector.shape_cast %swap3A_689 : vector<1x16xf32> to vector<16xf32>
        %swap3A_691 = vector.shape_cast %add3A_686 : vector<16xf32> to vector<1x16xf32>
        tpu.vector_store %arg9[%swap3A_687, %swap3A_688], %swap3A_691 {strides = array<i32>} : memref<16x1024xf32, #tpu.memory_space<vmem>>, vector<1x16xf32>,
        %add3A_692 = arith.addf %add3A_675, %add3A_686 : vector<16xf32>
        %mul3A_693 = arith.mulf %add3A_686, %add3A_686 : vector<16xf32>
        %add3A_694 = arith.addf %add3A_677, %mul3A_693 : vector<16xf32>
        %get3A_695 = arith.index_cast %scan3A_30 : i32 to index
        %get3A_696 = arith.constant 624 : index
        %get3A_697 = tpu.vector_load %arg7[%get3A_695, %get3A_696] {strides = array<i32>} : memref<16x1024xf32, #tpu.memory_space<vmem>>, vector<1x16xf32>,
        %get3A_698 = vector.shape_cast %get3A_697 : vector<1x16xf32> to vector<16xf32>
        %get3A_699 = arith.index_cast %scan3A_30 : i32 to index
        %get3A_700 = arith.constant 624 : index
        %get3A_701 = tpu.vector_load %arg8[%get3A_699, %get3A_700] {strides = array<i32>} : memref<16x1024xf32, #tpu.memory_space<vmem>>, vector<1x16xf32>,
        %get3A_702 = vector.shape_cast %get3A_701 : vector<1x16xf32> to vector<16xf32>
        %add3A_703 = arith.addf %get3A_698, %get3A_702 : vector<16xf32>
        %swap3A_704 = arith.index_cast %scan3A_30 : i32 to index
        %swap3A_705 = arith.constant 624 : index
        %swap3A_706 = tpu.vector_load %arg9[%swap3A_704, %swap3A_705] {strides = array<i32>} : memref<16x1024xf32, #tpu.memory_space<vmem>>, vector<1x16xf32>,
        %swap3A_707 = vector.shape_cast %swap3A_706 : vector<1x16xf32> to vector<16xf32>
        %swap3A_708 = vector.shape_cast %add3A_703 : vector<16xf32> to vector<1x16xf32>
        tpu.vector_store %arg9[%swap3A_704, %swap3A_705], %swap3A_708 {strides = array<i32>} : memref<16x1024xf32, #tpu.memory_space<vmem>>, vector<1x16xf32>,
        %add3A_709 = arith.addf %add3A_692, %add3A_703 : vector<16xf32>
        %mul3A_710 = arith.mulf %add3A_703, %add3A_703 : vector<16xf32>
        %add3A_711 = arith.addf %add3A_694, %mul3A_710 : vector<16xf32>
        %get3A_712 = arith.index_cast %scan3A_30 : i32 to index
        %get3A_713 = arith.constant 640 : index
        %get3A_714 = tpu.vector_load %arg7[%get3A_712, %get3A_713] {strides = array<i32>} : memref<16x1024xf32, #tpu.memory_space<vmem>>, vector<1x16xf32>,
        %get3A_715 = vector.shape_cast %get3A_714 : vector<1x16xf32> to vector<16xf32>
        %get3A_716 = arith.index_cast %scan3A_30 : i32 to index
        %get3A_717 = arith.constant 640 : index
        %get3A_718 = tpu.vector_load %arg8[%get3A_716, %get3A_717] {strides = array<i32>} : memref<16x1024xf32, #tpu.memory_space<vmem>>, vector<1x16xf32>,
        %get3A_719 = vector.shape_cast %get3A_718 : vector<1x16xf32> to vector<16xf32>
        %add3A_720 = arith.addf %get3A_715, %get3A_719 : vector<16xf32>
        %swap3A_721 = arith.index_cast %scan3A_30 : i32 to index
        %swap3A_722 = arith.constant 640 : index
        %swap3A_723 = tpu.vector_load %arg9[%swap3A_721, %swap3A_722] {strides = array<i32>} : memref<16x1024xf32, #tpu.memory_space<vmem>>, vector<1x16xf32>,
        %swap3A_724 = vector.shape_cast %swap3A_723 : vector<1x16xf32> to vector<16xf32>
        %swap3A_725 = vector.shape_cast %add3A_720 : vector<16xf32> to vector<1x16xf32>
        tpu.vector_store %arg9[%swap3A_721, %swap3A_722], %swap3A_725 {strides = array<i32>} : memref<16x1024xf32, #tpu.memory_space<vmem>>, vector<1x16xf32>,
        %add3A_726 = arith.addf %add3A_709, %add3A_720 : vector<16xf32>
        %mul3A_727 = arith.mulf %add3A_720, %add3A_720 : vector<16xf32>
        %add3A_728 = arith.addf %add3A_711, %mul3A_727 : vector<16xf32>
        %get3A_729 = arith.index_cast %scan3A_30 : i32 to index
        %get3A_730 = arith.constant 656 : index
        %get3A_731 = tpu.vector_load %arg7[%get3A_729, %get3A_730] {strides = array<i32>} : memref<16x1024xf32, #tpu.memory_space<vmem>>, vector<1x16xf32>,
        %get3A_732 = vector.shape_cast %get3A_731 : vector<1x16xf32> to vector<16xf32>
        %get3A_733 = arith.index_cast %scan3A_30 : i32 to index
        %get3A_734 = arith.constant 656 : index
        %get3A_735 = tpu.vector_load %arg8[%get3A_733, %get3A_734] {strides = array<i32>} : memref<16x1024xf32, #tpu.memory_space<vmem>>, vector<1x16xf32>,
        %get3A_736 = vector.shape_cast %get3A_735 : vector<1x16xf32> to vector<16xf32>
        %add3A_737 = arith.addf %get3A_732, %get3A_736 : vector<16xf32>
        %swap3A_738 = arith.index_cast %scan3A_30 : i32 to index
        %swap3A_739 = arith.constant 656 : index
        %swap3A_740 = tpu.vector_load %arg9[%swap3A_738, %swap3A_739] {strides = array<i32>} : memref<16x1024xf32, #tpu.memory_space<vmem>>, vector<1x16xf32>,
        %swap3A_741 = vector.shape_cast %swap3A_740 : vector<1x16xf32> to vector<16xf32>
        %swap3A_742 = vector.shape_cast %add3A_737 : vector<16xf32> to vector<1x16xf32>
        tpu.vector_store %arg9[%swap3A_738, %swap3A_739], %swap3A_742 {strides = array<i32>} : memref<16x1024xf32, #tpu.memory_space<vmem>>, vector<1x16xf32>,
        %add3A_743 = arith.addf %add3A_726, %add3A_737 : vector<16xf32>
        %mul3A_744 = arith.mulf %add3A_737, %add3A_737 : vector<16xf32>
        %add3A_745 = arith.addf %add3A_728, %mul3A_744 : vector<16xf32>
        %get3A_746 = arith.index_cast %scan3A_30 : i32 to index
        %get3A_747 = arith.constant 672 : index
        %get3A_748 = tpu.vector_load %arg7[%get3A_746, %get3A_747] {strides = array<i32>} : memref<16x1024xf32, #tpu.memory_space<vmem>>, vector<1x16xf32>,
        %get3A_749 = vector.shape_cast %get3A_748 : vector<1x16xf32> to vector<16xf32>
        %get3A_750 = arith.index_cast %scan3A_30 : i32 to index
        %get3A_751 = arith.constant 672 : index
        %get3A_752 = tpu.vector_load %arg8[%get3A_750, %get3A_751] {strides = array<i32>} : memref<16x1024xf32, #tpu.memory_space<vmem>>, vector<1x16xf32>,
        %get3A_753 = vector.shape_cast %get3A_752 : vector<1x16xf32> to vector<16xf32>
        %add3A_754 = arith.addf %get3A_749, %get3A_753 : vector<16xf32>
        %swap3A_755 = arith.index_cast %scan3A_30 : i32 to index
        %swap3A_756 = arith.constant 672 : index
        %swap3A_757 = tpu.vector_load %arg9[%swap3A_755, %swap3A_756] {strides = array<i32>} : memref<16x1024xf32, #tpu.memory_space<vmem>>, vector<1x16xf32>,
        %swap3A_758 = vector.shape_cast %swap3A_757 : vector<1x16xf32> to vector<16xf32>
        %swap3A_759 = vector.shape_cast %add3A_754 : vector<16xf32> to vector<1x16xf32>
        tpu.vector_store %arg9[%swap3A_755, %swap3A_756], %swap3A_759 {strides = array<i32>} : memref<16x1024xf32, #tpu.memory_space<vmem>>, vector<1x16xf32>,
        %add3A_760 = arith.addf %add3A_743, %add3A_754 : vector<16xf32>
        %mul3A_761 = arith.mulf %add3A_754, %add3A_754 : vector<16xf32>
        %add3A_762 = arith.addf %add3A_745, %mul3A_761 : vector<16xf32>
        %get3A_763 = arith.index_cast %scan3A_30 : i32 to index
        %get3A_764 = arith.constant 688 : index
        %get3A_765 = tpu.vector_load %arg7[%get3A_763, %get3A_764] {strides = array<i32>} : memref<16x1024xf32, #tpu.memory_space<vmem>>, vector<1x16xf32>,
        %get3A_766 = vector.shape_cast %get3A_765 : vector<1x16xf32> to vector<16xf32>
        %get3A_767 = arith.index_cast %scan3A_30 : i32 to index
        %get3A_768 = arith.constant 688 : index
        %get3A_769 = tpu.vector_load %arg8[%get3A_767, %get3A_768] {strides = array<i32>} : memref<16x1024xf32, #tpu.memory_space<vmem>>, vector<1x16xf32>,
        %get3A_770 = vector.shape_cast %get3A_769 : vector<1x16xf32> to vector<16xf32>
        %add3A_771 = arith.addf %get3A_766, %get3A_770 : vector<16xf32>
        %swap3A_772 = arith.index_cast %scan3A_30 : i32 to index
        %swap3A_773 = arith.constant 688 : index
        %swap3A_774 = tpu.vector_load %arg9[%swap3A_772, %swap3A_773] {strides = array<i32>} : memref<16x1024xf32, #tpu.memory_space<vmem>>, vector<1x16xf32>,
        %swap3A_775 = vector.shape_cast %swap3A_774 : vector<1x16xf32> to vector<16xf32>
        %swap3A_776 = vector.shape_cast %add3A_771 : vector<16xf32> to vector<1x16xf32>
        tpu.vector_store %arg9[%swap3A_772, %swap3A_773], %swap3A_776 {strides = array<i32>} : memref<16x1024xf32, #tpu.memory_space<vmem>>, vector<1x16xf32>,
        %add3A_777 = arith.addf %add3A_760, %add3A_771 : vector<16xf32>
        %mul3A_778 = arith.mulf %add3A_771, %add3A_771 : vector<16xf32>
        %add3A_779 = arith.addf %add3A_762, %mul3A_778 : vector<16xf32>
        %get3A_780 = arith.index_cast %scan3A_30 : i32 to index
        %get3A_781 = arith.constant 704 : index
        %get3A_782 = tpu.vector_load %arg7[%get3A_780, %get3A_781] {strides = array<i32>} : memref<16x1024xf32, #tpu.memory_space<vmem>>, vector<1x16xf32>,
        %get3A_783 = vector.shape_cast %get3A_782 : vector<1x16xf32> to vector<16xf32>
        %get3A_784 = arith.index_cast %scan3A_30 : i32 to index
        %get3A_785 = arith.constant 704 : index
        %get3A_786 = tpu.vector_load %arg8[%get3A_784, %get3A_785] {strides = array<i32>} : memref<16x1024xf32, #tpu.memory_space<vmem>>, vector<1x16xf32>,
        %get3A_787 = vector.shape_cast %get3A_786 : vector<1x16xf32> to vector<16xf32>
        %add3A_788 = arith.addf %get3A_783, %get3A_787 : vector<16xf32>
        %swap3A_789 = arith.index_cast %scan3A_30 : i32 to index
        %swap3A_790 = arith.constant 704 : index
        %swap3A_791 = tpu.vector_load %arg9[%swap3A_789, %swap3A_790] {strides = array<i32>} : memref<16x1024xf32, #tpu.memory_space<vmem>>, vector<1x16xf32>,
        %swap3A_792 = vector.shape_cast %swap3A_791 : vector<1x16xf32> to vector<16xf32>
        %swap3A_793 = vector.shape_cast %add3A_788 : vector<16xf32> to vector<1x16xf32>
        tpu.vector_store %arg9[%swap3A_789, %swap3A_790], %swap3A_793 {strides = array<i32>} : memref<16x1024xf32, #tpu.memory_space<vmem>>, vector<1x16xf32>,
        %add3A_794 = arith.addf %add3A_777, %add3A_788 : vector<16xf32>
        %mul3A_795 = arith.mulf %add3A_788, %add3A_788 : vector<16xf32>
        %add3A_796 = arith.addf %add3A_779, %mul3A_795 : vector<16xf32>
        %get3A_797 = arith.index_cast %scan3A_30 : i32 to index
        %get3A_798 = arith.constant 720 : index
        %get3A_799 = tpu.vector_load %arg7[%get3A_797, %get3A_798] {strides = array<i32>} : memref<16x1024xf32, #tpu.memory_space<vmem>>, vector<1x16xf32>,
        %get3A_800 = vector.shape_cast %get3A_799 : vector<1x16xf32> to vector<16xf32>
        %get3A_801 = arith.index_cast %scan3A_30 : i32 to index
        %get3A_802 = arith.constant 720 : index
        %get3A_803 = tpu.vector_load %arg8[%get3A_801, %get3A_802] {strides = array<i32>} : memref<16x1024xf32, #tpu.memory_space<vmem>>, vector<1x16xf32>,
        %get3A_804 = vector.shape_cast %get3A_803 : vector<1x16xf32> to vector<16xf32>
        %add3A_805 = arith.addf %get3A_800, %get3A_804 : vector<16xf32>
        %swap3A_806 = arith.index_cast %scan3A_30 : i32 to index
        %swap3A_807 = arith.constant 720 : index
        %swap3A_808 = tpu.vector_load %arg9[%swap3A_806, %swap3A_807] {strides = array<i32>} : memref<16x1024xf32, #tpu.memory_space<vmem>>, vector<1x16xf32>,
        %swap3A_809 = vector.shape_cast %swap3A_808 : vector<1x16xf32> to vector<16xf32>
        %swap3A_810 = vector.shape_cast %add3A_805 : vector<16xf32> to vector<1x16xf32>
        tpu.vector_store %arg9[%swap3A_806, %swap3A_807], %swap3A_810 {strides = array<i32>} : memref<16x1024xf32, #tpu.memory_space<vmem>>, vector<1x16xf32>,
        %add3A_811 = arith.addf %add3A_794, %add3A_805 : vector<16xf32>
        %mul3A_812 = arith.mulf %add3A_805, %add3A_805 : vector<16xf32>
        %add3A_813 = arith.addf %add3A_796, %mul3A_812 : vector<16xf32>
        %get3A_814 = arith.index_cast %scan3A_30 : i32 to index
        %get3A_815 = arith.constant 736 : index
        %get3A_816 = tpu.vector_load %arg7[%get3A_814, %get3A_815] {strides = array<i32>} : memref<16x1024xf32, #tpu.memory_space<vmem>>, vector<1x16xf32>,
        %get3A_817 = vector.shape_cast %get3A_816 : vector<1x16xf32> to vector<16xf32>
        %get3A_818 = arith.index_cast %scan3A_30 : i32 to index
        %get3A_819 = arith.constant 736 : index
        %get3A_820 = tpu.vector_load %arg8[%get3A_818, %get3A_819] {strides = array<i32>} : memref<16x1024xf32, #tpu.memory_space<vmem>>, vector<1x16xf32>,
        %get3A_821 = vector.shape_cast %get3A_820 : vector<1x16xf32> to vector<16xf32>
        %add3A_822 = arith.addf %get3A_817, %get3A_821 : vector<16xf32>
        %swap3A_823 = arith.index_cast %scan3A_30 : i32 to index
        %swap3A_824 = arith.constant 736 : index
        %swap3A_825 = tpu.vector_load %arg9[%swap3A_823, %swap3A_824] {strides = array<i32>} : memref<16x1024xf32, #tpu.memory_space<vmem>>, vector<1x16xf32>,
        %swap3A_826 = vector.shape_cast %swap3A_825 : vector<1x16xf32> to vector<16xf32>
        %swap3A_827 = vector.shape_cast %add3A_822 : vector<16xf32> to vector<1x16xf32>
        tpu.vector_store %arg9[%swap3A_823, %swap3A_824], %swap3A_827 {strides = array<i32>} : memref<16x1024xf32, #tpu.memory_space<vmem>>, vector<1x16xf32>,
        %add3A_828 = arith.addf %add3A_811, %add3A_822 : vector<16xf32>
        %mul3A_829 = arith.mulf %add3A_822, %add3A_822 : vector<16xf32>
        %add3A_830 = arith.addf %add3A_813, %mul3A_829 : vector<16xf32>
        %get3A_831 = arith.index_cast %scan3A_30 : i32 to index
        %get3A_832 = arith.constant 752 : index
        %get3A_833 = tpu.vector_load %arg7[%get3A_831, %get3A_832] {strides = array<i32>} : memref<16x1024xf32, #tpu.memory_space<vmem>>, vector<1x16xf32>,
        %get3A_834 = vector.shape_cast %get3A_833 : vector<1x16xf32> to vector<16xf32>
        %get3A_835 = arith.index_cast %scan3A_30 : i32 to index
        %get3A_836 = arith.constant 752 : index
        %get3A_837 = tpu.vector_load %arg8[%get3A_835, %get3A_836] {strides = array<i32>} : memref<16x1024xf32, #tpu.memory_space<vmem>>, vector<1x16xf32>,
        %get3A_838 = vector.shape_cast %get3A_837 : vector<1x16xf32> to vector<16xf32>
        %add3A_839 = arith.addf %get3A_834, %get3A_838 : vector<16xf32>
        %swap3A_840 = arith.index_cast %scan3A_30 : i32 to index
        %swap3A_841 = arith.constant 752 : index
        %swap3A_842 = tpu.vector_load %arg9[%swap3A_840, %swap3A_841] {strides = array<i32>} : memref<16x1024xf32, #tpu.memory_space<vmem>>, vector<1x16xf32>,
        %swap3A_843 = vector.shape_cast %swap3A_842 : vector<1x16xf32> to vector<16xf32>
        %swap3A_844 = vector.shape_cast %add3A_839 : vector<16xf32> to vector<1x16xf32>
        tpu.vector_store %arg9[%swap3A_840, %swap3A_841], %swap3A_844 {strides = array<i32>} : memref<16x1024xf32, #tpu.memory_space<vmem>>, vector<1x16xf32>,
        %add3A_845 = arith.addf %add3A_828, %add3A_839 : vector<16xf32>
        %mul3A_846 = arith.mulf %add3A_839, %add3A_839 : vector<16xf32>
        %add3A_847 = arith.addf %add3A_830, %mul3A_846 : vector<16xf32>
        %get3A_848 = arith.index_cast %scan3A_30 : i32 to index
        %get3A_849 = arith.constant 768 : index
        %get3A_850 = tpu.vector_load %arg7[%get3A_848, %get3A_849] {strides = array<i32>} : memref<16x1024xf32, #tpu.memory_space<vmem>>, vector<1x16xf32>,
        %get3A_851 = vector.shape_cast %get3A_850 : vector<1x16xf32> to vector<16xf32>
        %get3A_852 = arith.index_cast %scan3A_30 : i32 to index
        %get3A_853 = arith.constant 768 : index
        %get3A_854 = tpu.vector_load %arg8[%get3A_852, %get3A_853] {strides = array<i32>} : memref<16x1024xf32, #tpu.memory_space<vmem>>, vector<1x16xf32>,
        %get3A_855 = vector.shape_cast %get3A_854 : vector<1x16xf32> to vector<16xf32>
        %add3A_856 = arith.addf %get3A_851, %get3A_855 : vector<16xf32>
        %swap3A_857 = arith.index_cast %scan3A_30 : i32 to index
        %swap3A_858 = arith.constant 768 : index
        %swap3A_859 = tpu.vector_load %arg9[%swap3A_857, %swap3A_858] {strides = array<i32>} : memref<16x1024xf32, #tpu.memory_space<vmem>>, vector<1x16xf32>,
        %swap3A_860 = vector.shape_cast %swap3A_859 : vector<1x16xf32> to vector<16xf32>
        %swap3A_861 = vector.shape_cast %add3A_856 : vector<16xf32> to vector<1x16xf32>
        tpu.vector_store %arg9[%swap3A_857, %swap3A_858], %swap3A_861 {strides = array<i32>} : memref<16x1024xf32, #tpu.memory_space<vmem>>, vector<1x16xf32>,
        %add3A_862 = arith.addf %add3A_845, %add3A_856 : vector<16xf32>
        %mul3A_863 = arith.mulf %add3A_856, %add3A_856 : vector<16xf32>
        %add3A_864 = arith.addf %add3A_847, %mul3A_863 : vector<16xf32>
        %get3A_865 = arith.index_cast %scan3A_30 : i32 to index
        %get3A_866 = arith.constant 784 : index
        %get3A_867 = tpu.vector_load %arg7[%get3A_865, %get3A_866] {strides = array<i32>} : memref<16x1024xf32, #tpu.memory_space<vmem>>, vector<1x16xf32>,
        %get3A_868 = vector.shape_cast %get3A_867 : vector<1x16xf32> to vector<16xf32>
        %get3A_869 = arith.index_cast %scan3A_30 : i32 to index
        %get3A_870 = arith.constant 784 : index
        %get3A_871 = tpu.vector_load %arg8[%get3A_869, %get3A_870] {strides = array<i32>} : memref<16x1024xf32, #tpu.memory_space<vmem>>, vector<1x16xf32>,
        %get3A_872 = vector.shape_cast %get3A_871 : vector<1x16xf32> to vector<16xf32>
        %add3A_873 = arith.addf %get3A_868, %get3A_872 : vector<16xf32>
        %swap3A_874 = arith.index_cast %scan3A_30 : i32 to index
        %swap3A_875 = arith.constant 784 : index
        %swap3A_876 = tpu.vector_load %arg9[%swap3A_874, %swap3A_875] {strides = array<i32>} : memref<16x1024xf32, #tpu.memory_space<vmem>>, vector<1x16xf32>,
        %swap3A_877 = vector.shape_cast %swap3A_876 : vector<1x16xf32> to vector<16xf32>
        %swap3A_878 = vector.shape_cast %add3A_873 : vector<16xf32> to vector<1x16xf32>
        tpu.vector_store %arg9[%swap3A_874, %swap3A_875], %swap3A_878 {strides = array<i32>} : memref<16x1024xf32, #tpu.memory_space<vmem>>, vector<1x16xf32>,
        %add3A_879 = arith.addf %add3A_862, %add3A_873 : vector<16xf32>
        %mul3A_880 = arith.mulf %add3A_873, %add3A_873 : vector<16xf32>
        %add3A_881 = arith.addf %add3A_864, %mul3A_880 : vector<16xf32>
        %get3A_882 = arith.index_cast %scan3A_30 : i32 to index
        %get3A_883 = arith.constant 800 : index
        %get3A_884 = tpu.vector_load %arg7[%get3A_882, %get3A_883] {strides = array<i32>} : memref<16x1024xf32, #tpu.memory_space<vmem>>, vector<1x16xf32>,
        %get3A_885 = vector.shape_cast %get3A_884 : vector<1x16xf32> to vector<16xf32>
        %get3A_886 = arith.index_cast %scan3A_30 : i32 to index
        %get3A_887 = arith.constant 800 : index
        %get3A_888 = tpu.vector_load %arg8[%get3A_886, %get3A_887] {strides = array<i32>} : memref<16x1024xf32, #tpu.memory_space<vmem>>, vector<1x16xf32>,
        %get3A_889 = vector.shape_cast %get3A_888 : vector<1x16xf32> to vector<16xf32>
        %add3A_890 = arith.addf %get3A_885, %get3A_889 : vector<16xf32>
        %swap3A_891 = arith.index_cast %scan3A_30 : i32 to index
        %swap3A_892 = arith.constant 800 : index
        %swap3A_893 = tpu.vector_load %arg9[%swap3A_891, %swap3A_892] {strides = array<i32>} : memref<16x1024xf32, #tpu.memory_space<vmem>>, vector<1x16xf32>,
        %swap3A_894 = vector.shape_cast %swap3A_893 : vector<1x16xf32> to vector<16xf32>
        %swap3A_895 = vector.shape_cast %add3A_890 : vector<16xf32> to vector<1x16xf32>
        tpu.vector_store %arg9[%swap3A_891, %swap3A_892], %swap3A_895 {strides = array<i32>} : memref<16x1024xf32, #tpu.memory_space<vmem>>, vector<1x16xf32>,
        %add3A_896 = arith.addf %add3A_879, %add3A_890 : vector<16xf32>
        %mul3A_897 = arith.mulf %add3A_890, %add3A_890 : vector<16xf32>
        %add3A_898 = arith.addf %add3A_881, %mul3A_897 : vector<16xf32>
        %get3A_899 = arith.index_cast %scan3A_30 : i32 to index
        %get3A_900 = arith.constant 816 : index
        %get3A_901 = tpu.vector_load %arg7[%get3A_899, %get3A_900] {strides = array<i32>} : memref<16x1024xf32, #tpu.memory_space<vmem>>, vector<1x16xf32>,
        %get3A_902 = vector.shape_cast %get3A_901 : vector<1x16xf32> to vector<16xf32>
        %get3A_903 = arith.index_cast %scan3A_30 : i32 to index
        %get3A_904 = arith.constant 816 : index
        %get3A_905 = tpu.vector_load %arg8[%get3A_903, %get3A_904] {strides = array<i32>} : memref<16x1024xf32, #tpu.memory_space<vmem>>, vector<1x16xf32>,
        %get3A_906 = vector.shape_cast %get3A_905 : vector<1x16xf32> to vector<16xf32>
        %add3A_907 = arith.addf %get3A_902, %get3A_906 : vector<16xf32>
        %swap3A_908 = arith.index_cast %scan3A_30 : i32 to index
        %swap3A_909 = arith.constant 816 : index
        %swap3A_910 = tpu.vector_load %arg9[%swap3A_908, %swap3A_909] {strides = array<i32>} : memref<16x1024xf32, #tpu.memory_space<vmem>>, vector<1x16xf32>,
        %swap3A_911 = vector.shape_cast %swap3A_910 : vector<1x16xf32> to vector<16xf32>
        %swap3A_912 = vector.shape_cast %add3A_907 : vector<16xf32> to vector<1x16xf32>
        tpu.vector_store %arg9[%swap3A_908, %swap3A_909], %swap3A_912 {strides = array<i32>} : memref<16x1024xf32, #tpu.memory_space<vmem>>, vector<1x16xf32>,
        %add3A_913 = arith.addf %add3A_896, %add3A_907 : vector<16xf32>
        %mul3A_914 = arith.mulf %add3A_907, %add3A_907 : vector<16xf32>
        %add3A_915 = arith.addf %add3A_898, %mul3A_914 : vector<16xf32>
        %get3A_916 = arith.index_cast %scan3A_30 : i32 to index
        %get3A_917 = arith.constant 832 : index
        %get3A_918 = tpu.vector_load %arg7[%get3A_916, %get3A_917] {strides = array<i32>} : memref<16x1024xf32, #tpu.memory_space<vmem>>, vector<1x16xf32>,
        %get3A_919 = vector.shape_cast %get3A_918 : vector<1x16xf32> to vector<16xf32>
        %get3A_920 = arith.index_cast %scan3A_30 : i32 to index
        %get3A_921 = arith.constant 832 : index
        %get3A_922 = tpu.vector_load %arg8[%get3A_920, %get3A_921] {strides = array<i32>} : memref<16x1024xf32, #tpu.memory_space<vmem>>, vector<1x16xf32>,
        %get3A_923 = vector.shape_cast %get3A_922 : vector<1x16xf32> to vector<16xf32>
        %add3A_924 = arith.addf %get3A_919, %get3A_923 : vector<16xf32>
        %swap3A_925 = arith.index_cast %scan3A_30 : i32 to index
        %swap3A_926 = arith.constant 832 : index
        %swap3A_927 = tpu.vector_load %arg9[%swap3A_925, %swap3A_926] {strides = array<i32>} : memref<16x1024xf32, #tpu.memory_space<vmem>>, vector<1x16xf32>,
        %swap3A_928 = vector.shape_cast %swap3A_927 : vector<1x16xf32> to vector<16xf32>
        %swap3A_929 = vector.shape_cast %add3A_924 : vector<16xf32> to vector<1x16xf32>
        tpu.vector_store %arg9[%swap3A_925, %swap3A_926], %swap3A_929 {strides = array<i32>} : memref<16x1024xf32, #tpu.memory_space<vmem>>, vector<1x16xf32>,
        %add3A_930 = arith.addf %add3A_913, %add3A_924 : vector<16xf32>
        %mul3A_931 = arith.mulf %add3A_924, %add3A_924 : vector<16xf32>
        %add3A_932 = arith.addf %add3A_915, %mul3A_931 : vector<16xf32>
        %get3A_933 = arith.index_cast %scan3A_30 : i32 to index
        %get3A_934 = arith.constant 848 : index
        %get3A_935 = tpu.vector_load %arg7[%get3A_933, %get3A_934] {strides = array<i32>} : memref<16x1024xf32, #tpu.memory_space<vmem>>, vector<1x16xf32>,
        %get3A_936 = vector.shape_cast %get3A_935 : vector<1x16xf32> to vector<16xf32>
        %get3A_937 = arith.index_cast %scan3A_30 : i32 to index
        %get3A_938 = arith.constant 848 : index
        %get3A_939 = tpu.vector_load %arg8[%get3A_937, %get3A_938] {strides = array<i32>} : memref<16x1024xf32, #tpu.memory_space<vmem>>, vector<1x16xf32>,
        %get3A_940 = vector.shape_cast %get3A_939 : vector<1x16xf32> to vector<16xf32>
        %add3A_941 = arith.addf %get3A_936, %get3A_940 : vector<16xf32>
        %swap3A_942 = arith.index_cast %scan3A_30 : i32 to index
        %swap3A_943 = arith.constant 848 : index
        %swap3A_944 = tpu.vector_load %arg9[%swap3A_942, %swap3A_943] {strides = array<i32>} : memref<16x1024xf32, #tpu.memory_space<vmem>>, vector<1x16xf32>,
        %swap3A_945 = vector.shape_cast %swap3A_944 : vector<1x16xf32> to vector<16xf32>
        %swap3A_946 = vector.shape_cast %add3A_941 : vector<16xf32> to vector<1x16xf32>
        tpu.vector_store %arg9[%swap3A_942, %swap3A_943], %swap3A_946 {strides = array<i32>} : memref<16x1024xf32, #tpu.memory_space<vmem>>, vector<1x16xf32>,
        %add3A_947 = arith.addf %add3A_930, %add3A_941 : vector<16xf32>
        %mul3A_948 = arith.mulf %add3A_941, %add3A_941 : vector<16xf32>
        %add3A_949 = arith.addf %add3A_932, %mul3A_948 : vector<16xf32>
        %get3A_950 = arith.index_cast %scan3A_30 : i32 to index
        %get3A_951 = arith.constant 864 : index
        %get3A_952 = tpu.vector_load %arg7[%get3A_950, %get3A_951] {strides = array<i32>} : memref<16x1024xf32, #tpu.memory_space<vmem>>, vector<1x16xf32>,
        %get3A_953 = vector.shape_cast %get3A_952 : vector<1x16xf32> to vector<16xf32>
        %get3A_954 = arith.index_cast %scan3A_30 : i32 to index
        %get3A_955 = arith.constant 864 : index
        %get3A_956 = tpu.vector_load %arg8[%get3A_954, %get3A_955] {strides = array<i32>} : memref<16x1024xf32, #tpu.memory_space<vmem>>, vector<1x16xf32>,
        %get3A_957 = vector.shape_cast %get3A_956 : vector<1x16xf32> to vector<16xf32>
        %add3A_958 = arith.addf %get3A_953, %get3A_957 : vector<16xf32>
        %swap3A_959 = arith.index_cast %scan3A_30 : i32 to index
        %swap3A_960 = arith.constant 864 : index
        %swap3A_961 = tpu.vector_load %arg9[%swap3A_959, %swap3A_960] {strides = array<i32>} : memref<16x1024xf32, #tpu.memory_space<vmem>>, vector<1x16xf32>,
        %swap3A_962 = vector.shape_cast %swap3A_961 : vector<1x16xf32> to vector<16xf32>
        %swap3A_963 = vector.shape_cast %add3A_958 : vector<16xf32> to vector<1x16xf32>
        tpu.vector_store %arg9[%swap3A_959, %swap3A_960], %swap3A_963 {strides = array<i32>} : memref<16x1024xf32, #tpu.memory_space<vmem>>, vector<1x16xf32>,
        %add3A_964 = arith.addf %add3A_947, %add3A_958 : vector<16xf32>
        %mul3A_965 = arith.mulf %add3A_958, %add3A_958 : vector<16xf32>
        %add3A_966 = arith.addf %add3A_949, %mul3A_965 : vector<16xf32>
        %get3A_967 = arith.index_cast %scan3A_30 : i32 to index
        %get3A_968 = arith.constant 880 : index
        %get3A_969 = tpu.vector_load %arg7[%get3A_967, %get3A_968] {strides = array<i32>} : memref<16x1024xf32, #tpu.memory_space<vmem>>, vector<1x16xf32>,
        %get3A_970 = vector.shape_cast %get3A_969 : vector<1x16xf32> to vector<16xf32>
        %get3A_971 = arith.index_cast %scan3A_30 : i32 to index
        %get3A_972 = arith.constant 880 : index
        %get3A_973 = tpu.vector_load %arg8[%get3A_971, %get3A_972] {strides = array<i32>} : memref<16x1024xf32, #tpu.memory_space<vmem>>, vector<1x16xf32>,
        %get3A_974 = vector.shape_cast %get3A_973 : vector<1x16xf32> to vector<16xf32>
        %add3A_975 = arith.addf %get3A_970, %get3A_974 : vector<16xf32>
        %swap3A_976 = arith.index_cast %scan3A_30 : i32 to index
        %swap3A_977 = arith.constant 880 : index
        %swap3A_978 = tpu.vector_load %arg9[%swap3A_976, %swap3A_977] {strides = array<i32>} : memref<16x1024xf32, #tpu.memory_space<vmem>>, vector<1x16xf32>,
        %swap3A_979 = vector.shape_cast %swap3A_978 : vector<1x16xf32> to vector<16xf32>
        %swap3A_980 = vector.shape_cast %add3A_975 : vector<16xf32> to vector<1x16xf32>
        tpu.vector_store %arg9[%swap3A_976, %swap3A_977], %swap3A_980 {strides = array<i32>} : memref<16x1024xf32, #tpu.memory_space<vmem>>, vector<1x16xf32>,
        %add3A_981 = arith.addf %add3A_964, %add3A_975 : vector<16xf32>
        %mul3A_982 = arith.mulf %add3A_975, %add3A_975 : vector<16xf32>
        %add3A_983 = arith.addf %add3A_966, %mul3A_982 : vector<16xf32>
        %get3A_984 = arith.index_cast %scan3A_30 : i32 to index
        %get3A_985 = arith.constant 896 : index
        %get3A_986 = tpu.vector_load %arg7[%get3A_984, %get3A_985] {strides = array<i32>} : memref<16x1024xf32, #tpu.memory_space<vmem>>, vector<1x16xf32>,
        %get3A_987 = vector.shape_cast %get3A_986 : vector<1x16xf32> to vector<16xf32>
        %get3A_988 = arith.index_cast %scan3A_30 : i32 to index
        %get3A_989 = arith.constant 896 : index
        %get3A_990 = tpu.vector_load %arg8[%get3A_988, %get3A_989] {strides = array<i32>} : memref<16x1024xf32, #tpu.memory_space<vmem>>, vector<1x16xf32>,
        %get3A_991 = vector.shape_cast %get3A_990 : vector<1x16xf32> to vector<16xf32>
        %add3A_992 = arith.addf %get3A_987, %get3A_991 : vector<16xf32>
        %swap3A_993 = arith.index_cast %scan3A_30 : i32 to index
        %swap3A_994 = arith.constant 896 : index
        %swap3A_995 = tpu.vector_load %arg9[%swap3A_993, %swap3A_994] {strides = array<i32>} : memref<16x1024xf32, #tpu.memory_space<vmem>>, vector<1x16xf32>,
        %swap3A_996 = vector.shape_cast %swap3A_995 : vector<1x16xf32> to vector<16xf32>
        %swap3A_997 = vector.shape_cast %add3A_992 : vector<16xf32> to vector<1x16xf32>
        tpu.vector_store %arg9[%swap3A_993, %swap3A_994], %swap3A_997 {strides = array<i32>} : memref<16x1024xf32, #tpu.memory_space<vmem>>, vector<1x16xf32>,
        %add3A_998 = arith.addf %add3A_981, %add3A_992 : vector<16xf32>
        %mul3A_999 = arith.mulf %add3A_992, %add3A_992 : vector<16xf32>
        %add3A_1000 = arith.addf %add3A_983, %mul3A_999 : vector<16xf32>
        %get3A_1001 = arith.index_cast %scan3A_30 : i32 to index
        %get3A_1002 = arith.constant 912 : index
        %get3A_1003 = tpu.vector_load %arg7[%get3A_1001, %get3A_1002] {strides = array<i32>} : memref<16x1024xf32, #tpu.memory_space<vmem>>, vector<1x16xf32>,
        %get3A_1004 = vector.shape_cast %get3A_1003 : vector<1x16xf32> to vector<16xf32>
        %get3A_1005 = arith.index_cast %scan3A_30 : i32 to index
        %get3A_1006 = arith.constant 912 : index
        %get3A_1007 = tpu.vector_load %arg8[%get3A_1005, %get3A_1006] {strides = array<i32>} : memref<16x1024xf32, #tpu.memory_space<vmem>>, vector<1x16xf32>,
        %get3A_1008 = vector.shape_cast %get3A_1007 : vector<1x16xf32> to vector<16xf32>
        %add3A_1009 = arith.addf %get3A_1004, %get3A_1008 : vector<16xf32>
        %swap3A_1010 = arith.index_cast %scan3A_30 : i32 to index
        %swap3A_1011 = arith.constant 912 : index
        %swap3A_1012 = tpu.vector_load %arg9[%swap3A_1010, %swap3A_1011] {strides = array<i32>} : memref<16x1024xf32, #tpu.memory_space<vmem>>, vector<1x16xf32>,
        %swap3A_1013 = vector.shape_cast %swap3A_1012 : vector<1x16xf32> to vector<16xf32>
        %swap3A_1014 = vector.shape_cast %add3A_1009 : vector<16xf32> to vector<1x16xf32>
        tpu.vector_store %arg9[%swap3A_1010, %swap3A_1011], %swap3A_1014 {strides = array<i32>} : memref<16x1024xf32, #tpu.memory_space<vmem>>, vector<1x16xf32>,
        %add3A_1015 = arith.addf %add3A_998, %add3A_1009 : vector<16xf32>
        %mul3A_1016 = arith.mulf %add3A_1009, %add3A_1009 : vector<16xf32>
        %add3A_1017 = arith.addf %add3A_1000, %mul3A_1016 : vector<16xf32>
        %get3A_1018 = arith.index_cast %scan3A_30 : i32 to index
        %get3A_1019 = arith.constant 928 : index
        %get3A_1020 = tpu.vector_load %arg7[%get3A_1018, %get3A_1019] {strides = array<i32>} : memref<16x1024xf32, #tpu.memory_space<vmem>>, vector<1x16xf32>,
        %get3A_1021 = vector.shape_cast %get3A_1020 : vector<1x16xf32> to vector<16xf32>
        %get3A_1022 = arith.index_cast %scan3A_30 : i32 to index
        %get3A_1023 = arith.constant 928 : index
        %get3A_1024 = tpu.vector_load %arg8[%get3A_1022, %get3A_1023] {strides = array<i32>} : memref<16x1024xf32, #tpu.memory_space<vmem>>, vector<1x16xf32>,
        %get3A_1025 = vector.shape_cast %get3A_1024 : vector<1x16xf32> to vector<16xf32>
        %add3A_1026 = arith.addf %get3A_1021, %get3A_1025 : vector<16xf32>
        %swap3A_1027 = arith.index_cast %scan3A_30 : i32 to index
        %swap3A_1028 = arith.constant 928 : index
        %swap3A_1029 = tpu.vector_load %arg9[%swap3A_1027, %swap3A_1028] {strides = array<i32>} : memref<16x1024xf32, #tpu.memory_space<vmem>>, vector<1x16xf32>,
        %swap3A_1030 = vector.shape_cast %swap3A_1029 : vector<1x16xf32> to vector<16xf32>
        %swap3A_1031 = vector.shape_cast %add3A_1026 : vector<16xf32> to vector<1x16xf32>
        tpu.vector_store %arg9[%swap3A_1027, %swap3A_1028], %swap3A_1031 {strides = array<i32>} : memref<16x1024xf32, #tpu.memory_space<vmem>>, vector<1x16xf32>,
        %add3A_1032 = arith.addf %add3A_1015, %add3A_1026 : vector<16xf32>
        %mul3A_1033 = arith.mulf %add3A_1026, %add3A_1026 : vector<16xf32>
        %add3A_1034 = arith.addf %add3A_1017, %mul3A_1033 : vector<16xf32>
        %get3A_1035 = arith.index_cast %scan3A_30 : i32 to index
        %get3A_1036 = arith.constant 944 : index
        %get3A_1037 = tpu.vector_load %arg7[%get3A_1035, %get3A_1036] {strides = array<i32>} : memref<16x1024xf32, #tpu.memory_space<vmem>>, vector<1x16xf32>,
        %get3A_1038 = vector.shape_cast %get3A_1037 : vector<1x16xf32> to vector<16xf32>
        %get3A_1039 = arith.index_cast %scan3A_30 : i32 to index
        %get3A_1040 = arith.constant 944 : index
        %get3A_1041 = tpu.vector_load %arg8[%get3A_1039, %get3A_1040] {strides = array<i32>} : memref<16x1024xf32, #tpu.memory_space<vmem>>, vector<1x16xf32>,
        %get3A_1042 = vector.shape_cast %get3A_1041 : vector<1x16xf32> to vector<16xf32>
        %add3A_1043 = arith.addf %get3A_1038, %get3A_1042 : vector<16xf32>
        %swap3A_1044 = arith.index_cast %scan3A_30 : i32 to index
        %swap3A_1045 = arith.constant 944 : index
        %swap3A_1046 = tpu.vector_load %arg9[%swap3A_1044, %swap3A_1045] {strides = array<i32>} : memref<16x1024xf32, #tpu.memory_space<vmem>>, vector<1x16xf32>,
        %swap3A_1047 = vector.shape_cast %swap3A_1046 : vector<1x16xf32> to vector<16xf32>
        %swap3A_1048 = vector.shape_cast %add3A_1043 : vector<16xf32> to vector<1x16xf32>
        tpu.vector_store %arg9[%swap3A_1044, %swap3A_1045], %swap3A_1048 {strides = array<i32>} : memref<16x1024xf32, #tpu.memory_space<vmem>>, vector<1x16xf32>,
        %add3A_1049 = arith.addf %add3A_1032, %add3A_1043 : vector<16xf32>
        %mul3A_1050 = arith.mulf %add3A_1043, %add3A_1043 : vector<16xf32>
        %add3A_1051 = arith.addf %add3A_1034, %mul3A_1050 : vector<16xf32>
        %get3A_1052 = arith.index_cast %scan3A_30 : i32 to index
        %get3A_1053 = arith.constant 960 : index
        %get3A_1054 = tpu.vector_load %arg7[%get3A_1052, %get3A_1053] {strides = array<i32>} : memref<16x1024xf32, #tpu.memory_space<vmem>>, vector<1x16xf32>,
        %get3A_1055 = vector.shape_cast %get3A_1054 : vector<1x16xf32> to vector<16xf32>
        %get3A_1056 = arith.index_cast %scan3A_30 : i32 to index
        %get3A_1057 = arith.constant 960 : index
        %get3A_1058 = tpu.vector_load %arg8[%get3A_1056, %get3A_1057] {strides = array<i32>} : memref<16x1024xf32, #tpu.memory_space<vmem>>, vector<1x16xf32>,
        %get3A_1059 = vector.shape_cast %get3A_1058 : vector<1x16xf32> to vector<16xf32>
        %add3A_1060 = arith.addf %get3A_1055, %get3A_1059 : vector<16xf32>
        %swap3A_1061 = arith.index_cast %scan3A_30 : i32 to index
        %swap3A_1062 = arith.constant 960 : index
        %swap3A_1063 = tpu.vector_load %arg9[%swap3A_1061, %swap3A_1062] {strides = array<i32>} : memref<16x1024xf32, #tpu.memory_space<vmem>>, vector<1x16xf32>,
        %swap3A_1064 = vector.shape_cast %swap3A_1063 : vector<1x16xf32> to vector<16xf32>
        %swap3A_1065 = vector.shape_cast %add3A_1060 : vector<16xf32> to vector<1x16xf32>
        tpu.vector_store %arg9[%swap3A_1061, %swap3A_1062], %swap3A_1065 {strides = array<i32>} : memref<16x1024xf32, #tpu.memory_space<vmem>>, vector<1x16xf32>,
        %add3A_1066 = arith.addf %add3A_1049, %add3A_1060 : vector<16xf32>
        %mul3A_1067 = arith.mulf %add3A_1060, %add3A_1060 : vector<16xf32>
        %add3A_1068 = arith.addf %add3A_1051, %mul3A_1067 : vector<16xf32>
        %get3A_1069 = arith.index_cast %scan3A_30 : i32 to index
        %get3A_1070 = arith.constant 976 : index
        %get3A_1071 = tpu.vector_load %arg7[%get3A_1069, %get3A_1070] {strides = array<i32>} : memref<16x1024xf32, #tpu.memory_space<vmem>>, vector<1x16xf32>,
        %get3A_1072 = vector.shape_cast %get3A_1071 : vector<1x16xf32> to vector<16xf32>
        %get3A_1073 = arith.index_cast %scan3A_30 : i32 to index
        %get3A_1074 = arith.constant 976 : index
        %get3A_1075 = tpu.vector_load %arg8[%get3A_1073, %get3A_1074] {strides = array<i32>} : memref<16x1024xf32, #tpu.memory_space<vmem>>, vector<1x16xf32>,
        %get3A_1076 = vector.shape_cast %get3A_1075 : vector<1x16xf32> to vector<16xf32>
        %add3A_1077 = arith.addf %get3A_1072, %get3A_1076 : vector<16xf32>
        %swap3A_1078 = arith.index_cast %scan3A_30 : i32 to index
        %swap3A_1079 = arith.constant 976 : index
        %swap3A_1080 = tpu.vector_load %arg9[%swap3A_1078, %swap3A_1079] {strides = array<i32>} : memref<16x1024xf32, #tpu.memory_space<vmem>>, vector<1x16xf32>,
        %swap3A_1081 = vector.shape_cast %swap3A_1080 : vector<1x16xf32> to vector<16xf32>
        %swap3A_1082 = vector.shape_cast %add3A_1077 : vector<16xf32> to vector<1x16xf32>
        tpu.vector_store %arg9[%swap3A_1078, %swap3A_1079], %swap3A_1082 {strides = array<i32>} : memref<16x1024xf32, #tpu.memory_space<vmem>>, vector<1x16xf32>,
        %add3A_1083 = arith.addf %add3A_1066, %add3A_1077 : vector<16xf32>
        %mul3A_1084 = arith.mulf %add3A_1077, %add3A_1077 : vector<16xf32>
        %add3A_1085 = arith.addf %add3A_1068, %mul3A_1084 : vector<16xf32>
        %get3A_1086 = arith.index_cast %scan3A_30 : i32 to index
        %get3A_1087 = arith.constant 992 : index
        %get3A_1088 = tpu.vector_load %arg7[%get3A_1086, %get3A_1087] {strides = array<i32>} : memref<16x1024xf32, #tpu.memory_space<vmem>>, vector<1x16xf32>,
        %get3A_1089 = vector.shape_cast %get3A_1088 : vector<1x16xf32> to vector<16xf32>
        %get3A_1090 = arith.index_cast %scan3A_30 : i32 to index
        %get3A_1091 = arith.constant 992 : index
        %get3A_1092 = tpu.vector_load %arg8[%get3A_1090, %get3A_1091] {strides = array<i32>} : memref<16x1024xf32, #tpu.memory_space<vmem>>, vector<1x16xf32>,
        %get3A_1093 = vector.shape_cast %get3A_1092 : vector<1x16xf32> to vector<16xf32>
        %add3A_1094 = arith.addf %get3A_1089, %get3A_1093 : vector<16xf32>
        %swap3A_1095 = arith.index_cast %scan3A_30 : i32 to index
        %swap3A_1096 = arith.constant 992 : index
        %swap3A_1097 = tpu.vector_load %arg9[%swap3A_1095, %swap3A_1096] {strides = array<i32>} : memref<16x1024xf32, #tpu.memory_space<vmem>>, vector<1x16xf32>,
        %swap3A_1098 = vector.shape_cast %swap3A_1097 : vector<1x16xf32> to vector<16xf32>
        %swap3A_1099 = vector.shape_cast %add3A_1094 : vector<16xf32> to vector<1x16xf32>
        tpu.vector_store %arg9[%swap3A_1095, %swap3A_1096], %swap3A_1099 {strides = array<i32>} : memref<16x1024xf32, #tpu.memory_space<vmem>>, vector<1x16xf32>,
        %add3A_1100 = arith.addf %add3A_1083, %add3A_1094 : vector<16xf32>
        %mul3A_1101 = arith.mulf %add3A_1094, %add3A_1094 : vector<16xf32>
        %add3A_1102 = arith.addf %add3A_1085, %mul3A_1101 : vector<16xf32>
        %get3A_1103 = arith.index_cast %scan3A_30 : i32 to index
        %get3A_1104 = arith.constant 1008 : index
        %get3A_1105 = tpu.vector_load %arg7[%get3A_1103, %get3A_1104] {strides = array<i32>} : memref<16x1024xf32, #tpu.memory_space<vmem>>, vector<1x16xf32>,
        %get3A_1106 = vector.shape_cast %get3A_1105 : vector<1x16xf32> to vector<16xf32>
        %get3A_1107 = arith.index_cast %scan3A_30 : i32 to index
        %get3A_1108 = arith.constant 1008 : index
        %get3A_1109 = tpu.vector_load %arg8[%get3A_1107, %get3A_1108] {strides = array<i32>} : memref<16x1024xf32, #tpu.memory_space<vmem>>, vector<1x16xf32>,
        %get3A_1110 = vector.shape_cast %get3A_1109 : vector<1x16xf32> to vector<16xf32>
        %add3A_1111 = arith.addf %get3A_1106, %get3A_1110 : vector<16xf32>
        %swap3A_1112 = arith.index_cast %scan3A_30 : i32 to index
        %swap3A_1113 = arith.constant 1008 : index
        %swap3A_1114 = tpu.vector_load %arg9[%swap3A_1112, %swap3A_1113] {strides = array<i32>} : memref<16x1024xf32, #tpu.memory_space<vmem>>, vector<1x16xf32>,
        %swap3A_1115 = vector.shape_cast %swap3A_1114 : vector<1x16xf32> to vector<16xf32>
        %swap3A_1116 = vector.shape_cast %add3A_1111 : vector<16xf32> to vector<1x16xf32>
        tpu.vector_store %arg9[%swap3A_1112, %swap3A_1113], %swap3A_1116 {strides = array<i32>} : memref<16x1024xf32, #tpu.memory_space<vmem>>, vector<1x16xf32>,
        %add3A_1117 = arith.addf %add3A_1100, %add3A_1111 : vector<16xf32>
        %mul3A_1118 = arith.mulf %add3A_1111, %add3A_1111 : vector<16xf32>
        %add3A_1119 = arith.addf %add3A_1102, %mul3A_1118 : vector<16xf32>
        %iota3A = tpu.iota {dimensions = array<i32: 0>} : vector<16xi32>
        %xor3A = arith.constant 8 : i32
        %xor3A_1120 = vector.broadcast %xor3A : i32 to vector<16xi32>
        %xor3A_1121 = arith.xori %iota3A, %xor3A_1120 : vector<16xi32>
        %broadcast_in_dim3A_1122 = vector.shape_cast %xor3A_1121 : vector<16xi32> to vector<16x1xi32>
        %gather3A = vector.shape_cast %broadcast_in_dim3A_1122 : vector<16x1xi32> to vector<16xi32>
        %gather3A_1123 = tpu.dynamic_gather %add3A_1117[%gather3A] in [0] : vector<16xf32>, vector<16xi32> -> vector<16xf32>
        %add3A_1124 = arith.addf %add3A_1117, %gather3A_1123 : vector<16xf32>
        %iota3A_1125 = tpu.iota {dimensions = array<i32: 0>} : vector<16xi32>
        %xor3A_1126 = arith.constant 4 : i32
        %xor3A_1127 = vector.broadcast %xor3A_1126 : i32 to vector<16xi32>
        %xor3A_1128 = arith.xori %iota3A_1125, %xor3A_1127 : vector<16xi32>
        %broadcast_in_dim3A_1129 = vector.shape_cast %xor3A_1128 : vector<16xi32> to vector<16x1xi32>
        %gather3A_1130 = vector.shape_cast %broadcast_in_dim3A_1129 : vector<16x1xi32> to vector<16xi32>
        %gather3A_1131 = tpu.dynamic_gather %add3A_1124[%gather3A_1130] in [0] : vector<16xf32>, vector<16xi32> -> vector<16xf32>
        %add3A_1132 = arith.addf %add3A_1124, %gather3A_1131 : vector<16xf32>
        %iota3A_1133 = tpu.iota {dimensions = array<i32: 0>} : vector<16xi32>
        %xor3A_1134 = arith.constant 2 : i32
        %xor3A_1135 = vector.broadcast %xor3A_1134 : i32 to vector<16xi32>
        %xor3A_1136 = arith.xori %iota3A_1133, %xor3A_1135 : vector<16xi32>
        %broadcast_in_dim3A_1137 = vector.shape_cast %xor3A_1136 : vector<16xi32> to vector<16x1xi32>
        %gather3A_1138 = vector.shape_cast %broadcast_in_dim3A_1137 : vector<16x1xi32> to vector<16xi32>
        %gather3A_1139 = tpu.dynamic_gather %add3A_1132[%gather3A_1138] in [0] : vector<16xf32>, vector<16xi32> -> vector<16xf32>
        %add3A_1140 = arith.addf %add3A_1132, %gather3A_1139 : vector<16xf32>
        %iota3A_1141 = tpu.iota {dimensions = array<i32: 0>} : vector<16xi32>
        %xor3A_1142 = arith.constant 1 : i32
        %xor3A_1143 = vector.broadcast %xor3A_1142 : i32 to vector<16xi32>
        %xor3A_1144 = arith.xori %iota3A_1141, %xor3A_1143 : vector<16xi32>
        %broadcast_in_dim3A_1145 = vector.shape_cast %xor3A_1144 : vector<16xi32> to vector<16x1xi32>
        %gather3A_1146 = vector.shape_cast %broadcast_in_dim3A_1145 : vector<16x1xi32> to vector<16xi32>
        %gather3A_1147 = tpu.dynamic_gather %add3A_1140[%gather3A_1146] in [0] : vector<16xf32>, vector<16xi32> -> vector<16xf32>
        %add3A_1148 = arith.addf %add3A_1140, %gather3A_1147 : vector<16xf32>
        %mul3A_1149 = arith.constant 9.765625E-4 : f32
        %mul3A_1150 = vector.broadcast %mul3A_1149 : f32 to vector<16xf32>
        %mul3A_1151 = arith.mulf %add3A_1148, %mul3A_1150 : vector<16xf32>
        %iota3A_1152 = tpu.iota {dimensions = array<i32: 0>} : vector<16xi32>
        %xor3A_1153 = arith.constant 8 : i32
        %xor3A_1154 = vector.broadcast %xor3A_1153 : i32 to vector<16xi32>
        %xor3A_1155 = arith.xori %iota3A_1152, %xor3A_1154 : vector<16xi32>
        %broadcast_in_dim3A_1156 = vector.shape_cast %xor3A_1155 : vector<16xi32> to vector<16x1xi32>
        %gather3A_1157 = vector.shape_cast %broadcast_in_dim3A_1156 : vector<16x1xi32> to vector<16xi32>
        %gather3A_1158 = tpu.dynamic_gather %add3A_1119[%gather3A_1157] in [0] : vector<16xf32>, vector<16xi32> -> vector<16xf32>
        %add3A_1159 = arith.addf %add3A_1119, %gather3A_1158 : vector<16xf32>
        %iota3A_1160 = tpu.iota {dimensions = array<i32: 0>} : vector<16xi32>
        %xor3A_1161 = arith.constant 4 : i32
        %xor3A_1162 = vector.broadcast %xor3A_1161 : i32 to vector<16xi32>
        %xor3A_1163 = arith.xori %iota3A_1160, %xor3A_1162 : vector<16xi32>
        %broadcast_in_dim3A_1164 = vector.shape_cast %xor3A_1163 : vector<16xi32> to vector<16x1xi32>
        %gather3A_1165 = vector.shape_cast %broadcast_in_dim3A_1164 : vector<16x1xi32> to vector<16xi32>
        %gather3A_1166 = tpu.dynamic_gather %add3A_1159[%gather3A_1165] in [0] : vector<16xf32>, vector<16xi32> -> vector<16xf32>
        %add3A_1167 = arith.addf %add3A_1159, %gather3A_1166 : vector<16xf32>
        %iota3A_1168 = tpu.iota {dimensions = array<i32: 0>} : vector<16xi32>
        %xor3A_1169 = arith.constant 2 : i32
        %xor3A_1170 = vector.broadcast %xor3A_1169 : i32 to vector<16xi32>
        %xor3A_1171 = arith.xori %iota3A_1168, %xor3A_1170 : vector<16xi32>
        %broadcast_in_dim3A_1172 = vector.shape_cast %xor3A_1171 : vector<16xi32> to vector<16x1xi32>
        %gather3A_1173 = vector.shape_cast %broadcast_in_dim3A_1172 : vector<16x1xi32> to vector<16xi32>
        %gather3A_1174 = tpu.dynamic_gather %add3A_1167[%gather3A_1173] in [0] : vector<16xf32>, vector<16xi32> -> vector<16xf32>
        %add3A_1175 = arith.addf %add3A_1167, %gather3A_1174 : vector<16xf32>
        %iota3A_1176 = tpu.iota {dimensions = array<i32: 0>} : vector<16xi32>
        %xor3A_1177 = arith.constant 1 : i32
        %xor3A_1178 = vector.broadcast %xor3A_1177 : i32 to vector<16xi32>
        %xor3A_1179 = arith.xori %iota3A_1176, %xor3A_1178 : vector<16xi32>
        %broadcast_in_dim3A_1180 = vector.shape_cast %xor3A_1179 : vector<16xi32> to vector<16x1xi32>
        %gather3A_1181 = vector.shape_cast %broadcast_in_dim3A_1180 : vector<16x1xi32> to vector<16xi32>
        %gather3A_1182 = tpu.dynamic_gather %add3A_1175[%gather3A_1181] in [0] : vector<16xf32>, vector<16xi32> -> vector<16xf32>
        %add3A_1183 = arith.addf %add3A_1175, %gather3A_1182 : vector<16xf32>
        %mul3A_1184 = arith.constant 9.765625E-4 : f32
        %mul3A_1185 = vector.broadcast %mul3A_1184 : f32 to vector<16xf32>
        %mul3A_1186 = arith.mulf %add3A_1183, %mul3A_1185 : vector<16xf32>
        %mul3A_1187 = arith.mulf %mul3A_1151, %mul3A_1151 : vector<16xf32>
        %sub3A = arith.subf %mul3A_1186, %mul3A_1187 : vector<16xf32>
        %add3A_1188 = arith.constant 9.99999996E-13 : f32
        %add3A_1189 = vector.broadcast %add3A_1188 : f32 to vector<16xf32>
        %add3A_1190 = arith.addf %sub3A, %add3A_1189 : vector<16xf32>
        %bitcast_convert_type3A = tpu.bitcast %add3A_1190 : vector<16xf32> -> vector<16xi32>
        %shift_right_arithmetic3A = arith.constant 1 : i32
        %shift_right_arithmetic3A_1191 = vector.broadcast %shift_right_arithmetic3A : i32 to vector<16xi32>
        %shift_right_arithmetic3A_1192 = arith.shrsi %bitcast_convert_type3A, %shift_right_arithmetic3A_1191 : vector<16xi32>
        %sub3A_1193 = arith.constant 1597463007 : i32
        %sub3A_1194 = vector.broadcast %sub3A_1193 : i32 to vector<16xi32>
        %sub3A_1195 = arith.subi %sub3A_1194, %shift_right_arithmetic3A_1192 : vector<16xi32>
        %bitcast_convert_type3A_1196 = tpu.bitcast %sub3A_1195 : vector<16xi32> -> vector<16xf32>
        %mul3A_1197 = arith.constant 5.000000e-01 : f32
        %mul3A_1198 = vector.broadcast %mul3A_1197 : f32 to vector<16xf32>
        %mul3A_1199 = arith.mulf %mul3A_1198, %add3A_1190 : vector<16xf32>
        %mul3A_1200 = arith.mulf %mul3A_1199, %bitcast_convert_type3A_1196 : vector<16xf32>
        %mul3A_1201 = arith.mulf %mul3A_1200, %bitcast_convert_type3A_1196 : vector<16xf32>
        %sub3A_1202 = arith.constant 1.500000e+00 : f32
        %sub3A_1203 = vector.broadcast %sub3A_1202 : f32 to vector<16xf32>
        %sub3A_1204 = arith.subf %sub3A_1203, %mul3A_1201 : vector<16xf32>
        %mul3A_1205 = arith.mulf %bitcast_convert_type3A_1196, %sub3A_1204 : vector<16xf32>
        %mul3A_1206 = arith.constant 5.000000e-01 : f32
        %mul3A_1207 = vector.broadcast %mul3A_1206 : f32 to vector<16xf32>
        %mul3A_1208 = arith.mulf %mul3A_1207, %add3A_1190 : vector<16xf32>
        %mul3A_1209 = arith.mulf %mul3A_1208, %mul3A_1205 : vector<16xf32>
        %mul3A_1210 = arith.mulf %mul3A_1209, %mul3A_1205 : vector<16xf32>
        %sub3A_1211 = arith.constant 1.500000e+00 : f32
        %sub3A_1212 = vector.broadcast %sub3A_1211 : f32 to vector<16xf32>
        %sub3A_1213 = arith.subf %sub3A_1212, %mul3A_1210 : vector<16xf32>
        %mul3A_1214 = arith.mulf %mul3A_1205, %sub3A_1213 : vector<16xf32>
        %mul3A_1215 = arith.constant 5.000000e-01 : f32
        %mul3A_1216 = vector.broadcast %mul3A_1215 : f32 to vector<16xf32>
        %mul3A_1217 = arith.mulf %mul3A_1216, %add3A_1190 : vector<16xf32>
        %mul3A_1218 = arith.mulf %mul3A_1217, %mul3A_1214 : vector<16xf32>
        %mul3A_1219 = arith.mulf %mul3A_1218, %mul3A_1214 : vector<16xf32>
        %sub3A_1220 = arith.constant 1.500000e+00 : f32
        %sub3A_1221 = vector.broadcast %sub3A_1220 : f32 to vector<16xf32>
        %sub3A_1222 = arith.subf %sub3A_1221, %mul3A_1219 : vector<16xf32>
        %mul3A_1223 = arith.mulf %mul3A_1214, %sub3A_1222 : vector<16xf32>
        %get3A_1224 = arith.index_cast %scan3A_30 : i32 to index
        %get3A_1225 = arith.constant 0 : index
        %get3A_1226 = tpu.vector_load %arg9[%get3A_1224, %get3A_1225] {strides = array<i32>} : memref<16x1024xf32, #tpu.memory_space<vmem>>, vector<1x16xf32>,
        %get3A_1227 = vector.shape_cast %get3A_1226 : vector<1x16xf32> to vector<16xf32>
        %get3A_1228 = arith.constant 0 : index
        %get3A_1229 = tpu.vector_load %arg10[%get3A_1228] {strides = array<i32>} : memref<1024xf32, #tpu.memory_space<vmem>>, vector<16xf32>,
        %get3A_1230 = vector.shape_cast %get3A_1229 : vector<16xf32> to vector<16xf32>
        %get3A_1231 = arith.constant 0 : index
        %get3A_1232 = tpu.vector_load %arg11[%get3A_1231] {strides = array<i32>} : memref<1024xf32, #tpu.memory_space<vmem>>, vector<16xf32>,
        %get3A_1233 = vector.shape_cast %get3A_1232 : vector<16xf32> to vector<16xf32>
        %sub3A_1234 = arith.subf %get3A_1227, %mul3A_1151 : vector<16xf32>
        %mul3A_1235 = arith.mulf %sub3A_1234, %mul3A_1223 : vector<16xf32>
        %mul3A_1236 = arith.mulf %mul3A_1235, %get3A_1230 : vector<16xf32>
        %add3A_1237 = arith.addf %mul3A_1236, %get3A_1233 : vector<16xf32>
        %swap3A_1238 = arith.index_cast %scan3A_30 : i32 to index
        %swap3A_1239 = arith.constant 0 : index
        %swap3A_1240 = tpu.vector_load %arg9[%swap3A_1238, %swap3A_1239] {strides = array<i32>} : memref<16x1024xf32, #tpu.memory_space<vmem>>, vector<1x16xf32>,
        %swap3A_1241 = vector.shape_cast %swap3A_1240 : vector<1x16xf32> to vector<16xf32>
        %swap3A_1242 = vector.shape_cast %add3A_1237 : vector<16xf32> to vector<1x16xf32>
        tpu.vector_store %arg9[%swap3A_1238, %swap3A_1239], %swap3A_1242 {strides = array<i32>} : memref<16x1024xf32, #tpu.memory_space<vmem>>, vector<1x16xf32>,
        %get3A_1243 = arith.index_cast %scan3A_30 : i32 to index
        %get3A_1244 = arith.constant 16 : index
        %get3A_1245 = tpu.vector_load %arg9[%get3A_1243, %get3A_1244] {strides = array<i32>} : memref<16x1024xf32, #tpu.memory_space<vmem>>, vector<1x16xf32>,
        %get3A_1246 = vector.shape_cast %get3A_1245 : vector<1x16xf32> to vector<16xf32>
        %get3A_1247 = arith.constant 16 : index
        %get3A_1248 = tpu.vector_load %arg10[%get3A_1247] {strides = array<i32>} : memref<1024xf32, #tpu.memory_space<vmem>>, vector<16xf32>,
        %get3A_1249 = vector.shape_cast %get3A_1248 : vector<16xf32> to vector<16xf32>
        %get3A_1250 = arith.constant 16 : index
        %get3A_1251 = tpu.vector_load %arg11[%get3A_1250] {strides = array<i32>} : memref<1024xf32, #tpu.memory_space<vmem>>, vector<16xf32>,
        %get3A_1252 = vector.shape_cast %get3A_1251 : vector<16xf32> to vector<16xf32>
        %sub3A_1253 = arith.subf %get3A_1246, %mul3A_1151 : vector<16xf32>
        %mul3A_1254 = arith.mulf %sub3A_1253, %mul3A_1223 : vector<16xf32>
        %mul3A_1255 = arith.mulf %mul3A_1254, %get3A_1249 : vector<16xf32>
        %add3A_1256 = arith.addf %mul3A_1255, %get3A_1252 : vector<16xf32>
        %swap3A_1257 = arith.index_cast %scan3A_30 : i32 to index
        %swap3A_1258 = arith.constant 16 : index
        %swap3A_1259 = tpu.vector_load %arg9[%swap3A_1257, %swap3A_1258] {strides = array<i32>} : memref<16x1024xf32, #tpu.memory_space<vmem>>, vector<1x16xf32>,
        %swap3A_1260 = vector.shape_cast %swap3A_1259 : vector<1x16xf32> to vector<16xf32>
        %swap3A_1261 = vector.shape_cast %add3A_1256 : vector<16xf32> to vector<1x16xf32>
        tpu.vector_store %arg9[%swap3A_1257, %swap3A_1258], %swap3A_1261 {strides = array<i32>} : memref<16x1024xf32, #tpu.memory_space<vmem>>, vector<1x16xf32>,
        %get3A_1262 = arith.index_cast %scan3A_30 : i32 to index
        %get3A_1263 = arith.constant 32 : index
        %get3A_1264 = tpu.vector_load %arg9[%get3A_1262, %get3A_1263] {strides = array<i32>} : memref<16x1024xf32, #tpu.memory_space<vmem>>, vector<1x16xf32>,
        %get3A_1265 = vector.shape_cast %get3A_1264 : vector<1x16xf32> to vector<16xf32>
        %get3A_1266 = arith.constant 32 : index
        %get3A_1267 = tpu.vector_load %arg10[%get3A_1266] {strides = array<i32>} : memref<1024xf32, #tpu.memory_space<vmem>>, vector<16xf32>,
        %get3A_1268 = vector.shape_cast %get3A_1267 : vector<16xf32> to vector<16xf32>
        %get3A_1269 = arith.constant 32 : index
        %get3A_1270 = tpu.vector_load %arg11[%get3A_1269] {strides = array<i32>} : memref<1024xf32, #tpu.memory_space<vmem>>, vector<16xf32>,
        %get3A_1271 = vector.shape_cast %get3A_1270 : vector<16xf32> to vector<16xf32>
        %sub3A_1272 = arith.subf %get3A_1265, %mul3A_1151 : vector<16xf32>
        %mul3A_1273 = arith.mulf %sub3A_1272, %mul3A_1223 : vector<16xf32>
        %mul3A_1274 = arith.mulf %mul3A_1273, %get3A_1268 : vector<16xf32>
        %add3A_1275 = arith.addf %mul3A_1274, %get3A_1271 : vector<16xf32>
        %swap3A_1276 = arith.index_cast %scan3A_30 : i32 to index
        %swap3A_1277 = arith.constant 32 : index
        %swap3A_1278 = tpu.vector_load %arg9[%swap3A_1276, %swap3A_1277] {strides = array<i32>} : memref<16x1024xf32, #tpu.memory_space<vmem>>, vector<1x16xf32>,
        %swap3A_1279 = vector.shape_cast %swap3A_1278 : vector<1x16xf32> to vector<16xf32>
        %swap3A_1280 = vector.shape_cast %add3A_1275 : vector<16xf32> to vector<1x16xf32>
        tpu.vector_store %arg9[%swap3A_1276, %swap3A_1277], %swap3A_1280 {strides = array<i32>} : memref<16x1024xf32, #tpu.memory_space<vmem>>, vector<1x16xf32>,
        %get3A_1281 = arith.index_cast %scan3A_30 : i32 to index
        %get3A_1282 = arith.constant 48 : index
        %get3A_1283 = tpu.vector_load %arg9[%get3A_1281, %get3A_1282] {strides = array<i32>} : memref<16x1024xf32, #tpu.memory_space<vmem>>, vector<1x16xf32>,
        %get3A_1284 = vector.shape_cast %get3A_1283 : vector<1x16xf32> to vector<16xf32>
        %get3A_1285 = arith.constant 48 : index
        %get3A_1286 = tpu.vector_load %arg10[%get3A_1285] {strides = array<i32>} : memref<1024xf32, #tpu.memory_space<vmem>>, vector<16xf32>,
        %get3A_1287 = vector.shape_cast %get3A_1286 : vector<16xf32> to vector<16xf32>
        %get3A_1288 = arith.constant 48 : index
        %get3A_1289 = tpu.vector_load %arg11[%get3A_1288] {strides = array<i32>} : memref<1024xf32, #tpu.memory_space<vmem>>, vector<16xf32>,
        %get3A_1290 = vector.shape_cast %get3A_1289 : vector<16xf32> to vector<16xf32>
        %sub3A_1291 = arith.subf %get3A_1284, %mul3A_1151 : vector<16xf32>
        %mul3A_1292 = arith.mulf %sub3A_1291, %mul3A_1223 : vector<16xf32>
        %mul3A_1293 = arith.mulf %mul3A_1292, %get3A_1287 : vector<16xf32>
        %add3A_1294 = arith.addf %mul3A_1293, %get3A_1290 : vector<16xf32>
        %swap3A_1295 = arith.index_cast %scan3A_30 : i32 to index
        %swap3A_1296 = arith.constant 48 : index
        %swap3A_1297 = tpu.vector_load %arg9[%swap3A_1295, %swap3A_1296] {strides = array<i32>} : memref<16x1024xf32, #tpu.memory_space<vmem>>, vector<1x16xf32>,
        %swap3A_1298 = vector.shape_cast %swap3A_1297 : vector<1x16xf32> to vector<16xf32>
        %swap3A_1299 = vector.shape_cast %add3A_1294 : vector<16xf32> to vector<1x16xf32>
        tpu.vector_store %arg9[%swap3A_1295, %swap3A_1296], %swap3A_1299 {strides = array<i32>} : memref<16x1024xf32, #tpu.memory_space<vmem>>, vector<1x16xf32>,
        %get3A_1300 = arith.index_cast %scan3A_30 : i32 to index
        %get3A_1301 = arith.constant 64 : index
        %get3A_1302 = tpu.vector_load %arg9[%get3A_1300, %get3A_1301] {strides = array<i32>} : memref<16x1024xf32, #tpu.memory_space<vmem>>, vector<1x16xf32>,
        %get3A_1303 = vector.shape_cast %get3A_1302 : vector<1x16xf32> to vector<16xf32>
        %get3A_1304 = arith.constant 64 : index
        %get3A_1305 = tpu.vector_load %arg10[%get3A_1304] {strides = array<i32>} : memref<1024xf32, #tpu.memory_space<vmem>>, vector<16xf32>,
        %get3A_1306 = vector.shape_cast %get3A_1305 : vector<16xf32> to vector<16xf32>
        %get3A_1307 = arith.constant 64 : index
        %get3A_1308 = tpu.vector_load %arg11[%get3A_1307] {strides = array<i32>} : memref<1024xf32, #tpu.memory_space<vmem>>, vector<16xf32>,
        %get3A_1309 = vector.shape_cast %get3A_1308 : vector<16xf32> to vector<16xf32>
        %sub3A_1310 = arith.subf %get3A_1303, %mul3A_1151 : vector<16xf32>
        %mul3A_1311 = arith.mulf %sub3A_1310, %mul3A_1223 : vector<16xf32>
        %mul3A_1312 = arith.mulf %mul3A_1311, %get3A_1306 : vector<16xf32>
        %add3A_1313 = arith.addf %mul3A_1312, %get3A_1309 : vector<16xf32>
        %swap3A_1314 = arith.index_cast %scan3A_30 : i32 to index
        %swap3A_1315 = arith.constant 64 : index
        %swap3A_1316 = tpu.vector_load %arg9[%swap3A_1314, %swap3A_1315] {strides = array<i32>} : memref<16x1024xf32, #tpu.memory_space<vmem>>, vector<1x16xf32>,
        %swap3A_1317 = vector.shape_cast %swap3A_1316 : vector<1x16xf32> to vector<16xf32>
        %swap3A_1318 = vector.shape_cast %add3A_1313 : vector<16xf32> to vector<1x16xf32>
        tpu.vector_store %arg9[%swap3A_1314, %swap3A_1315], %swap3A_1318 {strides = array<i32>} : memref<16x1024xf32, #tpu.memory_space<vmem>>, vector<1x16xf32>,
        %get3A_1319 = arith.index_cast %scan3A_30 : i32 to index
        %get3A_1320 = arith.constant 80 : index
        %get3A_1321 = tpu.vector_load %arg9[%get3A_1319, %get3A_1320] {strides = array<i32>} : memref<16x1024xf32, #tpu.memory_space<vmem>>, vector<1x16xf32>,
        %get3A_1322 = vector.shape_cast %get3A_1321 : vector<1x16xf32> to vector<16xf32>
        %get3A_1323 = arith.constant 80 : index
        %get3A_1324 = tpu.vector_load %arg10[%get3A_1323] {strides = array<i32>} : memref<1024xf32, #tpu.memory_space<vmem>>, vector<16xf32>,
        %get3A_1325 = vector.shape_cast %get3A_1324 : vector<16xf32> to vector<16xf32>
        %get3A_1326 = arith.constant 80 : index
        %get3A_1327 = tpu.vector_load %arg11[%get3A_1326] {strides = array<i32>} : memref<1024xf32, #tpu.memory_space<vmem>>, vector<16xf32>,
        %get3A_1328 = vector.shape_cast %get3A_1327 : vector<16xf32> to vector<16xf32>
        %sub3A_1329 = arith.subf %get3A_1322, %mul3A_1151 : vector<16xf32>
        %mul3A_1330 = arith.mulf %sub3A_1329, %mul3A_1223 : vector<16xf32>
        %mul3A_1331 = arith.mulf %mul3A_1330, %get3A_1325 : vector<16xf32>
        %add3A_1332 = arith.addf %mul3A_1331, %get3A_1328 : vector<16xf32>
        %swap3A_1333 = arith.index_cast %scan3A_30 : i32 to index
        %swap3A_1334 = arith.constant 80 : index
        %swap3A_1335 = tpu.vector_load %arg9[%swap3A_1333, %swap3A_1334] {strides = array<i32>} : memref<16x1024xf32, #tpu.memory_space<vmem>>, vector<1x16xf32>,
        %swap3A_1336 = vector.shape_cast %swap3A_1335 : vector<1x16xf32> to vector<16xf32>
        %swap3A_1337 = vector.shape_cast %add3A_1332 : vector<16xf32> to vector<1x16xf32>
        tpu.vector_store %arg9[%swap3A_1333, %swap3A_1334], %swap3A_1337 {strides = array<i32>} : memref<16x1024xf32, #tpu.memory_space<vmem>>, vector<1x16xf32>,
        %get3A_1338 = arith.index_cast %scan3A_30 : i32 to index
        %get3A_1339 = arith.constant 96 : index
        %get3A_1340 = tpu.vector_load %arg9[%get3A_1338, %get3A_1339] {strides = array<i32>} : memref<16x1024xf32, #tpu.memory_space<vmem>>, vector<1x16xf32>,
        %get3A_1341 = vector.shape_cast %get3A_1340 : vector<1x16xf32> to vector<16xf32>
        %get3A_1342 = arith.constant 96 : index
        %get3A_1343 = tpu.vector_load %arg10[%get3A_1342] {strides = array<i32>} : memref<1024xf32, #tpu.memory_space<vmem>>, vector<16xf32>,
        %get3A_1344 = vector.shape_cast %get3A_1343 : vector<16xf32> to vector<16xf32>
        %get3A_1345 = arith.constant 96 : index
        %get3A_1346 = tpu.vector_load %arg11[%get3A_1345] {strides = array<i32>} : memref<1024xf32, #tpu.memory_space<vmem>>, vector<16xf32>,
        %get3A_1347 = vector.shape_cast %get3A_1346 : vector<16xf32> to vector<16xf32>
        %sub3A_1348 = arith.subf %get3A_1341, %mul3A_1151 : vector<16xf32>
        %mul3A_1349 = arith.mulf %sub3A_1348, %mul3A_1223 : vector<16xf32>
        %mul3A_1350 = arith.mulf %mul3A_1349, %get3A_1344 : vector<16xf32>
        %add3A_1351 = arith.addf %mul3A_1350, %get3A_1347 : vector<16xf32>
        %swap3A_1352 = arith.index_cast %scan3A_30 : i32 to index
        %swap3A_1353 = arith.constant 96 : index
        %swap3A_1354 = tpu.vector_load %arg9[%swap3A_1352, %swap3A_1353] {strides = array<i32>} : memref<16x1024xf32, #tpu.memory_space<vmem>>, vector<1x16xf32>,
        %swap3A_1355 = vector.shape_cast %swap3A_1354 : vector<1x16xf32> to vector<16xf32>
        %swap3A_1356 = vector.shape_cast %add3A_1351 : vector<16xf32> to vector<1x16xf32>
        tpu.vector_store %arg9[%swap3A_1352, %swap3A_1353], %swap3A_1356 {strides = array<i32>} : memref<16x1024xf32, #tpu.memory_space<vmem>>, vector<1x16xf32>,
        %get3A_1357 = arith.index_cast %scan3A_30 : i32 to index
        %get3A_1358 = arith.constant 112 : index
        %get3A_1359 = tpu.vector_load %arg9[%get3A_1357, %get3A_1358] {strides = array<i32>} : memref<16x1024xf32, #tpu.memory_space<vmem>>, vector<1x16xf32>,
        %get3A_1360 = vector.shape_cast %get3A_1359 : vector<1x16xf32> to vector<16xf32>
        %get3A_1361 = arith.constant 112 : index
        %get3A_1362 = tpu.vector_load %arg10[%get3A_1361] {strides = array<i32>} : memref<1024xf32, #tpu.memory_space<vmem>>, vector<16xf32>,
        %get3A_1363 = vector.shape_cast %get3A_1362 : vector<16xf32> to vector<16xf32>
        %get3A_1364 = arith.constant 112 : index
        %get3A_1365 = tpu.vector_load %arg11[%get3A_1364] {strides = array<i32>} : memref<1024xf32, #tpu.memory_space<vmem>>, vector<16xf32>,
        %get3A_1366 = vector.shape_cast %get3A_1365 : vector<16xf32> to vector<16xf32>
        %sub3A_1367 = arith.subf %get3A_1360, %mul3A_1151 : vector<16xf32>
        %mul3A_1368 = arith.mulf %sub3A_1367, %mul3A_1223 : vector<16xf32>
        %mul3A_1369 = arith.mulf %mul3A_1368, %get3A_1363 : vector<16xf32>
        %add3A_1370 = arith.addf %mul3A_1369, %get3A_1366 : vector<16xf32>
        %swap3A_1371 = arith.index_cast %scan3A_30 : i32 to index
        %swap3A_1372 = arith.constant 112 : index
        %swap3A_1373 = tpu.vector_load %arg9[%swap3A_1371, %swap3A_1372] {strides = array<i32>} : memref<16x1024xf32, #tpu.memory_space<vmem>>, vector<1x16xf32>,
        %swap3A_1374 = vector.shape_cast %swap3A_1373 : vector<1x16xf32> to vector<16xf32>
        %swap3A_1375 = vector.shape_cast %add3A_1370 : vector<16xf32> to vector<1x16xf32>
        tpu.vector_store %arg9[%swap3A_1371, %swap3A_1372], %swap3A_1375 {strides = array<i32>} : memref<16x1024xf32, #tpu.memory_space<vmem>>, vector<1x16xf32>,
        %get3A_1376 = arith.index_cast %scan3A_30 : i32 to index
        %get3A_1377 = arith.constant 128 : index
        %get3A_1378 = tpu.vector_load %arg9[%get3A_1376, %get3A_1377] {strides = array<i32>} : memref<16x1024xf32, #tpu.memory_space<vmem>>, vector<1x16xf32>,
        %get3A_1379 = vector.shape_cast %get3A_1378 : vector<1x16xf32> to vector<16xf32>
        %get3A_1380 = arith.constant 128 : index
        %get3A_1381 = tpu.vector_load %arg10[%get3A_1380] {strides = array<i32>} : memref<1024xf32, #tpu.memory_space<vmem>>, vector<16xf32>,
        %get3A_1382 = vector.shape_cast %get3A_1381 : vector<16xf32> to vector<16xf32>
        %get3A_1383 = arith.constant 128 : index
        %get3A_1384 = tpu.vector_load %arg11[%get3A_1383] {strides = array<i32>} : memref<1024xf32, #tpu.memory_space<vmem>>, vector<16xf32>,
        %get3A_1385 = vector.shape_cast %get3A_1384 : vector<16xf32> to vector<16xf32>
        %sub3A_1386 = arith.subf %get3A_1379, %mul3A_1151 : vector<16xf32>
        %mul3A_1387 = arith.mulf %sub3A_1386, %mul3A_1223 : vector<16xf32>
        %mul3A_1388 = arith.mulf %mul3A_1387, %get3A_1382 : vector<16xf32>
        %add3A_1389 = arith.addf %mul3A_1388, %get3A_1385 : vector<16xf32>
        %swap3A_1390 = arith.index_cast %scan3A_30 : i32 to index
        %swap3A_1391 = arith.constant 128 : index
        %swap3A_1392 = tpu.vector_load %arg9[%swap3A_1390, %swap3A_1391] {strides = array<i32>} : memref<16x1024xf32, #tpu.memory_space<vmem>>, vector<1x16xf32>,
        %swap3A_1393 = vector.shape_cast %swap3A_1392 : vector<1x16xf32> to vector<16xf32>
        %swap3A_1394 = vector.shape_cast %add3A_1389 : vector<16xf32> to vector<1x16xf32>
        tpu.vector_store %arg9[%swap3A_1390, %swap3A_1391], %swap3A_1394 {strides = array<i32>} : memref<16x1024xf32, #tpu.memory_space<vmem>>, vector<1x16xf32>,
        %get3A_1395 = arith.index_cast %scan3A_30 : i32 to index
        %get3A_1396 = arith.constant 144 : index
        %get3A_1397 = tpu.vector_load %arg9[%get3A_1395, %get3A_1396] {strides = array<i32>} : memref<16x1024xf32, #tpu.memory_space<vmem>>, vector<1x16xf32>,
        %get3A_1398 = vector.shape_cast %get3A_1397 : vector<1x16xf32> to vector<16xf32>
        %get3A_1399 = arith.constant 144 : index
        %get3A_1400 = tpu.vector_load %arg10[%get3A_1399] {strides = array<i32>} : memref<1024xf32, #tpu.memory_space<vmem>>, vector<16xf32>,
        %get3A_1401 = vector.shape_cast %get3A_1400 : vector<16xf32> to vector<16xf32>
        %get3A_1402 = arith.constant 144 : index
        %get3A_1403 = tpu.vector_load %arg11[%get3A_1402] {strides = array<i32>} : memref<1024xf32, #tpu.memory_space<vmem>>, vector<16xf32>,
        %get3A_1404 = vector.shape_cast %get3A_1403 : vector<16xf32> to vector<16xf32>
        %sub3A_1405 = arith.subf %get3A_1398, %mul3A_1151 : vector<16xf32>
        %mul3A_1406 = arith.mulf %sub3A_1405, %mul3A_1223 : vector<16xf32>
        %mul3A_1407 = arith.mulf %mul3A_1406, %get3A_1401 : vector<16xf32>
        %add3A_1408 = arith.addf %mul3A_1407, %get3A_1404 : vector<16xf32>
        %swap3A_1409 = arith.index_cast %scan3A_30 : i32 to index
        %swap3A_1410 = arith.constant 144 : index
        %swap3A_1411 = tpu.vector_load %arg9[%swap3A_1409, %swap3A_1410] {strides = array<i32>} : memref<16x1024xf32, #tpu.memory_space<vmem>>, vector<1x16xf32>,
        %swap3A_1412 = vector.shape_cast %swap3A_1411 : vector<1x16xf32> to vector<16xf32>
        %swap3A_1413 = vector.shape_cast %add3A_1408 : vector<16xf32> to vector<1x16xf32>
        tpu.vector_store %arg9[%swap3A_1409, %swap3A_1410], %swap3A_1413 {strides = array<i32>} : memref<16x1024xf32, #tpu.memory_space<vmem>>, vector<1x16xf32>,
        %get3A_1414 = arith.index_cast %scan3A_30 : i32 to index
        %get3A_1415 = arith.constant 160 : index
        %get3A_1416 = tpu.vector_load %arg9[%get3A_1414, %get3A_1415] {strides = array<i32>} : memref<16x1024xf32, #tpu.memory_space<vmem>>, vector<1x16xf32>,
        %get3A_1417 = vector.shape_cast %get3A_1416 : vector<1x16xf32> to vector<16xf32>
        %get3A_1418 = arith.constant 160 : index
        %get3A_1419 = tpu.vector_load %arg10[%get3A_1418] {strides = array<i32>} : memref<1024xf32, #tpu.memory_space<vmem>>, vector<16xf32>,
        %get3A_1420 = vector.shape_cast %get3A_1419 : vector<16xf32> to vector<16xf32>
        %get3A_1421 = arith.constant 160 : index
        %get3A_1422 = tpu.vector_load %arg11[%get3A_1421] {strides = array<i32>} : memref<1024xf32, #tpu.memory_space<vmem>>, vector<16xf32>,
        %get3A_1423 = vector.shape_cast %get3A_1422 : vector<16xf32> to vector<16xf32>
        %sub3A_1424 = arith.subf %get3A_1417, %mul3A_1151 : vector<16xf32>
        %mul3A_1425 = arith.mulf %sub3A_1424, %mul3A_1223 : vector<16xf32>
        %mul3A_1426 = arith.mulf %mul3A_1425, %get3A_1420 : vector<16xf32>
        %add3A_1427 = arith.addf %mul3A_1426, %get3A_1423 : vector<16xf32>
        %swap3A_1428 = arith.index_cast %scan3A_30 : i32 to index
        %swap3A_1429 = arith.constant 160 : index
        %swap3A_1430 = tpu.vector_load %arg9[%swap3A_1428, %swap3A_1429] {strides = array<i32>} : memref<16x1024xf32, #tpu.memory_space<vmem>>, vector<1x16xf32>,
        %swap3A_1431 = vector.shape_cast %swap3A_1430 : vector<1x16xf32> to vector<16xf32>
        %swap3A_1432 = vector.shape_cast %add3A_1427 : vector<16xf32> to vector<1x16xf32>
        tpu.vector_store %arg9[%swap3A_1428, %swap3A_1429], %swap3A_1432 {strides = array<i32>} : memref<16x1024xf32, #tpu.memory_space<vmem>>, vector<1x16xf32>,
        %get3A_1433 = arith.index_cast %scan3A_30 : i32 to index
        %get3A_1434 = arith.constant 176 : index
        %get3A_1435 = tpu.vector_load %arg9[%get3A_1433, %get3A_1434] {strides = array<i32>} : memref<16x1024xf32, #tpu.memory_space<vmem>>, vector<1x16xf32>,
        %get3A_1436 = vector.shape_cast %get3A_1435 : vector<1x16xf32> to vector<16xf32>
        %get3A_1437 = arith.constant 176 : index
        %get3A_1438 = tpu.vector_load %arg10[%get3A_1437] {strides = array<i32>} : memref<1024xf32, #tpu.memory_space<vmem>>, vector<16xf32>,
        %get3A_1439 = vector.shape_cast %get3A_1438 : vector<16xf32> to vector<16xf32>
        %get3A_1440 = arith.constant 176 : index
        %get3A_1441 = tpu.vector_load %arg11[%get3A_1440] {strides = array<i32>} : memref<1024xf32, #tpu.memory_space<vmem>>, vector<16xf32>,
        %get3A_1442 = vector.shape_cast %get3A_1441 : vector<16xf32> to vector<16xf32>
        %sub3A_1443 = arith.subf %get3A_1436, %mul3A_1151 : vector<16xf32>
        %mul3A_1444 = arith.mulf %sub3A_1443, %mul3A_1223 : vector<16xf32>
        %mul3A_1445 = arith.mulf %mul3A_1444, %get3A_1439 : vector<16xf32>
        %add3A_1446 = arith.addf %mul3A_1445, %get3A_1442 : vector<16xf32>
        %swap3A_1447 = arith.index_cast %scan3A_30 : i32 to index
        %swap3A_1448 = arith.constant 176 : index
        %swap3A_1449 = tpu.vector_load %arg9[%swap3A_1447, %swap3A_1448] {strides = array<i32>} : memref<16x1024xf32, #tpu.memory_space<vmem>>, vector<1x16xf32>,
        %swap3A_1450 = vector.shape_cast %swap3A_1449 : vector<1x16xf32> to vector<16xf32>
        %swap3A_1451 = vector.shape_cast %add3A_1446 : vector<16xf32> to vector<1x16xf32>
        tpu.vector_store %arg9[%swap3A_1447, %swap3A_1448], %swap3A_1451 {strides = array<i32>} : memref<16x1024xf32, #tpu.memory_space<vmem>>, vector<1x16xf32>,
        %get3A_1452 = arith.index_cast %scan3A_30 : i32 to index
        %get3A_1453 = arith.constant 192 : index
        %get3A_1454 = tpu.vector_load %arg9[%get3A_1452, %get3A_1453] {strides = array<i32>} : memref<16x1024xf32, #tpu.memory_space<vmem>>, vector<1x16xf32>,
        %get3A_1455 = vector.shape_cast %get3A_1454 : vector<1x16xf32> to vector<16xf32>
        %get3A_1456 = arith.constant 192 : index
        %get3A_1457 = tpu.vector_load %arg10[%get3A_1456] {strides = array<i32>} : memref<1024xf32, #tpu.memory_space<vmem>>, vector<16xf32>,
        %get3A_1458 = vector.shape_cast %get3A_1457 : vector<16xf32> to vector<16xf32>
        %get3A_1459 = arith.constant 192 : index
        %get3A_1460 = tpu.vector_load %arg11[%get3A_1459] {strides = array<i32>} : memref<1024xf32, #tpu.memory_space<vmem>>, vector<16xf32>,
        %get3A_1461 = vector.shape_cast %get3A_1460 : vector<16xf32> to vector<16xf32>
        %sub3A_1462 = arith.subf %get3A_1455, %mul3A_1151 : vector<16xf32>
        %mul3A_1463 = arith.mulf %sub3A_1462, %mul3A_1223 : vector<16xf32>
        %mul3A_1464 = arith.mulf %mul3A_1463, %get3A_1458 : vector<16xf32>
        %add3A_1465 = arith.addf %mul3A_1464, %get3A_1461 : vector<16xf32>
        %swap3A_1466 = arith.index_cast %scan3A_30 : i32 to index
        %swap3A_1467 = arith.constant 192 : index
        %swap3A_1468 = tpu.vector_load %arg9[%swap3A_1466, %swap3A_1467] {strides = array<i32>} : memref<16x1024xf32, #tpu.memory_space<vmem>>, vector<1x16xf32>,
        %swap3A_1469 = vector.shape_cast %swap3A_1468 : vector<1x16xf32> to vector<16xf32>
        %swap3A_1470 = vector.shape_cast %add3A_1465 : vector<16xf32> to vector<1x16xf32>
        tpu.vector_store %arg9[%swap3A_1466, %swap3A_1467], %swap3A_1470 {strides = array<i32>} : memref<16x1024xf32, #tpu.memory_space<vmem>>, vector<1x16xf32>,
        %get3A_1471 = arith.index_cast %scan3A_30 : i32 to index
        %get3A_1472 = arith.constant 208 : index
        %get3A_1473 = tpu.vector_load %arg9[%get3A_1471, %get3A_1472] {strides = array<i32>} : memref<16x1024xf32, #tpu.memory_space<vmem>>, vector<1x16xf32>,
        %get3A_1474 = vector.shape_cast %get3A_1473 : vector<1x16xf32> to vector<16xf32>
        %get3A_1475 = arith.constant 208 : index
        %get3A_1476 = tpu.vector_load %arg10[%get3A_1475] {strides = array<i32>} : memref<1024xf32, #tpu.memory_space<vmem>>, vector<16xf32>,
        %get3A_1477 = vector.shape_cast %get3A_1476 : vector<16xf32> to vector<16xf32>
        %get3A_1478 = arith.constant 208 : index
        %get3A_1479 = tpu.vector_load %arg11[%get3A_1478] {strides = array<i32>} : memref<1024xf32, #tpu.memory_space<vmem>>, vector<16xf32>,
        %get3A_1480 = vector.shape_cast %get3A_1479 : vector<16xf32> to vector<16xf32>
        %sub3A_1481 = arith.subf %get3A_1474, %mul3A_1151 : vector<16xf32>
        %mul3A_1482 = arith.mulf %sub3A_1481, %mul3A_1223 : vector<16xf32>
        %mul3A_1483 = arith.mulf %mul3A_1482, %get3A_1477 : vector<16xf32>
        %add3A_1484 = arith.addf %mul3A_1483, %get3A_1480 : vector<16xf32>
        %swap3A_1485 = arith.index_cast %scan3A_30 : i32 to index
        %swap3A_1486 = arith.constant 208 : index
        %swap3A_1487 = tpu.vector_load %arg9[%swap3A_1485, %swap3A_1486] {strides = array<i32>} : memref<16x1024xf32, #tpu.memory_space<vmem>>, vector<1x16xf32>,
        %swap3A_1488 = vector.shape_cast %swap3A_1487 : vector<1x16xf32> to vector<16xf32>
        %swap3A_1489 = vector.shape_cast %add3A_1484 : vector<16xf32> to vector<1x16xf32>
        tpu.vector_store %arg9[%swap3A_1485, %swap3A_1486], %swap3A_1489 {strides = array<i32>} : memref<16x1024xf32, #tpu.memory_space<vmem>>, vector<1x16xf32>,
        %get3A_1490 = arith.index_cast %scan3A_30 : i32 to index
        %get3A_1491 = arith.constant 224 : index
        %get3A_1492 = tpu.vector_load %arg9[%get3A_1490, %get3A_1491] {strides = array<i32>} : memref<16x1024xf32, #tpu.memory_space<vmem>>, vector<1x16xf32>,
        %get3A_1493 = vector.shape_cast %get3A_1492 : vector<1x16xf32> to vector<16xf32>
        %get3A_1494 = arith.constant 224 : index
        %get3A_1495 = tpu.vector_load %arg10[%get3A_1494] {strides = array<i32>} : memref<1024xf32, #tpu.memory_space<vmem>>, vector<16xf32>,
        %get3A_1496 = vector.shape_cast %get3A_1495 : vector<16xf32> to vector<16xf32>
        %get3A_1497 = arith.constant 224 : index
        %get3A_1498 = tpu.vector_load %arg11[%get3A_1497] {strides = array<i32>} : memref<1024xf32, #tpu.memory_space<vmem>>, vector<16xf32>,
        %get3A_1499 = vector.shape_cast %get3A_1498 : vector<16xf32> to vector<16xf32>
        %sub3A_1500 = arith.subf %get3A_1493, %mul3A_1151 : vector<16xf32>
        %mul3A_1501 = arith.mulf %sub3A_1500, %mul3A_1223 : vector<16xf32>
        %mul3A_1502 = arith.mulf %mul3A_1501, %get3A_1496 : vector<16xf32>
        %add3A_1503 = arith.addf %mul3A_1502, %get3A_1499 : vector<16xf32>
        %swap3A_1504 = arith.index_cast %scan3A_30 : i32 to index
        %swap3A_1505 = arith.constant 224 : index
        %swap3A_1506 = tpu.vector_load %arg9[%swap3A_1504, %swap3A_1505] {strides = array<i32>} : memref<16x1024xf32, #tpu.memory_space<vmem>>, vector<1x16xf32>,
        %swap3A_1507 = vector.shape_cast %swap3A_1506 : vector<1x16xf32> to vector<16xf32>
        %swap3A_1508 = vector.shape_cast %add3A_1503 : vector<16xf32> to vector<1x16xf32>
        tpu.vector_store %arg9[%swap3A_1504, %swap3A_1505], %swap3A_1508 {strides = array<i32>} : memref<16x1024xf32, #tpu.memory_space<vmem>>, vector<1x16xf32>,
        %get3A_1509 = arith.index_cast %scan3A_30 : i32 to index
        %get3A_1510 = arith.constant 240 : index
        %get3A_1511 = tpu.vector_load %arg9[%get3A_1509, %get3A_1510] {strides = array<i32>} : memref<16x1024xf32, #tpu.memory_space<vmem>>, vector<1x16xf32>,
        %get3A_1512 = vector.shape_cast %get3A_1511 : vector<1x16xf32> to vector<16xf32>
        %get3A_1513 = arith.constant 240 : index
        %get3A_1514 = tpu.vector_load %arg10[%get3A_1513] {strides = array<i32>} : memref<1024xf32, #tpu.memory_space<vmem>>, vector<16xf32>,
        %get3A_1515 = vector.shape_cast %get3A_1514 : vector<16xf32> to vector<16xf32>
        %get3A_1516 = arith.constant 240 : index
        %get3A_1517 = tpu.vector_load %arg11[%get3A_1516] {strides = array<i32>} : memref<1024xf32, #tpu.memory_space<vmem>>, vector<16xf32>,
        %get3A_1518 = vector.shape_cast %get3A_1517 : vector<16xf32> to vector<16xf32>
        %sub3A_1519 = arith.subf %get3A_1512, %mul3A_1151 : vector<16xf32>
        %mul3A_1520 = arith.mulf %sub3A_1519, %mul3A_1223 : vector<16xf32>
        %mul3A_1521 = arith.mulf %mul3A_1520, %get3A_1515 : vector<16xf32>
        %add3A_1522 = arith.addf %mul3A_1521, %get3A_1518 : vector<16xf32>
        %swap3A_1523 = arith.index_cast %scan3A_30 : i32 to index
        %swap3A_1524 = arith.constant 240 : index
        %swap3A_1525 = tpu.vector_load %arg9[%swap3A_1523, %swap3A_1524] {strides = array<i32>} : memref<16x1024xf32, #tpu.memory_space<vmem>>, vector<1x16xf32>,
        %swap3A_1526 = vector.shape_cast %swap3A_1525 : vector<1x16xf32> to vector<16xf32>
        %swap3A_1527 = vector.shape_cast %add3A_1522 : vector<16xf32> to vector<1x16xf32>
        tpu.vector_store %arg9[%swap3A_1523, %swap3A_1524], %swap3A_1527 {strides = array<i32>} : memref<16x1024xf32, #tpu.memory_space<vmem>>, vector<1x16xf32>,
        %get3A_1528 = arith.index_cast %scan3A_30 : i32 to index
        %get3A_1529 = arith.constant 256 : index
        %get3A_1530 = tpu.vector_load %arg9[%get3A_1528, %get3A_1529] {strides = array<i32>} : memref<16x1024xf32, #tpu.memory_space<vmem>>, vector<1x16xf32>,
        %get3A_1531 = vector.shape_cast %get3A_1530 : vector<1x16xf32> to vector<16xf32>
        %get3A_1532 = arith.constant 256 : index
        %get3A_1533 = tpu.vector_load %arg10[%get3A_1532] {strides = array<i32>} : memref<1024xf32, #tpu.memory_space<vmem>>, vector<16xf32>,
        %get3A_1534 = vector.shape_cast %get3A_1533 : vector<16xf32> to vector<16xf32>
        %get3A_1535 = arith.constant 256 : index
        %get3A_1536 = tpu.vector_load %arg11[%get3A_1535] {strides = array<i32>} : memref<1024xf32, #tpu.memory_space<vmem>>, vector<16xf32>,
        %get3A_1537 = vector.shape_cast %get3A_1536 : vector<16xf32> to vector<16xf32>
        %sub3A_1538 = arith.subf %get3A_1531, %mul3A_1151 : vector<16xf32>
        %mul3A_1539 = arith.mulf %sub3A_1538, %mul3A_1223 : vector<16xf32>
        %mul3A_1540 = arith.mulf %mul3A_1539, %get3A_1534 : vector<16xf32>
        %add3A_1541 = arith.addf %mul3A_1540, %get3A_1537 : vector<16xf32>
        %swap3A_1542 = arith.index_cast %scan3A_30 : i32 to index
        %swap3A_1543 = arith.constant 256 : index
        %swap3A_1544 = tpu.vector_load %arg9[%swap3A_1542, %swap3A_1543] {strides = array<i32>} : memref<16x1024xf32, #tpu.memory_space<vmem>>, vector<1x16xf32>,
        %swap3A_1545 = vector.shape_cast %swap3A_1544 : vector<1x16xf32> to vector<16xf32>
        %swap3A_1546 = vector.shape_cast %add3A_1541 : vector<16xf32> to vector<1x16xf32>
        tpu.vector_store %arg9[%swap3A_1542, %swap3A_1543], %swap3A_1546 {strides = array<i32>} : memref<16x1024xf32, #tpu.memory_space<vmem>>, vector<1x16xf32>,
        %get3A_1547 = arith.index_cast %scan3A_30 : i32 to index
        %get3A_1548 = arith.constant 272 : index
        %get3A_1549 = tpu.vector_load %arg9[%get3A_1547, %get3A_1548] {strides = array<i32>} : memref<16x1024xf32, #tpu.memory_space<vmem>>, vector<1x16xf32>,
        %get3A_1550 = vector.shape_cast %get3A_1549 : vector<1x16xf32> to vector<16xf32>
        %get3A_1551 = arith.constant 272 : index
        %get3A_1552 = tpu.vector_load %arg10[%get3A_1551] {strides = array<i32>} : memref<1024xf32, #tpu.memory_space<vmem>>, vector<16xf32>,
        %get3A_1553 = vector.shape_cast %get3A_1552 : vector<16xf32> to vector<16xf32>
        %get3A_1554 = arith.constant 272 : index
        %get3A_1555 = tpu.vector_load %arg11[%get3A_1554] {strides = array<i32>} : memref<1024xf32, #tpu.memory_space<vmem>>, vector<16xf32>,
        %get3A_1556 = vector.shape_cast %get3A_1555 : vector<16xf32> to vector<16xf32>
        %sub3A_1557 = arith.subf %get3A_1550, %mul3A_1151 : vector<16xf32>
        %mul3A_1558 = arith.mulf %sub3A_1557, %mul3A_1223 : vector<16xf32>
        %mul3A_1559 = arith.mulf %mul3A_1558, %get3A_1553 : vector<16xf32>
        %add3A_1560 = arith.addf %mul3A_1559, %get3A_1556 : vector<16xf32>
        %swap3A_1561 = arith.index_cast %scan3A_30 : i32 to index
        %swap3A_1562 = arith.constant 272 : index
        %swap3A_1563 = tpu.vector_load %arg9[%swap3A_1561, %swap3A_1562] {strides = array<i32>} : memref<16x1024xf32, #tpu.memory_space<vmem>>, vector<1x16xf32>,
        %swap3A_1564 = vector.shape_cast %swap3A_1563 : vector<1x16xf32> to vector<16xf32>
        %swap3A_1565 = vector.shape_cast %add3A_1560 : vector<16xf32> to vector<1x16xf32>
        tpu.vector_store %arg9[%swap3A_1561, %swap3A_1562], %swap3A_1565 {strides = array<i32>} : memref<16x1024xf32, #tpu.memory_space<vmem>>, vector<1x16xf32>,
        %get3A_1566 = arith.index_cast %scan3A_30 : i32 to index
        %get3A_1567 = arith.constant 288 : index
        %get3A_1568 = tpu.vector_load %arg9[%get3A_1566, %get3A_1567] {strides = array<i32>} : memref<16x1024xf32, #tpu.memory_space<vmem>>, vector<1x16xf32>,
        %get3A_1569 = vector.shape_cast %get3A_1568 : vector<1x16xf32> to vector<16xf32>
        %get3A_1570 = arith.constant 288 : index
        %get3A_1571 = tpu.vector_load %arg10[%get3A_1570] {strides = array<i32>} : memref<1024xf32, #tpu.memory_space<vmem>>, vector<16xf32>,
        %get3A_1572 = vector.shape_cast %get3A_1571 : vector<16xf32> to vector<16xf32>
        %get3A_1573 = arith.constant 288 : index
        %get3A_1574 = tpu.vector_load %arg11[%get3A_1573] {strides = array<i32>} : memref<1024xf32, #tpu.memory_space<vmem>>, vector<16xf32>,
        %get3A_1575 = vector.shape_cast %get3A_1574 : vector<16xf32> to vector<16xf32>
        %sub3A_1576 = arith.subf %get3A_1569, %mul3A_1151 : vector<16xf32>
        %mul3A_1577 = arith.mulf %sub3A_1576, %mul3A_1223 : vector<16xf32>
        %mul3A_1578 = arith.mulf %mul3A_1577, %get3A_1572 : vector<16xf32>
        %add3A_1579 = arith.addf %mul3A_1578, %get3A_1575 : vector<16xf32>
        %swap3A_1580 = arith.index_cast %scan3A_30 : i32 to index
        %swap3A_1581 = arith.constant 288 : index
        %swap3A_1582 = tpu.vector_load %arg9[%swap3A_1580, %swap3A_1581] {strides = array<i32>} : memref<16x1024xf32, #tpu.memory_space<vmem>>, vector<1x16xf32>,
        %swap3A_1583 = vector.shape_cast %swap3A_1582 : vector<1x16xf32> to vector<16xf32>
        %swap3A_1584 = vector.shape_cast %add3A_1579 : vector<16xf32> to vector<1x16xf32>
        tpu.vector_store %arg9[%swap3A_1580, %swap3A_1581], %swap3A_1584 {strides = array<i32>} : memref<16x1024xf32, #tpu.memory_space<vmem>>, vector<1x16xf32>,
        %get3A_1585 = arith.index_cast %scan3A_30 : i32 to index
        %get3A_1586 = arith.constant 304 : index
        %get3A_1587 = tpu.vector_load %arg9[%get3A_1585, %get3A_1586] {strides = array<i32>} : memref<16x1024xf32, #tpu.memory_space<vmem>>, vector<1x16xf32>,
        %get3A_1588 = vector.shape_cast %get3A_1587 : vector<1x16xf32> to vector<16xf32>
        %get3A_1589 = arith.constant 304 : index
        %get3A_1590 = tpu.vector_load %arg10[%get3A_1589] {strides = array<i32>} : memref<1024xf32, #tpu.memory_space<vmem>>, vector<16xf32>,
        %get3A_1591 = vector.shape_cast %get3A_1590 : vector<16xf32> to vector<16xf32>
        %get3A_1592 = arith.constant 304 : index
        %get3A_1593 = tpu.vector_load %arg11[%get3A_1592] {strides = array<i32>} : memref<1024xf32, #tpu.memory_space<vmem>>, vector<16xf32>,
        %get3A_1594 = vector.shape_cast %get3A_1593 : vector<16xf32> to vector<16xf32>
        %sub3A_1595 = arith.subf %get3A_1588, %mul3A_1151 : vector<16xf32>
        %mul3A_1596 = arith.mulf %sub3A_1595, %mul3A_1223 : vector<16xf32>
        %mul3A_1597 = arith.mulf %mul3A_1596, %get3A_1591 : vector<16xf32>
        %add3A_1598 = arith.addf %mul3A_1597, %get3A_1594 : vector<16xf32>
        %swap3A_1599 = arith.index_cast %scan3A_30 : i32 to index
        %swap3A_1600 = arith.constant 304 : index
        %swap3A_1601 = tpu.vector_load %arg9[%swap3A_1599, %swap3A_1600] {strides = array<i32>} : memref<16x1024xf32, #tpu.memory_space<vmem>>, vector<1x16xf32>,
        %swap3A_1602 = vector.shape_cast %swap3A_1601 : vector<1x16xf32> to vector<16xf32>
        %swap3A_1603 = vector.shape_cast %add3A_1598 : vector<16xf32> to vector<1x16xf32>
        tpu.vector_store %arg9[%swap3A_1599, %swap3A_1600], %swap3A_1603 {strides = array<i32>} : memref<16x1024xf32, #tpu.memory_space<vmem>>, vector<1x16xf32>,
        %get3A_1604 = arith.index_cast %scan3A_30 : i32 to index
        %get3A_1605 = arith.constant 320 : index
        %get3A_1606 = tpu.vector_load %arg9[%get3A_1604, %get3A_1605] {strides = array<i32>} : memref<16x1024xf32, #tpu.memory_space<vmem>>, vector<1x16xf32>,
        %get3A_1607 = vector.shape_cast %get3A_1606 : vector<1x16xf32> to vector<16xf32>
        %get3A_1608 = arith.constant 320 : index
        %get3A_1609 = tpu.vector_load %arg10[%get3A_1608] {strides = array<i32>} : memref<1024xf32, #tpu.memory_space<vmem>>, vector<16xf32>,
        %get3A_1610 = vector.shape_cast %get3A_1609 : vector<16xf32> to vector<16xf32>
        %get3A_1611 = arith.constant 320 : index
        %get3A_1612 = tpu.vector_load %arg11[%get3A_1611] {strides = array<i32>} : memref<1024xf32, #tpu.memory_space<vmem>>, vector<16xf32>,
        %get3A_1613 = vector.shape_cast %get3A_1612 : vector<16xf32> to vector<16xf32>
        %sub3A_1614 = arith.subf %get3A_1607, %mul3A_1151 : vector<16xf32>
        %mul3A_1615 = arith.mulf %sub3A_1614, %mul3A_1223 : vector<16xf32>
        %mul3A_1616 = arith.mulf %mul3A_1615, %get3A_1610 : vector<16xf32>
        %add3A_1617 = arith.addf %mul3A_1616, %get3A_1613 : vector<16xf32>
        %swap3A_1618 = arith.index_cast %scan3A_30 : i32 to index
        %swap3A_1619 = arith.constant 320 : index
        %swap3A_1620 = tpu.vector_load %arg9[%swap3A_1618, %swap3A_1619] {strides = array<i32>} : memref<16x1024xf32, #tpu.memory_space<vmem>>, vector<1x16xf32>,
        %swap3A_1621 = vector.shape_cast %swap3A_1620 : vector<1x16xf32> to vector<16xf32>
        %swap3A_1622 = vector.shape_cast %add3A_1617 : vector<16xf32> to vector<1x16xf32>
        tpu.vector_store %arg9[%swap3A_1618, %swap3A_1619], %swap3A_1622 {strides = array<i32>} : memref<16x1024xf32, #tpu.memory_space<vmem>>, vector<1x16xf32>,
        %get3A_1623 = arith.index_cast %scan3A_30 : i32 to index
        %get3A_1624 = arith.constant 336 : index
        %get3A_1625 = tpu.vector_load %arg9[%get3A_1623, %get3A_1624] {strides = array<i32>} : memref<16x1024xf32, #tpu.memory_space<vmem>>, vector<1x16xf32>,
        %get3A_1626 = vector.shape_cast %get3A_1625 : vector<1x16xf32> to vector<16xf32>
        %get3A_1627 = arith.constant 336 : index
        %get3A_1628 = tpu.vector_load %arg10[%get3A_1627] {strides = array<i32>} : memref<1024xf32, #tpu.memory_space<vmem>>, vector<16xf32>,
        %get3A_1629 = vector.shape_cast %get3A_1628 : vector<16xf32> to vector<16xf32>
        %get3A_1630 = arith.constant 336 : index
        %get3A_1631 = tpu.vector_load %arg11[%get3A_1630] {strides = array<i32>} : memref<1024xf32, #tpu.memory_space<vmem>>, vector<16xf32>,
        %get3A_1632 = vector.shape_cast %get3A_1631 : vector<16xf32> to vector<16xf32>
        %sub3A_1633 = arith.subf %get3A_1626, %mul3A_1151 : vector<16xf32>
        %mul3A_1634 = arith.mulf %sub3A_1633, %mul3A_1223 : vector<16xf32>
        %mul3A_1635 = arith.mulf %mul3A_1634, %get3A_1629 : vector<16xf32>
        %add3A_1636 = arith.addf %mul3A_1635, %get3A_1632 : vector<16xf32>
        %swap3A_1637 = arith.index_cast %scan3A_30 : i32 to index
        %swap3A_1638 = arith.constant 336 : index
        %swap3A_1639 = tpu.vector_load %arg9[%swap3A_1637, %swap3A_1638] {strides = array<i32>} : memref<16x1024xf32, #tpu.memory_space<vmem>>, vector<1x16xf32>,
        %swap3A_1640 = vector.shape_cast %swap3A_1639 : vector<1x16xf32> to vector<16xf32>
        %swap3A_1641 = vector.shape_cast %add3A_1636 : vector<16xf32> to vector<1x16xf32>
        tpu.vector_store %arg9[%swap3A_1637, %swap3A_1638], %swap3A_1641 {strides = array<i32>} : memref<16x1024xf32, #tpu.memory_space<vmem>>, vector<1x16xf32>,
        %get3A_1642 = arith.index_cast %scan3A_30 : i32 to index
        %get3A_1643 = arith.constant 352 : index
        %get3A_1644 = tpu.vector_load %arg9[%get3A_1642, %get3A_1643] {strides = array<i32>} : memref<16x1024xf32, #tpu.memory_space<vmem>>, vector<1x16xf32>,
        %get3A_1645 = vector.shape_cast %get3A_1644 : vector<1x16xf32> to vector<16xf32>
        %get3A_1646 = arith.constant 352 : index
        %get3A_1647 = tpu.vector_load %arg10[%get3A_1646] {strides = array<i32>} : memref<1024xf32, #tpu.memory_space<vmem>>, vector<16xf32>,
        %get3A_1648 = vector.shape_cast %get3A_1647 : vector<16xf32> to vector<16xf32>
        %get3A_1649 = arith.constant 352 : index
        %get3A_1650 = tpu.vector_load %arg11[%get3A_1649] {strides = array<i32>} : memref<1024xf32, #tpu.memory_space<vmem>>, vector<16xf32>,
        %get3A_1651 = vector.shape_cast %get3A_1650 : vector<16xf32> to vector<16xf32>
        %sub3A_1652 = arith.subf %get3A_1645, %mul3A_1151 : vector<16xf32>
        %mul3A_1653 = arith.mulf %sub3A_1652, %mul3A_1223 : vector<16xf32>
        %mul3A_1654 = arith.mulf %mul3A_1653, %get3A_1648 : vector<16xf32>
        %add3A_1655 = arith.addf %mul3A_1654, %get3A_1651 : vector<16xf32>
        %swap3A_1656 = arith.index_cast %scan3A_30 : i32 to index
        %swap3A_1657 = arith.constant 352 : index
        %swap3A_1658 = tpu.vector_load %arg9[%swap3A_1656, %swap3A_1657] {strides = array<i32>} : memref<16x1024xf32, #tpu.memory_space<vmem>>, vector<1x16xf32>,
        %swap3A_1659 = vector.shape_cast %swap3A_1658 : vector<1x16xf32> to vector<16xf32>
        %swap3A_1660 = vector.shape_cast %add3A_1655 : vector<16xf32> to vector<1x16xf32>
        tpu.vector_store %arg9[%swap3A_1656, %swap3A_1657], %swap3A_1660 {strides = array<i32>} : memref<16x1024xf32, #tpu.memory_space<vmem>>, vector<1x16xf32>,
        %get3A_1661 = arith.index_cast %scan3A_30 : i32 to index
        %get3A_1662 = arith.constant 368 : index
        %get3A_1663 = tpu.vector_load %arg9[%get3A_1661, %get3A_1662] {strides = array<i32>} : memref<16x1024xf32, #tpu.memory_space<vmem>>, vector<1x16xf32>,
        %get3A_1664 = vector.shape_cast %get3A_1663 : vector<1x16xf32> to vector<16xf32>
        %get3A_1665 = arith.constant 368 : index
        %get3A_1666 = tpu.vector_load %arg10[%get3A_1665] {strides = array<i32>} : memref<1024xf32, #tpu.memory_space<vmem>>, vector<16xf32>,
        %get3A_1667 = vector.shape_cast %get3A_1666 : vector<16xf32> to vector<16xf32>
        %get3A_1668 = arith.constant 368 : index
        %get3A_1669 = tpu.vector_load %arg11[%get3A_1668] {strides = array<i32>} : memref<1024xf32, #tpu.memory_space<vmem>>, vector<16xf32>,
        %get3A_1670 = vector.shape_cast %get3A_1669 : vector<16xf32> to vector<16xf32>
        %sub3A_1671 = arith.subf %get3A_1664, %mul3A_1151 : vector<16xf32>
        %mul3A_1672 = arith.mulf %sub3A_1671, %mul3A_1223 : vector<16xf32>
        %mul3A_1673 = arith.mulf %mul3A_1672, %get3A_1667 : vector<16xf32>
        %add3A_1674 = arith.addf %mul3A_1673, %get3A_1670 : vector<16xf32>
        %swap3A_1675 = arith.index_cast %scan3A_30 : i32 to index
        %swap3A_1676 = arith.constant 368 : index
        %swap3A_1677 = tpu.vector_load %arg9[%swap3A_1675, %swap3A_1676] {strides = array<i32>} : memref<16x1024xf32, #tpu.memory_space<vmem>>, vector<1x16xf32>,
        %swap3A_1678 = vector.shape_cast %swap3A_1677 : vector<1x16xf32> to vector<16xf32>
        %swap3A_1679 = vector.shape_cast %add3A_1674 : vector<16xf32> to vector<1x16xf32>
        tpu.vector_store %arg9[%swap3A_1675, %swap3A_1676], %swap3A_1679 {strides = array<i32>} : memref<16x1024xf32, #tpu.memory_space<vmem>>, vector<1x16xf32>,
        %get3A_1680 = arith.index_cast %scan3A_30 : i32 to index
        %get3A_1681 = arith.constant 384 : index
        %get3A_1682 = tpu.vector_load %arg9[%get3A_1680, %get3A_1681] {strides = array<i32>} : memref<16x1024xf32, #tpu.memory_space<vmem>>, vector<1x16xf32>,
        %get3A_1683 = vector.shape_cast %get3A_1682 : vector<1x16xf32> to vector<16xf32>
        %get3A_1684 = arith.constant 384 : index
        %get3A_1685 = tpu.vector_load %arg10[%get3A_1684] {strides = array<i32>} : memref<1024xf32, #tpu.memory_space<vmem>>, vector<16xf32>,
        %get3A_1686 = vector.shape_cast %get3A_1685 : vector<16xf32> to vector<16xf32>
        %get3A_1687 = arith.constant 384 : index
        %get3A_1688 = tpu.vector_load %arg11[%get3A_1687] {strides = array<i32>} : memref<1024xf32, #tpu.memory_space<vmem>>, vector<16xf32>,
        %get3A_1689 = vector.shape_cast %get3A_1688 : vector<16xf32> to vector<16xf32>
        %sub3A_1690 = arith.subf %get3A_1683, %mul3A_1151 : vector<16xf32>
        %mul3A_1691 = arith.mulf %sub3A_1690, %mul3A_1223 : vector<16xf32>
        %mul3A_1692 = arith.mulf %mul3A_1691, %get3A_1686 : vector<16xf32>
        %add3A_1693 = arith.addf %mul3A_1692, %get3A_1689 : vector<16xf32>
        %swap3A_1694 = arith.index_cast %scan3A_30 : i32 to index
        %swap3A_1695 = arith.constant 384 : index
        %swap3A_1696 = tpu.vector_load %arg9[%swap3A_1694, %swap3A_1695] {strides = array<i32>} : memref<16x1024xf32, #tpu.memory_space<vmem>>, vector<1x16xf32>,
        %swap3A_1697 = vector.shape_cast %swap3A_1696 : vector<1x16xf32> to vector<16xf32>
        %swap3A_1698 = vector.shape_cast %add3A_1693 : vector<16xf32> to vector<1x16xf32>
        tpu.vector_store %arg9[%swap3A_1694, %swap3A_1695], %swap3A_1698 {strides = array<i32>} : memref<16x1024xf32, #tpu.memory_space<vmem>>, vector<1x16xf32>,
        %get3A_1699 = arith.index_cast %scan3A_30 : i32 to index
        %get3A_1700 = arith.constant 400 : index
        %get3A_1701 = tpu.vector_load %arg9[%get3A_1699, %get3A_1700] {strides = array<i32>} : memref<16x1024xf32, #tpu.memory_space<vmem>>, vector<1x16xf32>,
        %get3A_1702 = vector.shape_cast %get3A_1701 : vector<1x16xf32> to vector<16xf32>
        %get3A_1703 = arith.constant 400 : index
        %get3A_1704 = tpu.vector_load %arg10[%get3A_1703] {strides = array<i32>} : memref<1024xf32, #tpu.memory_space<vmem>>, vector<16xf32>,
        %get3A_1705 = vector.shape_cast %get3A_1704 : vector<16xf32> to vector<16xf32>
        %get3A_1706 = arith.constant 400 : index
        %get3A_1707 = tpu.vector_load %arg11[%get3A_1706] {strides = array<i32>} : memref<1024xf32, #tpu.memory_space<vmem>>, vector<16xf32>,
        %get3A_1708 = vector.shape_cast %get3A_1707 : vector<16xf32> to vector<16xf32>
        %sub3A_1709 = arith.subf %get3A_1702, %mul3A_1151 : vector<16xf32>
        %mul3A_1710 = arith.mulf %sub3A_1709, %mul3A_1223 : vector<16xf32>
        %mul3A_1711 = arith.mulf %mul3A_1710, %get3A_1705 : vector<16xf32>
        %add3A_1712 = arith.addf %mul3A_1711, %get3A_1708 : vector<16xf32>
        %swap3A_1713 = arith.index_cast %scan3A_30 : i32 to index
        %swap3A_1714 = arith.constant 400 : index
        %swap3A_1715 = tpu.vector_load %arg9[%swap3A_1713, %swap3A_1714] {strides = array<i32>} : memref<16x1024xf32, #tpu.memory_space<vmem>>, vector<1x16xf32>,
        %swap3A_1716 = vector.shape_cast %swap3A_1715 : vector<1x16xf32> to vector<16xf32>
        %swap3A_1717 = vector.shape_cast %add3A_1712 : vector<16xf32> to vector<1x16xf32>
        tpu.vector_store %arg9[%swap3A_1713, %swap3A_1714], %swap3A_1717 {strides = array<i32>} : memref<16x1024xf32, #tpu.memory_space<vmem>>, vector<1x16xf32>,
        %get3A_1718 = arith.index_cast %scan3A_30 : i32 to index
        %get3A_1719 = arith.constant 416 : index
        %get3A_1720 = tpu.vector_load %arg9[%get3A_1718, %get3A_1719] {strides = array<i32>} : memref<16x1024xf32, #tpu.memory_space<vmem>>, vector<1x16xf32>,
        %get3A_1721 = vector.shape_cast %get3A_1720 : vector<1x16xf32> to vector<16xf32>
        %get3A_1722 = arith.constant 416 : index
        %get3A_1723 = tpu.vector_load %arg10[%get3A_1722] {strides = array<i32>} : memref<1024xf32, #tpu.memory_space<vmem>>, vector<16xf32>,
        %get3A_1724 = vector.shape_cast %get3A_1723 : vector<16xf32> to vector<16xf32>
        %get3A_1725 = arith.constant 416 : index
        %get3A_1726 = tpu.vector_load %arg11[%get3A_1725] {strides = array<i32>} : memref<1024xf32, #tpu.memory_space<vmem>>, vector<16xf32>,
        %get3A_1727 = vector.shape_cast %get3A_1726 : vector<16xf32> to vector<16xf32>
        %sub3A_1728 = arith.subf %get3A_1721, %mul3A_1151 : vector<16xf32>
        %mul3A_1729 = arith.mulf %sub3A_1728, %mul3A_1223 : vector<16xf32>
        %mul3A_1730 = arith.mulf %mul3A_1729, %get3A_1724 : vector<16xf32>
        %add3A_1731 = arith.addf %mul3A_1730, %get3A_1727 : vector<16xf32>
        %swap3A_1732 = arith.index_cast %scan3A_30 : i32 to index
        %swap3A_1733 = arith.constant 416 : index
        %swap3A_1734 = tpu.vector_load %arg9[%swap3A_1732, %swap3A_1733] {strides = array<i32>} : memref<16x1024xf32, #tpu.memory_space<vmem>>, vector<1x16xf32>,
        %swap3A_1735 = vector.shape_cast %swap3A_1734 : vector<1x16xf32> to vector<16xf32>
        %swap3A_1736 = vector.shape_cast %add3A_1731 : vector<16xf32> to vector<1x16xf32>
        tpu.vector_store %arg9[%swap3A_1732, %swap3A_1733], %swap3A_1736 {strides = array<i32>} : memref<16x1024xf32, #tpu.memory_space<vmem>>, vector<1x16xf32>,
        %get3A_1737 = arith.index_cast %scan3A_30 : i32 to index
        %get3A_1738 = arith.constant 432 : index
        %get3A_1739 = tpu.vector_load %arg9[%get3A_1737, %get3A_1738] {strides = array<i32>} : memref<16x1024xf32, #tpu.memory_space<vmem>>, vector<1x16xf32>,
        %get3A_1740 = vector.shape_cast %get3A_1739 : vector<1x16xf32> to vector<16xf32>
        %get3A_1741 = arith.constant 432 : index
        %get3A_1742 = tpu.vector_load %arg10[%get3A_1741] {strides = array<i32>} : memref<1024xf32, #tpu.memory_space<vmem>>, vector<16xf32>,
        %get3A_1743 = vector.shape_cast %get3A_1742 : vector<16xf32> to vector<16xf32>
        %get3A_1744 = arith.constant 432 : index
        %get3A_1745 = tpu.vector_load %arg11[%get3A_1744] {strides = array<i32>} : memref<1024xf32, #tpu.memory_space<vmem>>, vector<16xf32>,
        %get3A_1746 = vector.shape_cast %get3A_1745 : vector<16xf32> to vector<16xf32>
        %sub3A_1747 = arith.subf %get3A_1740, %mul3A_1151 : vector<16xf32>
        %mul3A_1748 = arith.mulf %sub3A_1747, %mul3A_1223 : vector<16xf32>
        %mul3A_1749 = arith.mulf %mul3A_1748, %get3A_1743 : vector<16xf32>
        %add3A_1750 = arith.addf %mul3A_1749, %get3A_1746 : vector<16xf32>
        %swap3A_1751 = arith.index_cast %scan3A_30 : i32 to index
        %swap3A_1752 = arith.constant 432 : index
        %swap3A_1753 = tpu.vector_load %arg9[%swap3A_1751, %swap3A_1752] {strides = array<i32>} : memref<16x1024xf32, #tpu.memory_space<vmem>>, vector<1x16xf32>,
        %swap3A_1754 = vector.shape_cast %swap3A_1753 : vector<1x16xf32> to vector<16xf32>
        %swap3A_1755 = vector.shape_cast %add3A_1750 : vector<16xf32> to vector<1x16xf32>
        tpu.vector_store %arg9[%swap3A_1751, %swap3A_1752], %swap3A_1755 {strides = array<i32>} : memref<16x1024xf32, #tpu.memory_space<vmem>>, vector<1x16xf32>,
        %get3A_1756 = arith.index_cast %scan3A_30 : i32 to index
        %get3A_1757 = arith.constant 448 : index
        %get3A_1758 = tpu.vector_load %arg9[%get3A_1756, %get3A_1757] {strides = array<i32>} : memref<16x1024xf32, #tpu.memory_space<vmem>>, vector<1x16xf32>,
        %get3A_1759 = vector.shape_cast %get3A_1758 : vector<1x16xf32> to vector<16xf32>
        %get3A_1760 = arith.constant 448 : index
        %get3A_1761 = tpu.vector_load %arg10[%get3A_1760] {strides = array<i32>} : memref<1024xf32, #tpu.memory_space<vmem>>, vector<16xf32>,
        %get3A_1762 = vector.shape_cast %get3A_1761 : vector<16xf32> to vector<16xf32>
        %get3A_1763 = arith.constant 448 : index
        %get3A_1764 = tpu.vector_load %arg11[%get3A_1763] {strides = array<i32>} : memref<1024xf32, #tpu.memory_space<vmem>>, vector<16xf32>,
        %get3A_1765 = vector.shape_cast %get3A_1764 : vector<16xf32> to vector<16xf32>
        %sub3A_1766 = arith.subf %get3A_1759, %mul3A_1151 : vector<16xf32>
        %mul3A_1767 = arith.mulf %sub3A_1766, %mul3A_1223 : vector<16xf32>
        %mul3A_1768 = arith.mulf %mul3A_1767, %get3A_1762 : vector<16xf32>
        %add3A_1769 = arith.addf %mul3A_1768, %get3A_1765 : vector<16xf32>
        %swap3A_1770 = arith.index_cast %scan3A_30 : i32 to index
        %swap3A_1771 = arith.constant 448 : index
        %swap3A_1772 = tpu.vector_load %arg9[%swap3A_1770, %swap3A_1771] {strides = array<i32>} : memref<16x1024xf32, #tpu.memory_space<vmem>>, vector<1x16xf32>,
        %swap3A_1773 = vector.shape_cast %swap3A_1772 : vector<1x16xf32> to vector<16xf32>
        %swap3A_1774 = vector.shape_cast %add3A_1769 : vector<16xf32> to vector<1x16xf32>
        tpu.vector_store %arg9[%swap3A_1770, %swap3A_1771], %swap3A_1774 {strides = array<i32>} : memref<16x1024xf32, #tpu.memory_space<vmem>>, vector<1x16xf32>,
        %get3A_1775 = arith.index_cast %scan3A_30 : i32 to index
        %get3A_1776 = arith.constant 464 : index
        %get3A_1777 = tpu.vector_load %arg9[%get3A_1775, %get3A_1776] {strides = array<i32>} : memref<16x1024xf32, #tpu.memory_space<vmem>>, vector<1x16xf32>,
        %get3A_1778 = vector.shape_cast %get3A_1777 : vector<1x16xf32> to vector<16xf32>
        %get3A_1779 = arith.constant 464 : index
        %get3A_1780 = tpu.vector_load %arg10[%get3A_1779] {strides = array<i32>} : memref<1024xf32, #tpu.memory_space<vmem>>, vector<16xf32>,
        %get3A_1781 = vector.shape_cast %get3A_1780 : vector<16xf32> to vector<16xf32>
        %get3A_1782 = arith.constant 464 : index
        %get3A_1783 = tpu.vector_load %arg11[%get3A_1782] {strides = array<i32>} : memref<1024xf32, #tpu.memory_space<vmem>>, vector<16xf32>,
        %get3A_1784 = vector.shape_cast %get3A_1783 : vector<16xf32> to vector<16xf32>
        %sub3A_1785 = arith.subf %get3A_1778, %mul3A_1151 : vector<16xf32>
        %mul3A_1786 = arith.mulf %sub3A_1785, %mul3A_1223 : vector<16xf32>
        %mul3A_1787 = arith.mulf %mul3A_1786, %get3A_1781 : vector<16xf32>
        %add3A_1788 = arith.addf %mul3A_1787, %get3A_1784 : vector<16xf32>
        %swap3A_1789 = arith.index_cast %scan3A_30 : i32 to index
        %swap3A_1790 = arith.constant 464 : index
        %swap3A_1791 = tpu.vector_load %arg9[%swap3A_1789, %swap3A_1790] {strides = array<i32>} : memref<16x1024xf32, #tpu.memory_space<vmem>>, vector<1x16xf32>,
        %swap3A_1792 = vector.shape_cast %swap3A_1791 : vector<1x16xf32> to vector<16xf32>
        %swap3A_1793 = vector.shape_cast %add3A_1788 : vector<16xf32> to vector<1x16xf32>
        tpu.vector_store %arg9[%swap3A_1789, %swap3A_1790], %swap3A_1793 {strides = array<i32>} : memref<16x1024xf32, #tpu.memory_space<vmem>>, vector<1x16xf32>,
        %get3A_1794 = arith.index_cast %scan3A_30 : i32 to index
        %get3A_1795 = arith.constant 480 : index
        %get3A_1796 = tpu.vector_load %arg9[%get3A_1794, %get3A_1795] {strides = array<i32>} : memref<16x1024xf32, #tpu.memory_space<vmem>>, vector<1x16xf32>,
        %get3A_1797 = vector.shape_cast %get3A_1796 : vector<1x16xf32> to vector<16xf32>
        %get3A_1798 = arith.constant 480 : index
        %get3A_1799 = tpu.vector_load %arg10[%get3A_1798] {strides = array<i32>} : memref<1024xf32, #tpu.memory_space<vmem>>, vector<16xf32>,
        %get3A_1800 = vector.shape_cast %get3A_1799 : vector<16xf32> to vector<16xf32>
        %get3A_1801 = arith.constant 480 : index
        %get3A_1802 = tpu.vector_load %arg11[%get3A_1801] {strides = array<i32>} : memref<1024xf32, #tpu.memory_space<vmem>>, vector<16xf32>,
        %get3A_1803 = vector.shape_cast %get3A_1802 : vector<16xf32> to vector<16xf32>
        %sub3A_1804 = arith.subf %get3A_1797, %mul3A_1151 : vector<16xf32>
        %mul3A_1805 = arith.mulf %sub3A_1804, %mul3A_1223 : vector<16xf32>
        %mul3A_1806 = arith.mulf %mul3A_1805, %get3A_1800 : vector<16xf32>
        %add3A_1807 = arith.addf %mul3A_1806, %get3A_1803 : vector<16xf32>
        %swap3A_1808 = arith.index_cast %scan3A_30 : i32 to index
        %swap3A_1809 = arith.constant 480 : index
        %swap3A_1810 = tpu.vector_load %arg9[%swap3A_1808, %swap3A_1809] {strides = array<i32>} : memref<16x1024xf32, #tpu.memory_space<vmem>>, vector<1x16xf32>,
        %swap3A_1811 = vector.shape_cast %swap3A_1810 : vector<1x16xf32> to vector<16xf32>
        %swap3A_1812 = vector.shape_cast %add3A_1807 : vector<16xf32> to vector<1x16xf32>
        tpu.vector_store %arg9[%swap3A_1808, %swap3A_1809], %swap3A_1812 {strides = array<i32>} : memref<16x1024xf32, #tpu.memory_space<vmem>>, vector<1x16xf32>,
        %get3A_1813 = arith.index_cast %scan3A_30 : i32 to index
        %get3A_1814 = arith.constant 496 : index
        %get3A_1815 = tpu.vector_load %arg9[%get3A_1813, %get3A_1814] {strides = array<i32>} : memref<16x1024xf32, #tpu.memory_space<vmem>>, vector<1x16xf32>,
        %get3A_1816 = vector.shape_cast %get3A_1815 : vector<1x16xf32> to vector<16xf32>
        %get3A_1817 = arith.constant 496 : index
        %get3A_1818 = tpu.vector_load %arg10[%get3A_1817] {strides = array<i32>} : memref<1024xf32, #tpu.memory_space<vmem>>, vector<16xf32>,
        %get3A_1819 = vector.shape_cast %get3A_1818 : vector<16xf32> to vector<16xf32>
        %get3A_1820 = arith.constant 496 : index
        %get3A_1821 = tpu.vector_load %arg11[%get3A_1820] {strides = array<i32>} : memref<1024xf32, #tpu.memory_space<vmem>>, vector<16xf32>,
        %get3A_1822 = vector.shape_cast %get3A_1821 : vector<16xf32> to vector<16xf32>
        %sub3A_1823 = arith.subf %get3A_1816, %mul3A_1151 : vector<16xf32>
        %mul3A_1824 = arith.mulf %sub3A_1823, %mul3A_1223 : vector<16xf32>
        %mul3A_1825 = arith.mulf %mul3A_1824, %get3A_1819 : vector<16xf32>
        %add3A_1826 = arith.addf %mul3A_1825, %get3A_1822 : vector<16xf32>
        %swap3A_1827 = arith.index_cast %scan3A_30 : i32 to index
        %swap3A_1828 = arith.constant 496 : index
        %swap3A_1829 = tpu.vector_load %arg9[%swap3A_1827, %swap3A_1828] {strides = array<i32>} : memref<16x1024xf32, #tpu.memory_space<vmem>>, vector<1x16xf32>,
        %swap3A_1830 = vector.shape_cast %swap3A_1829 : vector<1x16xf32> to vector<16xf32>
        %swap3A_1831 = vector.shape_cast %add3A_1826 : vector<16xf32> to vector<1x16xf32>
        tpu.vector_store %arg9[%swap3A_1827, %swap3A_1828], %swap3A_1831 {strides = array<i32>} : memref<16x1024xf32, #tpu.memory_space<vmem>>, vector<1x16xf32>,
        %get3A_1832 = arith.index_cast %scan3A_30 : i32 to index
        %get3A_1833 = arith.constant 512 : index
        %get3A_1834 = tpu.vector_load %arg9[%get3A_1832, %get3A_1833] {strides = array<i32>} : memref<16x1024xf32, #tpu.memory_space<vmem>>, vector<1x16xf32>,
        %get3A_1835 = vector.shape_cast %get3A_1834 : vector<1x16xf32> to vector<16xf32>
        %get3A_1836 = arith.constant 512 : index
        %get3A_1837 = tpu.vector_load %arg10[%get3A_1836] {strides = array<i32>} : memref<1024xf32, #tpu.memory_space<vmem>>, vector<16xf32>,
        %get3A_1838 = vector.shape_cast %get3A_1837 : vector<16xf32> to vector<16xf32>
        %get3A_1839 = arith.constant 512 : index
        %get3A_1840 = tpu.vector_load %arg11[%get3A_1839] {strides = array<i32>} : memref<1024xf32, #tpu.memory_space<vmem>>, vector<16xf32>,
        %get3A_1841 = vector.shape_cast %get3A_1840 : vector<16xf32> to vector<16xf32>
        %sub3A_1842 = arith.subf %get3A_1835, %mul3A_1151 : vector<16xf32>
        %mul3A_1843 = arith.mulf %sub3A_1842, %mul3A_1223 : vector<16xf32>
        %mul3A_1844 = arith.mulf %mul3A_1843, %get3A_1838 : vector<16xf32>
        %add3A_1845 = arith.addf %mul3A_1844, %get3A_1841 : vector<16xf32>
        %swap3A_1846 = arith.index_cast %scan3A_30 : i32 to index
        %swap3A_1847 = arith.constant 512 : index
        %swap3A_1848 = tpu.vector_load %arg9[%swap3A_1846, %swap3A_1847] {strides = array<i32>} : memref<16x1024xf32, #tpu.memory_space<vmem>>, vector<1x16xf32>,
        %swap3A_1849 = vector.shape_cast %swap3A_1848 : vector<1x16xf32> to vector<16xf32>
        %swap3A_1850 = vector.shape_cast %add3A_1845 : vector<16xf32> to vector<1x16xf32>
        tpu.vector_store %arg9[%swap3A_1846, %swap3A_1847], %swap3A_1850 {strides = array<i32>} : memref<16x1024xf32, #tpu.memory_space<vmem>>, vector<1x16xf32>,
        %get3A_1851 = arith.index_cast %scan3A_30 : i32 to index
        %get3A_1852 = arith.constant 528 : index
        %get3A_1853 = tpu.vector_load %arg9[%get3A_1851, %get3A_1852] {strides = array<i32>} : memref<16x1024xf32, #tpu.memory_space<vmem>>, vector<1x16xf32>,
        %get3A_1854 = vector.shape_cast %get3A_1853 : vector<1x16xf32> to vector<16xf32>
        %get3A_1855 = arith.constant 528 : index
        %get3A_1856 = tpu.vector_load %arg10[%get3A_1855] {strides = array<i32>} : memref<1024xf32, #tpu.memory_space<vmem>>, vector<16xf32>,
        %get3A_1857 = vector.shape_cast %get3A_1856 : vector<16xf32> to vector<16xf32>
        %get3A_1858 = arith.constant 528 : index
        %get3A_1859 = tpu.vector_load %arg11[%get3A_1858] {strides = array<i32>} : memref<1024xf32, #tpu.memory_space<vmem>>, vector<16xf32>,
        %get3A_1860 = vector.shape_cast %get3A_1859 : vector<16xf32> to vector<16xf32>
        %sub3A_1861 = arith.subf %get3A_1854, %mul3A_1151 : vector<16xf32>
        %mul3A_1862 = arith.mulf %sub3A_1861, %mul3A_1223 : vector<16xf32>
        %mul3A_1863 = arith.mulf %mul3A_1862, %get3A_1857 : vector<16xf32>
        %add3A_1864 = arith.addf %mul3A_1863, %get3A_1860 : vector<16xf32>
        %swap3A_1865 = arith.index_cast %scan3A_30 : i32 to index
        %swap3A_1866 = arith.constant 528 : index
        %swap3A_1867 = tpu.vector_load %arg9[%swap3A_1865, %swap3A_1866] {strides = array<i32>} : memref<16x1024xf32, #tpu.memory_space<vmem>>, vector<1x16xf32>,
        %swap3A_1868 = vector.shape_cast %swap3A_1867 : vector<1x16xf32> to vector<16xf32>
        %swap3A_1869 = vector.shape_cast %add3A_1864 : vector<16xf32> to vector<1x16xf32>
        tpu.vector_store %arg9[%swap3A_1865, %swap3A_1866], %swap3A_1869 {strides = array<i32>} : memref<16x1024xf32, #tpu.memory_space<vmem>>, vector<1x16xf32>,
        %get3A_1870 = arith.index_cast %scan3A_30 : i32 to index
        %get3A_1871 = arith.constant 544 : index
        %get3A_1872 = tpu.vector_load %arg9[%get3A_1870, %get3A_1871] {strides = array<i32>} : memref<16x1024xf32, #tpu.memory_space<vmem>>, vector<1x16xf32>,
        %get3A_1873 = vector.shape_cast %get3A_1872 : vector<1x16xf32> to vector<16xf32>
        %get3A_1874 = arith.constant 544 : index
        %get3A_1875 = tpu.vector_load %arg10[%get3A_1874] {strides = array<i32>} : memref<1024xf32, #tpu.memory_space<vmem>>, vector<16xf32>,
        %get3A_1876 = vector.shape_cast %get3A_1875 : vector<16xf32> to vector<16xf32>
        %get3A_1877 = arith.constant 544 : index
        %get3A_1878 = tpu.vector_load %arg11[%get3A_1877] {strides = array<i32>} : memref<1024xf32, #tpu.memory_space<vmem>>, vector<16xf32>,
        %get3A_1879 = vector.shape_cast %get3A_1878 : vector<16xf32> to vector<16xf32>
        %sub3A_1880 = arith.subf %get3A_1873, %mul3A_1151 : vector<16xf32>
        %mul3A_1881 = arith.mulf %sub3A_1880, %mul3A_1223 : vector<16xf32>
        %mul3A_1882 = arith.mulf %mul3A_1881, %get3A_1876 : vector<16xf32>
        %add3A_1883 = arith.addf %mul3A_1882, %get3A_1879 : vector<16xf32>
        %swap3A_1884 = arith.index_cast %scan3A_30 : i32 to index
        %swap3A_1885 = arith.constant 544 : index
        %swap3A_1886 = tpu.vector_load %arg9[%swap3A_1884, %swap3A_1885] {strides = array<i32>} : memref<16x1024xf32, #tpu.memory_space<vmem>>, vector<1x16xf32>,
        %swap3A_1887 = vector.shape_cast %swap3A_1886 : vector<1x16xf32> to vector<16xf32>
        %swap3A_1888 = vector.shape_cast %add3A_1883 : vector<16xf32> to vector<1x16xf32>
        tpu.vector_store %arg9[%swap3A_1884, %swap3A_1885], %swap3A_1888 {strides = array<i32>} : memref<16x1024xf32, #tpu.memory_space<vmem>>, vector<1x16xf32>,
        %get3A_1889 = arith.index_cast %scan3A_30 : i32 to index
        %get3A_1890 = arith.constant 560 : index
        %get3A_1891 = tpu.vector_load %arg9[%get3A_1889, %get3A_1890] {strides = array<i32>} : memref<16x1024xf32, #tpu.memory_space<vmem>>, vector<1x16xf32>,
        %get3A_1892 = vector.shape_cast %get3A_1891 : vector<1x16xf32> to vector<16xf32>
        %get3A_1893 = arith.constant 560 : index
        %get3A_1894 = tpu.vector_load %arg10[%get3A_1893] {strides = array<i32>} : memref<1024xf32, #tpu.memory_space<vmem>>, vector<16xf32>,
        %get3A_1895 = vector.shape_cast %get3A_1894 : vector<16xf32> to vector<16xf32>
        %get3A_1896 = arith.constant 560 : index
        %get3A_1897 = tpu.vector_load %arg11[%get3A_1896] {strides = array<i32>} : memref<1024xf32, #tpu.memory_space<vmem>>, vector<16xf32>,
        %get3A_1898 = vector.shape_cast %get3A_1897 : vector<16xf32> to vector<16xf32>
        %sub3A_1899 = arith.subf %get3A_1892, %mul3A_1151 : vector<16xf32>
        %mul3A_1900 = arith.mulf %sub3A_1899, %mul3A_1223 : vector<16xf32>
        %mul3A_1901 = arith.mulf %mul3A_1900, %get3A_1895 : vector<16xf32>
        %add3A_1902 = arith.addf %mul3A_1901, %get3A_1898 : vector<16xf32>
        %swap3A_1903 = arith.index_cast %scan3A_30 : i32 to index
        %swap3A_1904 = arith.constant 560 : index
        %swap3A_1905 = tpu.vector_load %arg9[%swap3A_1903, %swap3A_1904] {strides = array<i32>} : memref<16x1024xf32, #tpu.memory_space<vmem>>, vector<1x16xf32>,
        %swap3A_1906 = vector.shape_cast %swap3A_1905 : vector<1x16xf32> to vector<16xf32>
        %swap3A_1907 = vector.shape_cast %add3A_1902 : vector<16xf32> to vector<1x16xf32>
        tpu.vector_store %arg9[%swap3A_1903, %swap3A_1904], %swap3A_1907 {strides = array<i32>} : memref<16x1024xf32, #tpu.memory_space<vmem>>, vector<1x16xf32>,
        %get3A_1908 = arith.index_cast %scan3A_30 : i32 to index
        %get3A_1909 = arith.constant 576 : index
        %get3A_1910 = tpu.vector_load %arg9[%get3A_1908, %get3A_1909] {strides = array<i32>} : memref<16x1024xf32, #tpu.memory_space<vmem>>, vector<1x16xf32>,
        %get3A_1911 = vector.shape_cast %get3A_1910 : vector<1x16xf32> to vector<16xf32>
        %get3A_1912 = arith.constant 576 : index
        %get3A_1913 = tpu.vector_load %arg10[%get3A_1912] {strides = array<i32>} : memref<1024xf32, #tpu.memory_space<vmem>>, vector<16xf32>,
        %get3A_1914 = vector.shape_cast %get3A_1913 : vector<16xf32> to vector<16xf32>
        %get3A_1915 = arith.constant 576 : index
        %get3A_1916 = tpu.vector_load %arg11[%get3A_1915] {strides = array<i32>} : memref<1024xf32, #tpu.memory_space<vmem>>, vector<16xf32>,
        %get3A_1917 = vector.shape_cast %get3A_1916 : vector<16xf32> to vector<16xf32>
        %sub3A_1918 = arith.subf %get3A_1911, %mul3A_1151 : vector<16xf32>
        %mul3A_1919 = arith.mulf %sub3A_1918, %mul3A_1223 : vector<16xf32>
        %mul3A_1920 = arith.mulf %mul3A_1919, %get3A_1914 : vector<16xf32>
        %add3A_1921 = arith.addf %mul3A_1920, %get3A_1917 : vector<16xf32>
        %swap3A_1922 = arith.index_cast %scan3A_30 : i32 to index
        %swap3A_1923 = arith.constant 576 : index
        %swap3A_1924 = tpu.vector_load %arg9[%swap3A_1922, %swap3A_1923] {strides = array<i32>} : memref<16x1024xf32, #tpu.memory_space<vmem>>, vector<1x16xf32>,
        %swap3A_1925 = vector.shape_cast %swap3A_1924 : vector<1x16xf32> to vector<16xf32>
        %swap3A_1926 = vector.shape_cast %add3A_1921 : vector<16xf32> to vector<1x16xf32>
        tpu.vector_store %arg9[%swap3A_1922, %swap3A_1923], %swap3A_1926 {strides = array<i32>} : memref<16x1024xf32, #tpu.memory_space<vmem>>, vector<1x16xf32>,
        %get3A_1927 = arith.index_cast %scan3A_30 : i32 to index
        %get3A_1928 = arith.constant 592 : index
        %get3A_1929 = tpu.vector_load %arg9[%get3A_1927, %get3A_1928] {strides = array<i32>} : memref<16x1024xf32, #tpu.memory_space<vmem>>, vector<1x16xf32>,
        %get3A_1930 = vector.shape_cast %get3A_1929 : vector<1x16xf32> to vector<16xf32>
        %get3A_1931 = arith.constant 592 : index
        %get3A_1932 = tpu.vector_load %arg10[%get3A_1931] {strides = array<i32>} : memref<1024xf32, #tpu.memory_space<vmem>>, vector<16xf32>,
        %get3A_1933 = vector.shape_cast %get3A_1932 : vector<16xf32> to vector<16xf32>
        %get3A_1934 = arith.constant 592 : index
        %get3A_1935 = tpu.vector_load %arg11[%get3A_1934] {strides = array<i32>} : memref<1024xf32, #tpu.memory_space<vmem>>, vector<16xf32>,
        %get3A_1936 = vector.shape_cast %get3A_1935 : vector<16xf32> to vector<16xf32>
        %sub3A_1937 = arith.subf %get3A_1930, %mul3A_1151 : vector<16xf32>
        %mul3A_1938 = arith.mulf %sub3A_1937, %mul3A_1223 : vector<16xf32>
        %mul3A_1939 = arith.mulf %mul3A_1938, %get3A_1933 : vector<16xf32>
        %add3A_1940 = arith.addf %mul3A_1939, %get3A_1936 : vector<16xf32>
        %swap3A_1941 = arith.index_cast %scan3A_30 : i32 to index
        %swap3A_1942 = arith.constant 592 : index
        %swap3A_1943 = tpu.vector_load %arg9[%swap3A_1941, %swap3A_1942] {strides = array<i32>} : memref<16x1024xf32, #tpu.memory_space<vmem>>, vector<1x16xf32>,
        %swap3A_1944 = vector.shape_cast %swap3A_1943 : vector<1x16xf32> to vector<16xf32>
        %swap3A_1945 = vector.shape_cast %add3A_1940 : vector<16xf32> to vector<1x16xf32>
        tpu.vector_store %arg9[%swap3A_1941, %swap3A_1942], %swap3A_1945 {strides = array<i32>} : memref<16x1024xf32, #tpu.memory_space<vmem>>, vector<1x16xf32>,
        %get3A_1946 = arith.index_cast %scan3A_30 : i32 to index
        %get3A_1947 = arith.constant 608 : index
        %get3A_1948 = tpu.vector_load %arg9[%get3A_1946, %get3A_1947] {strides = array<i32>} : memref<16x1024xf32, #tpu.memory_space<vmem>>, vector<1x16xf32>,
        %get3A_1949 = vector.shape_cast %get3A_1948 : vector<1x16xf32> to vector<16xf32>
        %get3A_1950 = arith.constant 608 : index
        %get3A_1951 = tpu.vector_load %arg10[%get3A_1950] {strides = array<i32>} : memref<1024xf32, #tpu.memory_space<vmem>>, vector<16xf32>,
        %get3A_1952 = vector.shape_cast %get3A_1951 : vector<16xf32> to vector<16xf32>
        %get3A_1953 = arith.constant 608 : index
        %get3A_1954 = tpu.vector_load %arg11[%get3A_1953] {strides = array<i32>} : memref<1024xf32, #tpu.memory_space<vmem>>, vector<16xf32>,
        %get3A_1955 = vector.shape_cast %get3A_1954 : vector<16xf32> to vector<16xf32>
        %sub3A_1956 = arith.subf %get3A_1949, %mul3A_1151 : vector<16xf32>
        %mul3A_1957 = arith.mulf %sub3A_1956, %mul3A_1223 : vector<16xf32>
        %mul3A_1958 = arith.mulf %mul3A_1957, %get3A_1952 : vector<16xf32>
        %add3A_1959 = arith.addf %mul3A_1958, %get3A_1955 : vector<16xf32>
        %swap3A_1960 = arith.index_cast %scan3A_30 : i32 to index
        %swap3A_1961 = arith.constant 608 : index
        %swap3A_1962 = tpu.vector_load %arg9[%swap3A_1960, %swap3A_1961] {strides = array<i32>} : memref<16x1024xf32, #tpu.memory_space<vmem>>, vector<1x16xf32>,
        %swap3A_1963 = vector.shape_cast %swap3A_1962 : vector<1x16xf32> to vector<16xf32>
        %swap3A_1964 = vector.shape_cast %add3A_1959 : vector<16xf32> to vector<1x16xf32>
        tpu.vector_store %arg9[%swap3A_1960, %swap3A_1961], %swap3A_1964 {strides = array<i32>} : memref<16x1024xf32, #tpu.memory_space<vmem>>, vector<1x16xf32>,
        %get3A_1965 = arith.index_cast %scan3A_30 : i32 to index
        %get3A_1966 = arith.constant 624 : index
        %get3A_1967 = tpu.vector_load %arg9[%get3A_1965, %get3A_1966] {strides = array<i32>} : memref<16x1024xf32, #tpu.memory_space<vmem>>, vector<1x16xf32>,
        %get3A_1968 = vector.shape_cast %get3A_1967 : vector<1x16xf32> to vector<16xf32>
        %get3A_1969 = arith.constant 624 : index
        %get3A_1970 = tpu.vector_load %arg10[%get3A_1969] {strides = array<i32>} : memref<1024xf32, #tpu.memory_space<vmem>>, vector<16xf32>,
        %get3A_1971 = vector.shape_cast %get3A_1970 : vector<16xf32> to vector<16xf32>
        %get3A_1972 = arith.constant 624 : index
        %get3A_1973 = tpu.vector_load %arg11[%get3A_1972] {strides = array<i32>} : memref<1024xf32, #tpu.memory_space<vmem>>, vector<16xf32>,
        %get3A_1974 = vector.shape_cast %get3A_1973 : vector<16xf32> to vector<16xf32>
        %sub3A_1975 = arith.subf %get3A_1968, %mul3A_1151 : vector<16xf32>
        %mul3A_1976 = arith.mulf %sub3A_1975, %mul3A_1223 : vector<16xf32>
        %mul3A_1977 = arith.mulf %mul3A_1976, %get3A_1971 : vector<16xf32>
        %add3A_1978 = arith.addf %mul3A_1977, %get3A_1974 : vector<16xf32>
        %swap3A_1979 = arith.index_cast %scan3A_30 : i32 to index
        %swap3A_1980 = arith.constant 624 : index
        %swap3A_1981 = tpu.vector_load %arg9[%swap3A_1979, %swap3A_1980] {strides = array<i32>} : memref<16x1024xf32, #tpu.memory_space<vmem>>, vector<1x16xf32>,
        %swap3A_1982 = vector.shape_cast %swap3A_1981 : vector<1x16xf32> to vector<16xf32>
        %swap3A_1983 = vector.shape_cast %add3A_1978 : vector<16xf32> to vector<1x16xf32>
        tpu.vector_store %arg9[%swap3A_1979, %swap3A_1980], %swap3A_1983 {strides = array<i32>} : memref<16x1024xf32, #tpu.memory_space<vmem>>, vector<1x16xf32>,
        %get3A_1984 = arith.index_cast %scan3A_30 : i32 to index
        %get3A_1985 = arith.constant 640 : index
        %get3A_1986 = tpu.vector_load %arg9[%get3A_1984, %get3A_1985] {strides = array<i32>} : memref<16x1024xf32, #tpu.memory_space<vmem>>, vector<1x16xf32>,
        %get3A_1987 = vector.shape_cast %get3A_1986 : vector<1x16xf32> to vector<16xf32>
        %get3A_1988 = arith.constant 640 : index
        %get3A_1989 = tpu.vector_load %arg10[%get3A_1988] {strides = array<i32>} : memref<1024xf32, #tpu.memory_space<vmem>>, vector<16xf32>,
        %get3A_1990 = vector.shape_cast %get3A_1989 : vector<16xf32> to vector<16xf32>
        %get3A_1991 = arith.constant 640 : index
        %get3A_1992 = tpu.vector_load %arg11[%get3A_1991] {strides = array<i32>} : memref<1024xf32, #tpu.memory_space<vmem>>, vector<16xf32>,
        %get3A_1993 = vector.shape_cast %get3A_1992 : vector<16xf32> to vector<16xf32>
        %sub3A_1994 = arith.subf %get3A_1987, %mul3A_1151 : vector<16xf32>
        %mul3A_1995 = arith.mulf %sub3A_1994, %mul3A_1223 : vector<16xf32>
        %mul3A_1996 = arith.mulf %mul3A_1995, %get3A_1990 : vector<16xf32>
        %add3A_1997 = arith.addf %mul3A_1996, %get3A_1993 : vector<16xf32>
        %swap3A_1998 = arith.index_cast %scan3A_30 : i32 to index
        %swap3A_1999 = arith.constant 640 : index
        %swap3A_2000 = tpu.vector_load %arg9[%swap3A_1998, %swap3A_1999] {strides = array<i32>} : memref<16x1024xf32, #tpu.memory_space<vmem>>, vector<1x16xf32>,
        %swap3A_2001 = vector.shape_cast %swap3A_2000 : vector<1x16xf32> to vector<16xf32>
        %swap3A_2002 = vector.shape_cast %add3A_1997 : vector<16xf32> to vector<1x16xf32>
        tpu.vector_store %arg9[%swap3A_1998, %swap3A_1999], %swap3A_2002 {strides = array<i32>} : memref<16x1024xf32, #tpu.memory_space<vmem>>, vector<1x16xf32>,
        %get3A_2003 = arith.index_cast %scan3A_30 : i32 to index
        %get3A_2004 = arith.constant 656 : index
        %get3A_2005 = tpu.vector_load %arg9[%get3A_2003, %get3A_2004] {strides = array<i32>} : memref<16x1024xf32, #tpu.memory_space<vmem>>, vector<1x16xf32>,
        %get3A_2006 = vector.shape_cast %get3A_2005 : vector<1x16xf32> to vector<16xf32>
        %get3A_2007 = arith.constant 656 : index
        %get3A_2008 = tpu.vector_load %arg10[%get3A_2007] {strides = array<i32>} : memref<1024xf32, #tpu.memory_space<vmem>>, vector<16xf32>,
        %get3A_2009 = vector.shape_cast %get3A_2008 : vector<16xf32> to vector<16xf32>
        %get3A_2010 = arith.constant 656 : index
        %get3A_2011 = tpu.vector_load %arg11[%get3A_2010] {strides = array<i32>} : memref<1024xf32, #tpu.memory_space<vmem>>, vector<16xf32>,
        %get3A_2012 = vector.shape_cast %get3A_2011 : vector<16xf32> to vector<16xf32>
        %sub3A_2013 = arith.subf %get3A_2006, %mul3A_1151 : vector<16xf32>
        %mul3A_2014 = arith.mulf %sub3A_2013, %mul3A_1223 : vector<16xf32>
        %mul3A_2015 = arith.mulf %mul3A_2014, %get3A_2009 : vector<16xf32>
        %add3A_2016 = arith.addf %mul3A_2015, %get3A_2012 : vector<16xf32>
        %swap3A_2017 = arith.index_cast %scan3A_30 : i32 to index
        %swap3A_2018 = arith.constant 656 : index
        %swap3A_2019 = tpu.vector_load %arg9[%swap3A_2017, %swap3A_2018] {strides = array<i32>} : memref<16x1024xf32, #tpu.memory_space<vmem>>, vector<1x16xf32>,
        %swap3A_2020 = vector.shape_cast %swap3A_2019 : vector<1x16xf32> to vector<16xf32>
        %swap3A_2021 = vector.shape_cast %add3A_2016 : vector<16xf32> to vector<1x16xf32>
        tpu.vector_store %arg9[%swap3A_2017, %swap3A_2018], %swap3A_2021 {strides = array<i32>} : memref<16x1024xf32, #tpu.memory_space<vmem>>, vector<1x16xf32>,
        %get3A_2022 = arith.index_cast %scan3A_30 : i32 to index
        %get3A_2023 = arith.constant 672 : index
        %get3A_2024 = tpu.vector_load %arg9[%get3A_2022, %get3A_2023] {strides = array<i32>} : memref<16x1024xf32, #tpu.memory_space<vmem>>, vector<1x16xf32>,
        %get3A_2025 = vector.shape_cast %get3A_2024 : vector<1x16xf32> to vector<16xf32>
        %get3A_2026 = arith.constant 672 : index
        %get3A_2027 = tpu.vector_load %arg10[%get3A_2026] {strides = array<i32>} : memref<1024xf32, #tpu.memory_space<vmem>>, vector<16xf32>,
        %get3A_2028 = vector.shape_cast %get3A_2027 : vector<16xf32> to vector<16xf32>
        %get3A_2029 = arith.constant 672 : index
        %get3A_2030 = tpu.vector_load %arg11[%get3A_2029] {strides = array<i32>} : memref<1024xf32, #tpu.memory_space<vmem>>, vector<16xf32>,
        %get3A_2031 = vector.shape_cast %get3A_2030 : vector<16xf32> to vector<16xf32>
        %sub3A_2032 = arith.subf %get3A_2025, %mul3A_1151 : vector<16xf32>
        %mul3A_2033 = arith.mulf %sub3A_2032, %mul3A_1223 : vector<16xf32>
        %mul3A_2034 = arith.mulf %mul3A_2033, %get3A_2028 : vector<16xf32>
        %add3A_2035 = arith.addf %mul3A_2034, %get3A_2031 : vector<16xf32>
        %swap3A_2036 = arith.index_cast %scan3A_30 : i32 to index
        %swap3A_2037 = arith.constant 672 : index
        %swap3A_2038 = tpu.vector_load %arg9[%swap3A_2036, %swap3A_2037] {strides = array<i32>} : memref<16x1024xf32, #tpu.memory_space<vmem>>, vector<1x16xf32>,
        %swap3A_2039 = vector.shape_cast %swap3A_2038 : vector<1x16xf32> to vector<16xf32>
        %swap3A_2040 = vector.shape_cast %add3A_2035 : vector<16xf32> to vector<1x16xf32>
        tpu.vector_store %arg9[%swap3A_2036, %swap3A_2037], %swap3A_2040 {strides = array<i32>} : memref<16x1024xf32, #tpu.memory_space<vmem>>, vector<1x16xf32>,
        %get3A_2041 = arith.index_cast %scan3A_30 : i32 to index
        %get3A_2042 = arith.constant 688 : index
        %get3A_2043 = tpu.vector_load %arg9[%get3A_2041, %get3A_2042] {strides = array<i32>} : memref<16x1024xf32, #tpu.memory_space<vmem>>, vector<1x16xf32>,
        %get3A_2044 = vector.shape_cast %get3A_2043 : vector<1x16xf32> to vector<16xf32>
        %get3A_2045 = arith.constant 688 : index
        %get3A_2046 = tpu.vector_load %arg10[%get3A_2045] {strides = array<i32>} : memref<1024xf32, #tpu.memory_space<vmem>>, vector<16xf32>,
        %get3A_2047 = vector.shape_cast %get3A_2046 : vector<16xf32> to vector<16xf32>
        %get3A_2048 = arith.constant 688 : index
        %get3A_2049 = tpu.vector_load %arg11[%get3A_2048] {strides = array<i32>} : memref<1024xf32, #tpu.memory_space<vmem>>, vector<16xf32>,
        %get3A_2050 = vector.shape_cast %get3A_2049 : vector<16xf32> to vector<16xf32>
        %sub3A_2051 = arith.subf %get3A_2044, %mul3A_1151 : vector<16xf32>
        %mul3A_2052 = arith.mulf %sub3A_2051, %mul3A_1223 : vector<16xf32>
        %mul3A_2053 = arith.mulf %mul3A_2052, %get3A_2047 : vector<16xf32>
        %add3A_2054 = arith.addf %mul3A_2053, %get3A_2050 : vector<16xf32>
        %swap3A_2055 = arith.index_cast %scan3A_30 : i32 to index
        %swap3A_2056 = arith.constant 688 : index
        %swap3A_2057 = tpu.vector_load %arg9[%swap3A_2055, %swap3A_2056] {strides = array<i32>} : memref<16x1024xf32, #tpu.memory_space<vmem>>, vector<1x16xf32>,
        %swap3A_2058 = vector.shape_cast %swap3A_2057 : vector<1x16xf32> to vector<16xf32>
        %swap3A_2059 = vector.shape_cast %add3A_2054 : vector<16xf32> to vector<1x16xf32>
        tpu.vector_store %arg9[%swap3A_2055, %swap3A_2056], %swap3A_2059 {strides = array<i32>} : memref<16x1024xf32, #tpu.memory_space<vmem>>, vector<1x16xf32>,
        %get3A_2060 = arith.index_cast %scan3A_30 : i32 to index
        %get3A_2061 = arith.constant 704 : index
        %get3A_2062 = tpu.vector_load %arg9[%get3A_2060, %get3A_2061] {strides = array<i32>} : memref<16x1024xf32, #tpu.memory_space<vmem>>, vector<1x16xf32>,
        %get3A_2063 = vector.shape_cast %get3A_2062 : vector<1x16xf32> to vector<16xf32>
        %get3A_2064 = arith.constant 704 : index
        %get3A_2065 = tpu.vector_load %arg10[%get3A_2064] {strides = array<i32>} : memref<1024xf32, #tpu.memory_space<vmem>>, vector<16xf32>,
        %get3A_2066 = vector.shape_cast %get3A_2065 : vector<16xf32> to vector<16xf32>
        %get3A_2067 = arith.constant 704 : index
        %get3A_2068 = tpu.vector_load %arg11[%get3A_2067] {strides = array<i32>} : memref<1024xf32, #tpu.memory_space<vmem>>, vector<16xf32>,
        %get3A_2069 = vector.shape_cast %get3A_2068 : vector<16xf32> to vector<16xf32>
        %sub3A_2070 = arith.subf %get3A_2063, %mul3A_1151 : vector<16xf32>
        %mul3A_2071 = arith.mulf %sub3A_2070, %mul3A_1223 : vector<16xf32>
        %mul3A_2072 = arith.mulf %mul3A_2071, %get3A_2066 : vector<16xf32>
        %add3A_2073 = arith.addf %mul3A_2072, %get3A_2069 : vector<16xf32>
        %swap3A_2074 = arith.index_cast %scan3A_30 : i32 to index
        %swap3A_2075 = arith.constant 704 : index
        %swap3A_2076 = tpu.vector_load %arg9[%swap3A_2074, %swap3A_2075] {strides = array<i32>} : memref<16x1024xf32, #tpu.memory_space<vmem>>, vector<1x16xf32>,
        %swap3A_2077 = vector.shape_cast %swap3A_2076 : vector<1x16xf32> to vector<16xf32>
        %swap3A_2078 = vector.shape_cast %add3A_2073 : vector<16xf32> to vector<1x16xf32>
        tpu.vector_store %arg9[%swap3A_2074, %swap3A_2075], %swap3A_2078 {strides = array<i32>} : memref<16x1024xf32, #tpu.memory_space<vmem>>, vector<1x16xf32>,
        %get3A_2079 = arith.index_cast %scan3A_30 : i32 to index
        %get3A_2080 = arith.constant 720 : index
        %get3A_2081 = tpu.vector_load %arg9[%get3A_2079, %get3A_2080] {strides = array<i32>} : memref<16x1024xf32, #tpu.memory_space<vmem>>, vector<1x16xf32>,
        %get3A_2082 = vector.shape_cast %get3A_2081 : vector<1x16xf32> to vector<16xf32>
        %get3A_2083 = arith.constant 720 : index
        %get3A_2084 = tpu.vector_load %arg10[%get3A_2083] {strides = array<i32>} : memref<1024xf32, #tpu.memory_space<vmem>>, vector<16xf32>,
        %get3A_2085 = vector.shape_cast %get3A_2084 : vector<16xf32> to vector<16xf32>
        %get3A_2086 = arith.constant 720 : index
        %get3A_2087 = tpu.vector_load %arg11[%get3A_2086] {strides = array<i32>} : memref<1024xf32, #tpu.memory_space<vmem>>, vector<16xf32>,
        %get3A_2088 = vector.shape_cast %get3A_2087 : vector<16xf32> to vector<16xf32>
        %sub3A_2089 = arith.subf %get3A_2082, %mul3A_1151 : vector<16xf32>
        %mul3A_2090 = arith.mulf %sub3A_2089, %mul3A_1223 : vector<16xf32>
        %mul3A_2091 = arith.mulf %mul3A_2090, %get3A_2085 : vector<16xf32>
        %add3A_2092 = arith.addf %mul3A_2091, %get3A_2088 : vector<16xf32>
        %swap3A_2093 = arith.index_cast %scan3A_30 : i32 to index
        %swap3A_2094 = arith.constant 720 : index
        %swap3A_2095 = tpu.vector_load %arg9[%swap3A_2093, %swap3A_2094] {strides = array<i32>} : memref<16x1024xf32, #tpu.memory_space<vmem>>, vector<1x16xf32>,
        %swap3A_2096 = vector.shape_cast %swap3A_2095 : vector<1x16xf32> to vector<16xf32>
        %swap3A_2097 = vector.shape_cast %add3A_2092 : vector<16xf32> to vector<1x16xf32>
        tpu.vector_store %arg9[%swap3A_2093, %swap3A_2094], %swap3A_2097 {strides = array<i32>} : memref<16x1024xf32, #tpu.memory_space<vmem>>, vector<1x16xf32>,
        %get3A_2098 = arith.index_cast %scan3A_30 : i32 to index
        %get3A_2099 = arith.constant 736 : index
        %get3A_2100 = tpu.vector_load %arg9[%get3A_2098, %get3A_2099] {strides = array<i32>} : memref<16x1024xf32, #tpu.memory_space<vmem>>, vector<1x16xf32>,
        %get3A_2101 = vector.shape_cast %get3A_2100 : vector<1x16xf32> to vector<16xf32>
        %get3A_2102 = arith.constant 736 : index
        %get3A_2103 = tpu.vector_load %arg10[%get3A_2102] {strides = array<i32>} : memref<1024xf32, #tpu.memory_space<vmem>>, vector<16xf32>,
        %get3A_2104 = vector.shape_cast %get3A_2103 : vector<16xf32> to vector<16xf32>
        %get3A_2105 = arith.constant 736 : index
        %get3A_2106 = tpu.vector_load %arg11[%get3A_2105] {strides = array<i32>} : memref<1024xf32, #tpu.memory_space<vmem>>, vector<16xf32>,
        %get3A_2107 = vector.shape_cast %get3A_2106 : vector<16xf32> to vector<16xf32>
        %sub3A_2108 = arith.subf %get3A_2101, %mul3A_1151 : vector<16xf32>
        %mul3A_2109 = arith.mulf %sub3A_2108, %mul3A_1223 : vector<16xf32>
        %mul3A_2110 = arith.mulf %mul3A_2109, %get3A_2104 : vector<16xf32>
        %add3A_2111 = arith.addf %mul3A_2110, %get3A_2107 : vector<16xf32>
        %swap3A_2112 = arith.index_cast %scan3A_30 : i32 to index
        %swap3A_2113 = arith.constant 736 : index
        %swap3A_2114 = tpu.vector_load %arg9[%swap3A_2112, %swap3A_2113] {strides = array<i32>} : memref<16x1024xf32, #tpu.memory_space<vmem>>, vector<1x16xf32>,
        %swap3A_2115 = vector.shape_cast %swap3A_2114 : vector<1x16xf32> to vector<16xf32>
        %swap3A_2116 = vector.shape_cast %add3A_2111 : vector<16xf32> to vector<1x16xf32>
        tpu.vector_store %arg9[%swap3A_2112, %swap3A_2113], %swap3A_2116 {strides = array<i32>} : memref<16x1024xf32, #tpu.memory_space<vmem>>, vector<1x16xf32>,
        %get3A_2117 = arith.index_cast %scan3A_30 : i32 to index
        %get3A_2118 = arith.constant 752 : index
        %get3A_2119 = tpu.vector_load %arg9[%get3A_2117, %get3A_2118] {strides = array<i32>} : memref<16x1024xf32, #tpu.memory_space<vmem>>, vector<1x16xf32>,
        %get3A_2120 = vector.shape_cast %get3A_2119 : vector<1x16xf32> to vector<16xf32>
        %get3A_2121 = arith.constant 752 : index
        %get3A_2122 = tpu.vector_load %arg10[%get3A_2121] {strides = array<i32>} : memref<1024xf32, #tpu.memory_space<vmem>>, vector<16xf32>,
        %get3A_2123 = vector.shape_cast %get3A_2122 : vector<16xf32> to vector<16xf32>
        %get3A_2124 = arith.constant 752 : index
        %get3A_2125 = tpu.vector_load %arg11[%get3A_2124] {strides = array<i32>} : memref<1024xf32, #tpu.memory_space<vmem>>, vector<16xf32>,
        %get3A_2126 = vector.shape_cast %get3A_2125 : vector<16xf32> to vector<16xf32>
        %sub3A_2127 = arith.subf %get3A_2120, %mul3A_1151 : vector<16xf32>
        %mul3A_2128 = arith.mulf %sub3A_2127, %mul3A_1223 : vector<16xf32>
        %mul3A_2129 = arith.mulf %mul3A_2128, %get3A_2123 : vector<16xf32>
        %add3A_2130 = arith.addf %mul3A_2129, %get3A_2126 : vector<16xf32>
        %swap3A_2131 = arith.index_cast %scan3A_30 : i32 to index
        %swap3A_2132 = arith.constant 752 : index
        %swap3A_2133 = tpu.vector_load %arg9[%swap3A_2131, %swap3A_2132] {strides = array<i32>} : memref<16x1024xf32, #tpu.memory_space<vmem>>, vector<1x16xf32>,
        %swap3A_2134 = vector.shape_cast %swap3A_2133 : vector<1x16xf32> to vector<16xf32>
        %swap3A_2135 = vector.shape_cast %add3A_2130 : vector<16xf32> to vector<1x16xf32>
        tpu.vector_store %arg9[%swap3A_2131, %swap3A_2132], %swap3A_2135 {strides = array<i32>} : memref<16x1024xf32, #tpu.memory_space<vmem>>, vector<1x16xf32>,
        %get3A_2136 = arith.index_cast %scan3A_30 : i32 to index
        %get3A_2137 = arith.constant 768 : index
        %get3A_2138 = tpu.vector_load %arg9[%get3A_2136, %get3A_2137] {strides = array<i32>} : memref<16x1024xf32, #tpu.memory_space<vmem>>, vector<1x16xf32>,
        %get3A_2139 = vector.shape_cast %get3A_2138 : vector<1x16xf32> to vector<16xf32>
        %get3A_2140 = arith.constant 768 : index
        %get3A_2141 = tpu.vector_load %arg10[%get3A_2140] {strides = array<i32>} : memref<1024xf32, #tpu.memory_space<vmem>>, vector<16xf32>,
        %get3A_2142 = vector.shape_cast %get3A_2141 : vector<16xf32> to vector<16xf32>
        %get3A_2143 = arith.constant 768 : index
        %get3A_2144 = tpu.vector_load %arg11[%get3A_2143] {strides = array<i32>} : memref<1024xf32, #tpu.memory_space<vmem>>, vector<16xf32>,
        %get3A_2145 = vector.shape_cast %get3A_2144 : vector<16xf32> to vector<16xf32>
        %sub3A_2146 = arith.subf %get3A_2139, %mul3A_1151 : vector<16xf32>
        %mul3A_2147 = arith.mulf %sub3A_2146, %mul3A_1223 : vector<16xf32>
        %mul3A_2148 = arith.mulf %mul3A_2147, %get3A_2142 : vector<16xf32>
        %add3A_2149 = arith.addf %mul3A_2148, %get3A_2145 : vector<16xf32>
        %swap3A_2150 = arith.index_cast %scan3A_30 : i32 to index
        %swap3A_2151 = arith.constant 768 : index
        %swap3A_2152 = tpu.vector_load %arg9[%swap3A_2150, %swap3A_2151] {strides = array<i32>} : memref<16x1024xf32, #tpu.memory_space<vmem>>, vector<1x16xf32>,
        %swap3A_2153 = vector.shape_cast %swap3A_2152 : vector<1x16xf32> to vector<16xf32>
        %swap3A_2154 = vector.shape_cast %add3A_2149 : vector<16xf32> to vector<1x16xf32>
        tpu.vector_store %arg9[%swap3A_2150, %swap3A_2151], %swap3A_2154 {strides = array<i32>} : memref<16x1024xf32, #tpu.memory_space<vmem>>, vector<1x16xf32>,
        %get3A_2155 = arith.index_cast %scan3A_30 : i32 to index
        %get3A_2156 = arith.constant 784 : index
        %get3A_2157 = tpu.vector_load %arg9[%get3A_2155, %get3A_2156] {strides = array<i32>} : memref<16x1024xf32, #tpu.memory_space<vmem>>, vector<1x16xf32>,
        %get3A_2158 = vector.shape_cast %get3A_2157 : vector<1x16xf32> to vector<16xf32>
        %get3A_2159 = arith.constant 784 : index
        %get3A_2160 = tpu.vector_load %arg10[%get3A_2159] {strides = array<i32>} : memref<1024xf32, #tpu.memory_space<vmem>>, vector<16xf32>,
        %get3A_2161 = vector.shape_cast %get3A_2160 : vector<16xf32> to vector<16xf32>
        %get3A_2162 = arith.constant 784 : index
        %get3A_2163 = tpu.vector_load %arg11[%get3A_2162] {strides = array<i32>} : memref<1024xf32, #tpu.memory_space<vmem>>, vector<16xf32>,
        %get3A_2164 = vector.shape_cast %get3A_2163 : vector<16xf32> to vector<16xf32>
        %sub3A_2165 = arith.subf %get3A_2158, %mul3A_1151 : vector<16xf32>
        %mul3A_2166 = arith.mulf %sub3A_2165, %mul3A_1223 : vector<16xf32>
        %mul3A_2167 = arith.mulf %mul3A_2166, %get3A_2161 : vector<16xf32>
        %add3A_2168 = arith.addf %mul3A_2167, %get3A_2164 : vector<16xf32>
        %swap3A_2169 = arith.index_cast %scan3A_30 : i32 to index
        %swap3A_2170 = arith.constant 784 : index
        %swap3A_2171 = tpu.vector_load %arg9[%swap3A_2169, %swap3A_2170] {strides = array<i32>} : memref<16x1024xf32, #tpu.memory_space<vmem>>, vector<1x16xf32>,
        %swap3A_2172 = vector.shape_cast %swap3A_2171 : vector<1x16xf32> to vector<16xf32>
        %swap3A_2173 = vector.shape_cast %add3A_2168 : vector<16xf32> to vector<1x16xf32>
        tpu.vector_store %arg9[%swap3A_2169, %swap3A_2170], %swap3A_2173 {strides = array<i32>} : memref<16x1024xf32, #tpu.memory_space<vmem>>, vector<1x16xf32>,
        %get3A_2174 = arith.index_cast %scan3A_30 : i32 to index
        %get3A_2175 = arith.constant 800 : index
        %get3A_2176 = tpu.vector_load %arg9[%get3A_2174, %get3A_2175] {strides = array<i32>} : memref<16x1024xf32, #tpu.memory_space<vmem>>, vector<1x16xf32>,
        %get3A_2177 = vector.shape_cast %get3A_2176 : vector<1x16xf32> to vector<16xf32>
        %get3A_2178 = arith.constant 800 : index
        %get3A_2179 = tpu.vector_load %arg10[%get3A_2178] {strides = array<i32>} : memref<1024xf32, #tpu.memory_space<vmem>>, vector<16xf32>,
        %get3A_2180 = vector.shape_cast %get3A_2179 : vector<16xf32> to vector<16xf32>
        %get3A_2181 = arith.constant 800 : index
        %get3A_2182 = tpu.vector_load %arg11[%get3A_2181] {strides = array<i32>} : memref<1024xf32, #tpu.memory_space<vmem>>, vector<16xf32>,
        %get3A_2183 = vector.shape_cast %get3A_2182 : vector<16xf32> to vector<16xf32>
        %sub3A_2184 = arith.subf %get3A_2177, %mul3A_1151 : vector<16xf32>
        %mul3A_2185 = arith.mulf %sub3A_2184, %mul3A_1223 : vector<16xf32>
        %mul3A_2186 = arith.mulf %mul3A_2185, %get3A_2180 : vector<16xf32>
        %add3A_2187 = arith.addf %mul3A_2186, %get3A_2183 : vector<16xf32>
        %swap3A_2188 = arith.index_cast %scan3A_30 : i32 to index
        %swap3A_2189 = arith.constant 800 : index
        %swap3A_2190 = tpu.vector_load %arg9[%swap3A_2188, %swap3A_2189] {strides = array<i32>} : memref<16x1024xf32, #tpu.memory_space<vmem>>, vector<1x16xf32>,
        %swap3A_2191 = vector.shape_cast %swap3A_2190 : vector<1x16xf32> to vector<16xf32>
        %swap3A_2192 = vector.shape_cast %add3A_2187 : vector<16xf32> to vector<1x16xf32>
        tpu.vector_store %arg9[%swap3A_2188, %swap3A_2189], %swap3A_2192 {strides = array<i32>} : memref<16x1024xf32, #tpu.memory_space<vmem>>, vector<1x16xf32>,
        %get3A_2193 = arith.index_cast %scan3A_30 : i32 to index
        %get3A_2194 = arith.constant 816 : index
        %get3A_2195 = tpu.vector_load %arg9[%get3A_2193, %get3A_2194] {strides = array<i32>} : memref<16x1024xf32, #tpu.memory_space<vmem>>, vector<1x16xf32>,
        %get3A_2196 = vector.shape_cast %get3A_2195 : vector<1x16xf32> to vector<16xf32>
        %get3A_2197 = arith.constant 816 : index
        %get3A_2198 = tpu.vector_load %arg10[%get3A_2197] {strides = array<i32>} : memref<1024xf32, #tpu.memory_space<vmem>>, vector<16xf32>,
        %get3A_2199 = vector.shape_cast %get3A_2198 : vector<16xf32> to vector<16xf32>
        %get3A_2200 = arith.constant 816 : index
        %get3A_2201 = tpu.vector_load %arg11[%get3A_2200] {strides = array<i32>} : memref<1024xf32, #tpu.memory_space<vmem>>, vector<16xf32>,
        %get3A_2202 = vector.shape_cast %get3A_2201 : vector<16xf32> to vector<16xf32>
        %sub3A_2203 = arith.subf %get3A_2196, %mul3A_1151 : vector<16xf32>
        %mul3A_2204 = arith.mulf %sub3A_2203, %mul3A_1223 : vector<16xf32>
        %mul3A_2205 = arith.mulf %mul3A_2204, %get3A_2199 : vector<16xf32>
        %add3A_2206 = arith.addf %mul3A_2205, %get3A_2202 : vector<16xf32>
        %swap3A_2207 = arith.index_cast %scan3A_30 : i32 to index
        %swap3A_2208 = arith.constant 816 : index
        %swap3A_2209 = tpu.vector_load %arg9[%swap3A_2207, %swap3A_2208] {strides = array<i32>} : memref<16x1024xf32, #tpu.memory_space<vmem>>, vector<1x16xf32>,
        %swap3A_2210 = vector.shape_cast %swap3A_2209 : vector<1x16xf32> to vector<16xf32>
        %swap3A_2211 = vector.shape_cast %add3A_2206 : vector<16xf32> to vector<1x16xf32>
        tpu.vector_store %arg9[%swap3A_2207, %swap3A_2208], %swap3A_2211 {strides = array<i32>} : memref<16x1024xf32, #tpu.memory_space<vmem>>, vector<1x16xf32>,
        %get3A_2212 = arith.index_cast %scan3A_30 : i32 to index
        %get3A_2213 = arith.constant 832 : index
        %get3A_2214 = tpu.vector_load %arg9[%get3A_2212, %get3A_2213] {strides = array<i32>} : memref<16x1024xf32, #tpu.memory_space<vmem>>, vector<1x16xf32>,
        %get3A_2215 = vector.shape_cast %get3A_2214 : vector<1x16xf32> to vector<16xf32>
        %get3A_2216 = arith.constant 832 : index
        %get3A_2217 = tpu.vector_load %arg10[%get3A_2216] {strides = array<i32>} : memref<1024xf32, #tpu.memory_space<vmem>>, vector<16xf32>,
        %get3A_2218 = vector.shape_cast %get3A_2217 : vector<16xf32> to vector<16xf32>
        %get3A_2219 = arith.constant 832 : index
        %get3A_2220 = tpu.vector_load %arg11[%get3A_2219] {strides = array<i32>} : memref<1024xf32, #tpu.memory_space<vmem>>, vector<16xf32>,
        %get3A_2221 = vector.shape_cast %get3A_2220 : vector<16xf32> to vector<16xf32>
        %sub3A_2222 = arith.subf %get3A_2215, %mul3A_1151 : vector<16xf32>
        %mul3A_2223 = arith.mulf %sub3A_2222, %mul3A_1223 : vector<16xf32>
        %mul3A_2224 = arith.mulf %mul3A_2223, %get3A_2218 : vector<16xf32>
        %add3A_2225 = arith.addf %mul3A_2224, %get3A_2221 : vector<16xf32>
        %swap3A_2226 = arith.index_cast %scan3A_30 : i32 to index
        %swap3A_2227 = arith.constant 832 : index
        %swap3A_2228 = tpu.vector_load %arg9[%swap3A_2226, %swap3A_2227] {strides = array<i32>} : memref<16x1024xf32, #tpu.memory_space<vmem>>, vector<1x16xf32>,
        %swap3A_2229 = vector.shape_cast %swap3A_2228 : vector<1x16xf32> to vector<16xf32>
        %swap3A_2230 = vector.shape_cast %add3A_2225 : vector<16xf32> to vector<1x16xf32>
        tpu.vector_store %arg9[%swap3A_2226, %swap3A_2227], %swap3A_2230 {strides = array<i32>} : memref<16x1024xf32, #tpu.memory_space<vmem>>, vector<1x16xf32>,
        %get3A_2231 = arith.index_cast %scan3A_30 : i32 to index
        %get3A_2232 = arith.constant 848 : index
        %get3A_2233 = tpu.vector_load %arg9[%get3A_2231, %get3A_2232] {strides = array<i32>} : memref<16x1024xf32, #tpu.memory_space<vmem>>, vector<1x16xf32>,
        %get3A_2234 = vector.shape_cast %get3A_2233 : vector<1x16xf32> to vector<16xf32>
        %get3A_2235 = arith.constant 848 : index
        %get3A_2236 = tpu.vector_load %arg10[%get3A_2235] {strides = array<i32>} : memref<1024xf32, #tpu.memory_space<vmem>>, vector<16xf32>,
        %get3A_2237 = vector.shape_cast %get3A_2236 : vector<16xf32> to vector<16xf32>
        %get3A_2238 = arith.constant 848 : index
        %get3A_2239 = tpu.vector_load %arg11[%get3A_2238] {strides = array<i32>} : memref<1024xf32, #tpu.memory_space<vmem>>, vector<16xf32>,
        %get3A_2240 = vector.shape_cast %get3A_2239 : vector<16xf32> to vector<16xf32>
        %sub3A_2241 = arith.subf %get3A_2234, %mul3A_1151 : vector<16xf32>
        %mul3A_2242 = arith.mulf %sub3A_2241, %mul3A_1223 : vector<16xf32>
        %mul3A_2243 = arith.mulf %mul3A_2242, %get3A_2237 : vector<16xf32>
        %add3A_2244 = arith.addf %mul3A_2243, %get3A_2240 : vector<16xf32>
        %swap3A_2245 = arith.index_cast %scan3A_30 : i32 to index
        %swap3A_2246 = arith.constant 848 : index
        %swap3A_2247 = tpu.vector_load %arg9[%swap3A_2245, %swap3A_2246] {strides = array<i32>} : memref<16x1024xf32, #tpu.memory_space<vmem>>, vector<1x16xf32>,
        %swap3A_2248 = vector.shape_cast %swap3A_2247 : vector<1x16xf32> to vector<16xf32>
        %swap3A_2249 = vector.shape_cast %add3A_2244 : vector<16xf32> to vector<1x16xf32>
        tpu.vector_store %arg9[%swap3A_2245, %swap3A_2246], %swap3A_2249 {strides = array<i32>} : memref<16x1024xf32, #tpu.memory_space<vmem>>, vector<1x16xf32>,
        %get3A_2250 = arith.index_cast %scan3A_30 : i32 to index
        %get3A_2251 = arith.constant 864 : index
        %get3A_2252 = tpu.vector_load %arg9[%get3A_2250, %get3A_2251] {strides = array<i32>} : memref<16x1024xf32, #tpu.memory_space<vmem>>, vector<1x16xf32>,
        %get3A_2253 = vector.shape_cast %get3A_2252 : vector<1x16xf32> to vector<16xf32>
        %get3A_2254 = arith.constant 864 : index
        %get3A_2255 = tpu.vector_load %arg10[%get3A_2254] {strides = array<i32>} : memref<1024xf32, #tpu.memory_space<vmem>>, vector<16xf32>,
        %get3A_2256 = vector.shape_cast %get3A_2255 : vector<16xf32> to vector<16xf32>
        %get3A_2257 = arith.constant 864 : index
        %get3A_2258 = tpu.vector_load %arg11[%get3A_2257] {strides = array<i32>} : memref<1024xf32, #tpu.memory_space<vmem>>, vector<16xf32>,
        %get3A_2259 = vector.shape_cast %get3A_2258 : vector<16xf32> to vector<16xf32>
        %sub3A_2260 = arith.subf %get3A_2253, %mul3A_1151 : vector<16xf32>
        %mul3A_2261 = arith.mulf %sub3A_2260, %mul3A_1223 : vector<16xf32>
        %mul3A_2262 = arith.mulf %mul3A_2261, %get3A_2256 : vector<16xf32>
        %add3A_2263 = arith.addf %mul3A_2262, %get3A_2259 : vector<16xf32>
        %swap3A_2264 = arith.index_cast %scan3A_30 : i32 to index
        %swap3A_2265 = arith.constant 864 : index
        %swap3A_2266 = tpu.vector_load %arg9[%swap3A_2264, %swap3A_2265] {strides = array<i32>} : memref<16x1024xf32, #tpu.memory_space<vmem>>, vector<1x16xf32>,
        %swap3A_2267 = vector.shape_cast %swap3A_2266 : vector<1x16xf32> to vector<16xf32>
        %swap3A_2268 = vector.shape_cast %add3A_2263 : vector<16xf32> to vector<1x16xf32>
        tpu.vector_store %arg9[%swap3A_2264, %swap3A_2265], %swap3A_2268 {strides = array<i32>} : memref<16x1024xf32, #tpu.memory_space<vmem>>, vector<1x16xf32>,
        %get3A_2269 = arith.index_cast %scan3A_30 : i32 to index
        %get3A_2270 = arith.constant 880 : index
        %get3A_2271 = tpu.vector_load %arg9[%get3A_2269, %get3A_2270] {strides = array<i32>} : memref<16x1024xf32, #tpu.memory_space<vmem>>, vector<1x16xf32>,
        %get3A_2272 = vector.shape_cast %get3A_2271 : vector<1x16xf32> to vector<16xf32>
        %get3A_2273 = arith.constant 880 : index
        %get3A_2274 = tpu.vector_load %arg10[%get3A_2273] {strides = array<i32>} : memref<1024xf32, #tpu.memory_space<vmem>>, vector<16xf32>,
        %get3A_2275 = vector.shape_cast %get3A_2274 : vector<16xf32> to vector<16xf32>
        %get3A_2276 = arith.constant 880 : index
        %get3A_2277 = tpu.vector_load %arg11[%get3A_2276] {strides = array<i32>} : memref<1024xf32, #tpu.memory_space<vmem>>, vector<16xf32>,
        %get3A_2278 = vector.shape_cast %get3A_2277 : vector<16xf32> to vector<16xf32>
        %sub3A_2279 = arith.subf %get3A_2272, %mul3A_1151 : vector<16xf32>
        %mul3A_2280 = arith.mulf %sub3A_2279, %mul3A_1223 : vector<16xf32>
        %mul3A_2281 = arith.mulf %mul3A_2280, %get3A_2275 : vector<16xf32>
        %add3A_2282 = arith.addf %mul3A_2281, %get3A_2278 : vector<16xf32>
        %swap3A_2283 = arith.index_cast %scan3A_30 : i32 to index
        %swap3A_2284 = arith.constant 880 : index
        %swap3A_2285 = tpu.vector_load %arg9[%swap3A_2283, %swap3A_2284] {strides = array<i32>} : memref<16x1024xf32, #tpu.memory_space<vmem>>, vector<1x16xf32>,
        %swap3A_2286 = vector.shape_cast %swap3A_2285 : vector<1x16xf32> to vector<16xf32>
        %swap3A_2287 = vector.shape_cast %add3A_2282 : vector<16xf32> to vector<1x16xf32>
        tpu.vector_store %arg9[%swap3A_2283, %swap3A_2284], %swap3A_2287 {strides = array<i32>} : memref<16x1024xf32, #tpu.memory_space<vmem>>, vector<1x16xf32>,
        %get3A_2288 = arith.index_cast %scan3A_30 : i32 to index
        %get3A_2289 = arith.constant 896 : index
        %get3A_2290 = tpu.vector_load %arg9[%get3A_2288, %get3A_2289] {strides = array<i32>} : memref<16x1024xf32, #tpu.memory_space<vmem>>, vector<1x16xf32>,
        %get3A_2291 = vector.shape_cast %get3A_2290 : vector<1x16xf32> to vector<16xf32>
        %get3A_2292 = arith.constant 896 : index
        %get3A_2293 = tpu.vector_load %arg10[%get3A_2292] {strides = array<i32>} : memref<1024xf32, #tpu.memory_space<vmem>>, vector<16xf32>,
        %get3A_2294 = vector.shape_cast %get3A_2293 : vector<16xf32> to vector<16xf32>
        %get3A_2295 = arith.constant 896 : index
        %get3A_2296 = tpu.vector_load %arg11[%get3A_2295] {strides = array<i32>} : memref<1024xf32, #tpu.memory_space<vmem>>, vector<16xf32>,
        %get3A_2297 = vector.shape_cast %get3A_2296 : vector<16xf32> to vector<16xf32>
        %sub3A_2298 = arith.subf %get3A_2291, %mul3A_1151 : vector<16xf32>
        %mul3A_2299 = arith.mulf %sub3A_2298, %mul3A_1223 : vector<16xf32>
        %mul3A_2300 = arith.mulf %mul3A_2299, %get3A_2294 : vector<16xf32>
        %add3A_2301 = arith.addf %mul3A_2300, %get3A_2297 : vector<16xf32>
        %swap3A_2302 = arith.index_cast %scan3A_30 : i32 to index
        %swap3A_2303 = arith.constant 896 : index
        %swap3A_2304 = tpu.vector_load %arg9[%swap3A_2302, %swap3A_2303] {strides = array<i32>} : memref<16x1024xf32, #tpu.memory_space<vmem>>, vector<1x16xf32>,
        %swap3A_2305 = vector.shape_cast %swap3A_2304 : vector<1x16xf32> to vector<16xf32>
        %swap3A_2306 = vector.shape_cast %add3A_2301 : vector<16xf32> to vector<1x16xf32>
        tpu.vector_store %arg9[%swap3A_2302, %swap3A_2303], %swap3A_2306 {strides = array<i32>} : memref<16x1024xf32, #tpu.memory_space<vmem>>, vector<1x16xf32>,
        %get3A_2307 = arith.index_cast %scan3A_30 : i32 to index
        %get3A_2308 = arith.constant 912 : index
        %get3A_2309 = tpu.vector_load %arg9[%get3A_2307, %get3A_2308] {strides = array<i32>} : memref<16x1024xf32, #tpu.memory_space<vmem>>, vector<1x16xf32>,
        %get3A_2310 = vector.shape_cast %get3A_2309 : vector<1x16xf32> to vector<16xf32>
        %get3A_2311 = arith.constant 912 : index
        %get3A_2312 = tpu.vector_load %arg10[%get3A_2311] {strides = array<i32>} : memref<1024xf32, #tpu.memory_space<vmem>>, vector<16xf32>,
        %get3A_2313 = vector.shape_cast %get3A_2312 : vector<16xf32> to vector<16xf32>
        %get3A_2314 = arith.constant 912 : index
        %get3A_2315 = tpu.vector_load %arg11[%get3A_2314] {strides = array<i32>} : memref<1024xf32, #tpu.memory_space<vmem>>, vector<16xf32>,
        %get3A_2316 = vector.shape_cast %get3A_2315 : vector<16xf32> to vector<16xf32>
        %sub3A_2317 = arith.subf %get3A_2310, %mul3A_1151 : vector<16xf32>
        %mul3A_2318 = arith.mulf %sub3A_2317, %mul3A_1223 : vector<16xf32>
        %mul3A_2319 = arith.mulf %mul3A_2318, %get3A_2313 : vector<16xf32>
        %add3A_2320 = arith.addf %mul3A_2319, %get3A_2316 : vector<16xf32>
        %swap3A_2321 = arith.index_cast %scan3A_30 : i32 to index
        %swap3A_2322 = arith.constant 912 : index
        %swap3A_2323 = tpu.vector_load %arg9[%swap3A_2321, %swap3A_2322] {strides = array<i32>} : memref<16x1024xf32, #tpu.memory_space<vmem>>, vector<1x16xf32>,
        %swap3A_2324 = vector.shape_cast %swap3A_2323 : vector<1x16xf32> to vector<16xf32>
        %swap3A_2325 = vector.shape_cast %add3A_2320 : vector<16xf32> to vector<1x16xf32>
        tpu.vector_store %arg9[%swap3A_2321, %swap3A_2322], %swap3A_2325 {strides = array<i32>} : memref<16x1024xf32, #tpu.memory_space<vmem>>, vector<1x16xf32>,
        %get3A_2326 = arith.index_cast %scan3A_30 : i32 to index
        %get3A_2327 = arith.constant 928 : index
        %get3A_2328 = tpu.vector_load %arg9[%get3A_2326, %get3A_2327] {strides = array<i32>} : memref<16x1024xf32, #tpu.memory_space<vmem>>, vector<1x16xf32>,
        %get3A_2329 = vector.shape_cast %get3A_2328 : vector<1x16xf32> to vector<16xf32>
        %get3A_2330 = arith.constant 928 : index
        %get3A_2331 = tpu.vector_load %arg10[%get3A_2330] {strides = array<i32>} : memref<1024xf32, #tpu.memory_space<vmem>>, vector<16xf32>,
        %get3A_2332 = vector.shape_cast %get3A_2331 : vector<16xf32> to vector<16xf32>
        %get3A_2333 = arith.constant 928 : index
        %get3A_2334 = tpu.vector_load %arg11[%get3A_2333] {strides = array<i32>} : memref<1024xf32, #tpu.memory_space<vmem>>, vector<16xf32>,
        %get3A_2335 = vector.shape_cast %get3A_2334 : vector<16xf32> to vector<16xf32>
        %sub3A_2336 = arith.subf %get3A_2329, %mul3A_1151 : vector<16xf32>
        %mul3A_2337 = arith.mulf %sub3A_2336, %mul3A_1223 : vector<16xf32>
        %mul3A_2338 = arith.mulf %mul3A_2337, %get3A_2332 : vector<16xf32>
        %add3A_2339 = arith.addf %mul3A_2338, %get3A_2335 : vector<16xf32>
        %swap3A_2340 = arith.index_cast %scan3A_30 : i32 to index
        %swap3A_2341 = arith.constant 928 : index
        %swap3A_2342 = tpu.vector_load %arg9[%swap3A_2340, %swap3A_2341] {strides = array<i32>} : memref<16x1024xf32, #tpu.memory_space<vmem>>, vector<1x16xf32>,
        %swap3A_2343 = vector.shape_cast %swap3A_2342 : vector<1x16xf32> to vector<16xf32>
        %swap3A_2344 = vector.shape_cast %add3A_2339 : vector<16xf32> to vector<1x16xf32>
        tpu.vector_store %arg9[%swap3A_2340, %swap3A_2341], %swap3A_2344 {strides = array<i32>} : memref<16x1024xf32, #tpu.memory_space<vmem>>, vector<1x16xf32>,
        %get3A_2345 = arith.index_cast %scan3A_30 : i32 to index
        %get3A_2346 = arith.constant 944 : index
        %get3A_2347 = tpu.vector_load %arg9[%get3A_2345, %get3A_2346] {strides = array<i32>} : memref<16x1024xf32, #tpu.memory_space<vmem>>, vector<1x16xf32>,
        %get3A_2348 = vector.shape_cast %get3A_2347 : vector<1x16xf32> to vector<16xf32>
        %get3A_2349 = arith.constant 944 : index
        %get3A_2350 = tpu.vector_load %arg10[%get3A_2349] {strides = array<i32>} : memref<1024xf32, #tpu.memory_space<vmem>>, vector<16xf32>,
        %get3A_2351 = vector.shape_cast %get3A_2350 : vector<16xf32> to vector<16xf32>
        %get3A_2352 = arith.constant 944 : index
        %get3A_2353 = tpu.vector_load %arg11[%get3A_2352] {strides = array<i32>} : memref<1024xf32, #tpu.memory_space<vmem>>, vector<16xf32>,
        %get3A_2354 = vector.shape_cast %get3A_2353 : vector<16xf32> to vector<16xf32>
        %sub3A_2355 = arith.subf %get3A_2348, %mul3A_1151 : vector<16xf32>
        %mul3A_2356 = arith.mulf %sub3A_2355, %mul3A_1223 : vector<16xf32>
        %mul3A_2357 = arith.mulf %mul3A_2356, %get3A_2351 : vector<16xf32>
        %add3A_2358 = arith.addf %mul3A_2357, %get3A_2354 : vector<16xf32>
        %swap3A_2359 = arith.index_cast %scan3A_30 : i32 to index
        %swap3A_2360 = arith.constant 944 : index
        %swap3A_2361 = tpu.vector_load %arg9[%swap3A_2359, %swap3A_2360] {strides = array<i32>} : memref<16x1024xf32, #tpu.memory_space<vmem>>, vector<1x16xf32>,
        %swap3A_2362 = vector.shape_cast %swap3A_2361 : vector<1x16xf32> to vector<16xf32>
        %swap3A_2363 = vector.shape_cast %add3A_2358 : vector<16xf32> to vector<1x16xf32>
        tpu.vector_store %arg9[%swap3A_2359, %swap3A_2360], %swap3A_2363 {strides = array<i32>} : memref<16x1024xf32, #tpu.memory_space<vmem>>, vector<1x16xf32>,
        %get3A_2364 = arith.index_cast %scan3A_30 : i32 to index
        %get3A_2365 = arith.constant 960 : index
        %get3A_2366 = tpu.vector_load %arg9[%get3A_2364, %get3A_2365] {strides = array<i32>} : memref<16x1024xf32, #tpu.memory_space<vmem>>, vector<1x16xf32>,
        %get3A_2367 = vector.shape_cast %get3A_2366 : vector<1x16xf32> to vector<16xf32>
        %get3A_2368 = arith.constant 960 : index
        %get3A_2369 = tpu.vector_load %arg10[%get3A_2368] {strides = array<i32>} : memref<1024xf32, #tpu.memory_space<vmem>>, vector<16xf32>,
        %get3A_2370 = vector.shape_cast %get3A_2369 : vector<16xf32> to vector<16xf32>
        %get3A_2371 = arith.constant 960 : index
        %get3A_2372 = tpu.vector_load %arg11[%get3A_2371] {strides = array<i32>} : memref<1024xf32, #tpu.memory_space<vmem>>, vector<16xf32>,
        %get3A_2373 = vector.shape_cast %get3A_2372 : vector<16xf32> to vector<16xf32>
        %sub3A_2374 = arith.subf %get3A_2367, %mul3A_1151 : vector<16xf32>
        %mul3A_2375 = arith.mulf %sub3A_2374, %mul3A_1223 : vector<16xf32>
        %mul3A_2376 = arith.mulf %mul3A_2375, %get3A_2370 : vector<16xf32>
        %add3A_2377 = arith.addf %mul3A_2376, %get3A_2373 : vector<16xf32>
        %swap3A_2378 = arith.index_cast %scan3A_30 : i32 to index
        %swap3A_2379 = arith.constant 960 : index
        %swap3A_2380 = tpu.vector_load %arg9[%swap3A_2378, %swap3A_2379] {strides = array<i32>} : memref<16x1024xf32, #tpu.memory_space<vmem>>, vector<1x16xf32>,
        %swap3A_2381 = vector.shape_cast %swap3A_2380 : vector<1x16xf32> to vector<16xf32>
        %swap3A_2382 = vector.shape_cast %add3A_2377 : vector<16xf32> to vector<1x16xf32>
        tpu.vector_store %arg9[%swap3A_2378, %swap3A_2379], %swap3A_2382 {strides = array<i32>} : memref<16x1024xf32, #tpu.memory_space<vmem>>, vector<1x16xf32>,
        %get3A_2383 = arith.index_cast %scan3A_30 : i32 to index
        %get3A_2384 = arith.constant 976 : index
        %get3A_2385 = tpu.vector_load %arg9[%get3A_2383, %get3A_2384] {strides = array<i32>} : memref<16x1024xf32, #tpu.memory_space<vmem>>, vector<1x16xf32>,
        %get3A_2386 = vector.shape_cast %get3A_2385 : vector<1x16xf32> to vector<16xf32>
        %get3A_2387 = arith.constant 976 : index
        %get3A_2388 = tpu.vector_load %arg10[%get3A_2387] {strides = array<i32>} : memref<1024xf32, #tpu.memory_space<vmem>>, vector<16xf32>,
        %get3A_2389 = vector.shape_cast %get3A_2388 : vector<16xf32> to vector<16xf32>
        %get3A_2390 = arith.constant 976 : index
        %get3A_2391 = tpu.vector_load %arg11[%get3A_2390] {strides = array<i32>} : memref<1024xf32, #tpu.memory_space<vmem>>, vector<16xf32>,
        %get3A_2392 = vector.shape_cast %get3A_2391 : vector<16xf32> to vector<16xf32>
        %sub3A_2393 = arith.subf %get3A_2386, %mul3A_1151 : vector<16xf32>
        %mul3A_2394 = arith.mulf %sub3A_2393, %mul3A_1223 : vector<16xf32>
        %mul3A_2395 = arith.mulf %mul3A_2394, %get3A_2389 : vector<16xf32>
        %add3A_2396 = arith.addf %mul3A_2395, %get3A_2392 : vector<16xf32>
        %swap3A_2397 = arith.index_cast %scan3A_30 : i32 to index
        %swap3A_2398 = arith.constant 976 : index
        %swap3A_2399 = tpu.vector_load %arg9[%swap3A_2397, %swap3A_2398] {strides = array<i32>} : memref<16x1024xf32, #tpu.memory_space<vmem>>, vector<1x16xf32>,
        %swap3A_2400 = vector.shape_cast %swap3A_2399 : vector<1x16xf32> to vector<16xf32>
        %swap3A_2401 = vector.shape_cast %add3A_2396 : vector<16xf32> to vector<1x16xf32>
        tpu.vector_store %arg9[%swap3A_2397, %swap3A_2398], %swap3A_2401 {strides = array<i32>} : memref<16x1024xf32, #tpu.memory_space<vmem>>, vector<1x16xf32>,
        %get3A_2402 = arith.index_cast %scan3A_30 : i32 to index
        %get3A_2403 = arith.constant 992 : index
        %get3A_2404 = tpu.vector_load %arg9[%get3A_2402, %get3A_2403] {strides = array<i32>} : memref<16x1024xf32, #tpu.memory_space<vmem>>, vector<1x16xf32>,
        %get3A_2405 = vector.shape_cast %get3A_2404 : vector<1x16xf32> to vector<16xf32>
        %get3A_2406 = arith.constant 992 : index
        %get3A_2407 = tpu.vector_load %arg10[%get3A_2406] {strides = array<i32>} : memref<1024xf32, #tpu.memory_space<vmem>>, vector<16xf32>,
        %get3A_2408 = vector.shape_cast %get3A_2407 : vector<16xf32> to vector<16xf32>
        %get3A_2409 = arith.constant 992 : index
        %get3A_2410 = tpu.vector_load %arg11[%get3A_2409] {strides = array<i32>} : memref<1024xf32, #tpu.memory_space<vmem>>, vector<16xf32>,
        %get3A_2411 = vector.shape_cast %get3A_2410 : vector<16xf32> to vector<16xf32>
        %sub3A_2412 = arith.subf %get3A_2405, %mul3A_1151 : vector<16xf32>
        %mul3A_2413 = arith.mulf %sub3A_2412, %mul3A_1223 : vector<16xf32>
        %mul3A_2414 = arith.mulf %mul3A_2413, %get3A_2408 : vector<16xf32>
        %add3A_2415 = arith.addf %mul3A_2414, %get3A_2411 : vector<16xf32>
        %swap3A_2416 = arith.index_cast %scan3A_30 : i32 to index
        %swap3A_2417 = arith.constant 992 : index
        %swap3A_2418 = tpu.vector_load %arg9[%swap3A_2416, %swap3A_2417] {strides = array<i32>} : memref<16x1024xf32, #tpu.memory_space<vmem>>, vector<1x16xf32>,
        %swap3A_2419 = vector.shape_cast %swap3A_2418 : vector<1x16xf32> to vector<16xf32>
        %swap3A_2420 = vector.shape_cast %add3A_2415 : vector<16xf32> to vector<1x16xf32>
        tpu.vector_store %arg9[%swap3A_2416, %swap3A_2417], %swap3A_2420 {strides = array<i32>} : memref<16x1024xf32, #tpu.memory_space<vmem>>, vector<1x16xf32>,
        %get3A_2421 = arith.index_cast %scan3A_30 : i32 to index
        %get3A_2422 = arith.constant 1008 : index
        %get3A_2423 = tpu.vector_load %arg9[%get3A_2421, %get3A_2422] {strides = array<i32>} : memref<16x1024xf32, #tpu.memory_space<vmem>>, vector<1x16xf32>,
        %get3A_2424 = vector.shape_cast %get3A_2423 : vector<1x16xf32> to vector<16xf32>
        %get3A_2425 = arith.constant 1008 : index
        %get3A_2426 = tpu.vector_load %arg10[%get3A_2425] {strides = array<i32>} : memref<1024xf32, #tpu.memory_space<vmem>>, vector<16xf32>,
        %get3A_2427 = vector.shape_cast %get3A_2426 : vector<16xf32> to vector<16xf32>
        %get3A_2428 = arith.constant 1008 : index
        %get3A_2429 = tpu.vector_load %arg11[%get3A_2428] {strides = array<i32>} : memref<1024xf32, #tpu.memory_space<vmem>>, vector<16xf32>,
        %get3A_2430 = vector.shape_cast %get3A_2429 : vector<16xf32> to vector<16xf32>
        %sub3A_2431 = arith.subf %get3A_2424, %mul3A_1151 : vector<16xf32>
        %mul3A_2432 = arith.mulf %sub3A_2431, %mul3A_1223 : vector<16xf32>
        %mul3A_2433 = arith.mulf %mul3A_2432, %get3A_2427 : vector<16xf32>
        %add3A_2434 = arith.addf %mul3A_2433, %get3A_2430 : vector<16xf32>
        %swap3A_2435 = arith.index_cast %scan3A_30 : i32 to index
        %swap3A_2436 = arith.constant 1008 : index
        %swap3A_2437 = tpu.vector_load %arg9[%swap3A_2435, %swap3A_2436] {strides = array<i32>} : memref<16x1024xf32, #tpu.memory_space<vmem>>, vector<1x16xf32>,
        %swap3A_2438 = vector.shape_cast %swap3A_2437 : vector<1x16xf32> to vector<16xf32>
        %swap3A_2439 = vector.shape_cast %add3A_2434 : vector<16xf32> to vector<1x16xf32>
        tpu.vector_store %arg9[%swap3A_2435, %swap3A_2436], %swap3A_2439 {strides = array<i32>} : memref<16x1024xf32, #tpu.memory_space<vmem>>, vector<1x16xf32>,
      }
      %scan3A_29 = arith.constant 16 : i32
      "tpu.region"() ({
        %run_scoped3A = tpu.sem_alloc : memref<!tpu.dma_semaphore, #tpu.memory_space<semaphore_mem>>
        %dma_start3A = arith.constant 0 : i32
        %dma_start3A_30 = tpu.memref_slice %arg6[%add3A_20, %dma_start3A] : memref<2048x1024xf32, #tpu.memory_space<hbm>> -> memref<16x1024xf32, #tpu.memory_space<hbm>>
        %dma_start3A_31 = arith.constant 0 : i32
        %dma_start3A_32 = tpu.memref_slice %arg6[%add3A_20, %dma_start3A_31] : memref<2048x1024xf32, #tpu.memory_space<hbm>> -> memref<16x1024xf32, #tpu.memory_space<hbm>>
        tpu.enqueue_dma source(%arg9 : memref<16x1024xf32, #tpu.memory_space<vmem>>) target(%dma_start3A_32 : memref<16x1024xf32, #tpu.memory_space<hbm>>) target_semaphore(%run_scoped3A : memref<!tpu.dma_semaphore, #tpu.memory_space<semaphore_mem>>)
        %dma_wait3A = arith.constant 0 : i32
        %dma_wait3A_33 = tpu.memref_slice %arg6[%add3A_20, %dma_wait3A] : memref<2048x1024xf32, #tpu.memory_space<hbm>> -> memref<16x1024xf32, #tpu.memory_space<hbm>>
        %dma_wait3A_34 = arith.constant 0 : i32
        %dma_wait3A_35 = tpu.memref_slice %arg6[%add3A_20, %dma_wait3A_34] : memref<2048x1024xf32, #tpu.memory_space<hbm>> -> memref<16x1024xf32, #tpu.memory_space<hbm>>
        tpu.wait_dma2 semaphore(%run_scoped3A : memref<!tpu.dma_semaphore, #tpu.memory_space<semaphore_mem>>) src(%arg9 : memref<16x1024xf32, #tpu.memory_space<vmem>>) dst(%dma_wait3A_35 : memref<16x1024xf32, #tpu.memory_space<hbm>>)
        tpu.yield
      }) : () -> ()
    }
    %scan3A_16 = arith.constant 4 : i32
    return
  }
}

module attributes {stable_mosaic.version = 14 : i64} {
  func.func @_tc_body(%arg0: i32, %arg1: memref<256x1024xf32, #tpu.memory_space<vmem>>, %arg2: memref<256x1024xf32, #tpu.memory_space<vmem>>, %arg3: memref<1x1024xf32, #tpu.memory_space<vmem>>, %arg4: memref<1x1024xf32, #tpu.memory_space<vmem>>, %arg5: memref<256x1024xf32, #tpu.memory_space<vmem>>) attributes {dimension_semantics = [#tpu.dimension_semantics<arbitrary>], iteration_bounds = array<i64: 56>, scalar_prefetch = 0 : i64, scratch_operands = 0 : i64, tpu.core_type = #tpu.core_type<tc>, window_params = [{transform_indices = @transform_0, window_bounds = array<i64: 256, 1024>}, {transform_indices = @transform_1, window_bounds = array<i64: 256, 1024>}, {pipeline_mode = #tpu.pipeline_mode<synchronous>, transform_indices = @transform_2, window_bounds = array<i64: 1, 1024>}, {pipeline_mode = #tpu.pipeline_mode<synchronous>, transform_indices = @transform_3, window_bounds = array<i64: 1, 1024>}, {transform_indices = @transform_4, window_bounds = array<i64: 256, 1024>}]} {
    %get3A = arith.constant 0 : index
    %get3A_0 = arith.constant 0 : index
    %get3A_1 = vector.load %arg1[%get3A, %get3A_0] : memref<256x1024xf32, #tpu.memory_space<vmem>>, vector<256x1024xf32>
    %get3A_2 = arith.constant 0 : index
    %get3A_3 = arith.constant 0 : index
    %get3A_4 = vector.load %arg2[%get3A_2, %get3A_3] : memref<256x1024xf32, #tpu.memory_space<vmem>>, vector<256x1024xf32>
    %add3A = arith.addf %get3A_1, %get3A_4 : vector<256x1024xf32>
    %reduce_sum3A = arith.constant dense<0.000000e+00> : vector<256xf32>
    %reduce_sum3A_5 = vector.multi_reduction <add>, %add3A, %reduce_sum3A [1] : vector<256x1024xf32> to vector<256xf32>
    %broadcast_in_dim3A = vector.shape_cast %reduce_sum3A_5 : vector<256xf32> to vector<256x1xf32>
    %div3A = arith.constant 1.024000e+03 : f32
    %div3A_6 = vector.broadcast %div3A : f32 to vector<256x1xf32>
    %div3A_7 = arith.divf %broadcast_in_dim3A, %div3A_6 : vector<256x1xf32>
    %sub3A = vector.broadcast %div3A_7 : vector<256x1xf32> to vector<256x1024xf32>
    %sub3A_8 = arith.subf %add3A, %sub3A : vector<256x1024xf32>
    %mul3A = arith.mulf %sub3A_8, %sub3A_8 : vector<256x1024xf32>
    %reduce_sum3A_9 = arith.constant dense<0.000000e+00> : vector<256xf32>
    %reduce_sum3A_10 = vector.multi_reduction <add>, %mul3A, %reduce_sum3A_9 [1] : vector<256x1024xf32> to vector<256xf32>
    %broadcast_in_dim3A_11 = vector.shape_cast %reduce_sum3A_10 : vector<256xf32> to vector<256x1xf32>
    %div3A_12 = arith.constant 1.024000e+03 : f32
    %div3A_13 = vector.broadcast %div3A_12 : f32 to vector<256x1xf32>
    %div3A_14 = arith.divf %broadcast_in_dim3A_11, %div3A_13 : vector<256x1xf32>
    %add3A_15 = arith.constant 9.99999996E-13 : f32
    %add3A_16 = vector.broadcast %add3A_15 : f32 to vector<256x1xf32>
    %add3A_17 = arith.addf %div3A_14, %add3A_16 : vector<256x1xf32>
    %rsqrt3A = math.rsqrt %add3A_17 : vector<256x1xf32>
    %mul3A_18 = vector.broadcast %rsqrt3A : vector<256x1xf32> to vector<256x1024xf32>
    %mul3A_19 = arith.mulf %sub3A_8, %mul3A_18 : vector<256x1024xf32>
    %get3A_20 = arith.constant 0 : index
    %get3A_21 = arith.constant 0 : index
    %get3A_22 = vector.load %arg3[%get3A_20, %get3A_21] : memref<1x1024xf32, #tpu.memory_space<vmem>>, vector<1x1024xf32>
    %mul3A_23 = vector.broadcast %get3A_22 : vector<1x1024xf32> to vector<256x1024xf32>
    %mul3A_24 = arith.mulf %mul3A_19, %mul3A_23 : vector<256x1024xf32>
    %get3A_25 = arith.constant 0 : index
    %get3A_26 = arith.constant 0 : index
    %get3A_27 = vector.load %arg4[%get3A_25, %get3A_26] : memref<1x1024xf32, #tpu.memory_space<vmem>>, vector<1x1024xf32>
    %add3A_28 = vector.broadcast %get3A_27 : vector<1x1024xf32> to vector<256x1024xf32>
    %add3A_29 = arith.addf %mul3A_24, %add3A_28 : vector<256x1024xf32>
    %swap3A = arith.constant 0 : index
    %swap3A_30 = arith.constant 0 : index
    %swap3A_31 = vector.load %arg5[%swap3A, %swap3A_30] : memref<256x1024xf32, #tpu.memory_space<vmem>>, vector<256x1024xf32>
    tpu.vector_store %arg5[%swap3A, %swap3A_30], %add3A_29 {strides = array<i32>} : memref<256x1024xf32, #tpu.memory_space<vmem>>, vector<256x1024xf32>,
    return
  }
  func.func @transform_0(%arg0: i32) -> (i32, i32) {
    %add3A = arith.constant 8 : i32
    %add3A_0 = arith.addi %add3A, %arg0 : i32
    %c0_i32 = arith.constant 0 : i32
    %c0_i32_1 = arith.constant 0 : i32
    return %add3A_0, %c0_i32 : i32, i32
  }
  func.func @transform_1(%arg0: i32) -> (i32, i32) {
    %add3A = arith.constant 8 : i32
    %add3A_0 = arith.addi %add3A, %arg0 : i32
    %jit3A = arith.constant 16 : i32
    %eq3A = arith.constant 0 : i32
    %eq3A_1 = arith.cmpi eq, %jit3A, %eq3A : i32
    %jit3A_2 = arith.constant 1 : i32
    %select_n3A = arith.select %eq3A_1, %jit3A_2, %jit3A : i32
    %rem3A = arith.remsi %add3A_0, %select_n3A : i32
    %ne3A = arith.constant 0 : i32
    %ne3A_3 = arith.cmpi ne, %rem3A, %ne3A : i32
    %lt3A = arith.constant 0 : i32
    %lt3A_4 = arith.cmpi slt, %rem3A, %lt3A : i32
    %lt3A_5 = arith.constant 0 : i32
    %lt3A_6 = arith.cmpi slt, %select_n3A, %lt3A_5 : i32
    %ne3A_7 = arith.xori %lt3A_4, %lt3A_6 : i1
    %and3A = arith.andi %ne3A_7, %ne3A_3 : i1
    %add3A_8 = arith.addi %rem3A, %select_n3A : i32
    %select_n3A_9 = arith.select %and3A, %add3A_8, %rem3A : i32
    %c0_i32 = arith.constant 0 : i32
    %c0_i32_10 = arith.constant 0 : i32
    return %select_n3A_9, %c0_i32 : i32, i32
  }
  func.func @transform_2(%arg0: i32) -> (i32, i32) {
    %c0_i32 = arith.constant 0 : i32
    %c0_i32_0 = arith.constant 0 : i32
    %c0_i32_1 = arith.constant 0 : i32
    return %c0_i32, %c0_i32_0 : i32, i32
  }
  func.func @transform_3(%arg0: i32) -> (i32, i32) {
    %c0_i32 = arith.constant 0 : i32
    %c0_i32_0 = arith.constant 0 : i32
    %c0_i32_1 = arith.constant 0 : i32
    return %c0_i32, %c0_i32_0 : i32, i32
  }
  func.func @transform_4(%arg0: i32) -> (i32, i32) {
    %add3A = arith.constant 8 : i32
    %add3A_0 = arith.addi %add3A, %arg0 : i32
    %c0_i32 = arith.constant 0 : i32
    %c0_i32_1 = arith.constant 0 : i32
    return %add3A_0, %c0_i32 : i32, i32
  }
}

</mosaic_0001>

<sc_bundles>
// kernel: kernel.4.cloned.1.call-start
scs
__scs_entry_jumppad:
0x0: {  	(pc) =	sbr.rel $0x88, $3  }
0x1: {  	(tag) =	ssettag $0x0;
	lr =	simm.s32 $0x1  }
0x2: {  	[smem:$0x3F9D] =	sst lr;
	_ =	strace $0xD0000000  }
0x3: {  	_ = 	snop  }
0x4: {  	_ = 	snop  }
0x5: {  	_ = 	snop  }
0x6: {  	_ = 	snop  }
0x7: {  	_ = 	snop  }
__scs_overlays_trampoline_lowered:
0x8: {  	[smem:$0x3FAC] =	sst s0  }
0x9: {  	[smem:$0x3FAD] =	sst s1  }
0xa: {  	[smem:$0x3FAE] =	sst s2  }
0xb: {  	[smem:$0x3FAF] =	sst s3  }
0xc: {  	[smem:$0x3FB0] =	sst s4  }
0xd: {  	[smem:$0x3FB1] =	sst s5  }
0xe: {  	[smem:$0x3FB2] =	sst s6  }
0xf: {  	[smem:$0x3FB3] =	sst s7  }
0x10: {  	[smem:$0x3FB4] =	sst s8  }
0x11: {  	[smem:$0x3FB5] =	sst s9;
	s0 =	simm.s32 @!p0 $0x0  }
0x12: {  	s1 =	sld [smem:$0x3F9B];
	s0 =	simm.s32 @p0 $0x1  }
0x13: {  	[smem:$0x3FB6] =	sst s0;
	s0 =	simm.s32 @!p1 $0x0  }
0x14: {  	s2 =	sld [smem:$0x3F9A];
	s0 =	simm.s32 @p1 $0x1  }
0x15: {  	[smem:$0x3FB7] =	sst s0;
	s0 =	simm.s32 @!p2 $0x0  }
0x16: {  	s3 =	sld [smem:$0x3FDB];
	s0 =	simm.s32 @p2 $0x1  }
0x17: {  	s4 =	simm.s32 $0x1BF5;
	[smem:$0x3FB9] =	sst s0  }
0x18: {  	s0 =	sld [smem:$0x3F9C];
	_ =	swait.ge [sflag:s4], $0x0  }
0x19: {  	s7 =	sld [smem:$0x3F9D]  }
0x1a: {  	s8 =	sadd.s32 $0xFFFFE003, lr  }
0x1b: {  	s9 =	sadd.s32 $0xFFFFFEF7, lr;
	s5 =	simm.s32 $0xFFFFFFFF;
	p2 =	slt.u32 s8, $0xFFFFF086  }
0x1c: {  	p1 =	slt.u32 s9, $0xF7A;
	s5 =	simm.s32 @!p2 $0x0  }
0x1d: {  	s5 =	simm.s32 @p1 $0x1;
	p0 =	seq.s32 s7, s2  }
0x1e: {  	s7 =	smul.u32 @!p0 $0xF7A, s2;
	p2 =	seq.s32 @!p0 s5, $0x0  }
0x1f: {  	s9 =	smul.u32 $0xF7A, s1;
	s8 =	simm.s32 @!p0 $0x1BF5;
	p2 =	por !p2, p0  }
0x20: {  	[sflag:s8] =	ssyncset.s32 @!p0 $0xFFFFF086;
	s6 =	sadd.s32 @!p0 s3, s7;
	s7 =	simm.s32 @!p0 $0x108  }
0x21: {  	s3 =	sadd.s32 s3, s9;
	s6 =	sadd.s32 @!p0 $0x88, s6;
	s7 =	simm.s32 @p2 $0x1082  }
0x22: {  	[simem:s7], [sflag:s8] =	dma.local @!p0 [hbm:s6], $0xF7A  }
0x23: {  	s9 =	sor.u32 $0xD0000000, s2;
	s6 =	simm.s32 $0x108;
	_ =	swait.ge @!p0 [sflag:s8], $0x0  }
0x24: {  	s3 =	sadd.s32 $0x88, s3;
	s6 =	simm.s32 @!p1 $0x1082;
	[sflag:s4] =	ssyncset.s32 $0xFFFFF086  }
0x25: {  	[simem:s6], [sflag:s4] =	dma.local [hbm:s3], $0xF7A  }
0x26: {  	[smem:$0x3F9D] =	sst s1;
	(tag) =	ssettag s2;
	_ =	strace s9  }
0x27: {  	s1 =	sld [smem:$0x3FAD]  }
0x28: {  	s2 =	sld [smem:$0x3FAE]  }
0x29: {  	s4 =	sld [smem:$0x3FB0]  }
0x2a: {  	p0 =	seq.s32 s5, $0x0;
	s5 =	sld [smem:$0x3FB1]  }
0x2b: {  	s6 =	sld [smem:$0x3FB2]  }
0x2c: {  	s7 =	sld [smem:$0x3FB3]  }
0x2d: {  	s3 =	simm.s32 $0x108;
	s8 =	sld [smem:$0x3FB4]  }
0x2e: {  	s3 =	simm.s32 @!p0 $0x1082;
	s9 =	sld [smem:$0x3FB5]  }
0x2f: {  	lr =	sadd.s32 s0, s3;
	s0 =	sld [smem:$0x3FAC]  }
0x30: {  	s3 =	sld [smem:$0x3FAF]  }
0x31: {  	[smem:$0x3FB8] =	sst s10  }
0x32: {  	s10 =	sld [smem:$0x3FB6];
	_ =	sdelay $0x3  }
0x33: {  	p0 =	seq.s32 s10, $0x1;
	s10 =	sld [smem:$0x3FB8];
	_ =	sdelay $0x3  }
0x34: {  	[smem:$0x3FB8] =	sst s10  }
0x35: {  	s10 =	sld [smem:$0x3FB7];
	_ =	sdelay $0x3  }
0x36: {  	p1 =	seq.s32 s10, $0x1;
	s10 =	sld [smem:$0x3FB8];
	_ =	sdelay $0x3  }
0x37: {  	[smem:$0x3FB8] =	sst s10  }
0x38: {  	s10 =	sld [smem:$0x3FB9]  }
0x39: {  	_ = 	snop;
	(pc) =	sbr.ind lr, $3  }
0x3a: {  	_ = 	snop  }
0x3b: {  	_ = 	snop  }
0x3c: {  	p2 =	seq.s32 s10, $0x1;
	s10 =	sld [smem:$0x3FB8]  }
0x3d: {  	_ =	shalt  }
0x3e: {  	_ =	shalt  }
0x3f: {  	_ =	shalt  }
0x40: {  	_ =	shalt  }
0x41: {  	_ =	shalt  }
0x42: {  	_ =	shalt  }
0x43: {  	_ =	shalt  }
0x44: {  	_ =	shalt  }
0x45: {  	_ =	shalt  }
0x46: {  	_ =	shalt  }
0x47: {  	_ =	shalt  }
0x48: {  	_ =	shalt  }
0x49: {  	_ =	shalt  }
0x4a: {  	_ =	shalt  }
0x4b: {  	_ =	shalt  }
0x4c: {  	_ =	shalt  }
0x4d: {  	_ =	shalt  }
0x4e: {  	_ =	shalt  }
0x4f: {  	_ =	shalt  }
0x50: {  	_ =	shalt  }
0x51: {  	_ =	shalt  }
0x52: {  	_ =	shalt  }
0x53: {  	_ =	shalt  }
0x54: {  	_ =	shalt  }
0x55: {  	_ =	shalt  }
0x56: {  	_ =	shalt  }
0x57: {  	_ =	shalt  }
0x58: {  	_ =	shalt  }
0x59: {  	_ =	shalt  }
0x5a: {  	_ =	shalt  }
0x5b: {  	_ =	shalt  }
0x5c: {  	_ =	shalt  }
0x5d: {  	_ =	shalt  }
0x5e: {  	_ =	shalt  }
0x5f: {  	_ =	shalt  }
0x60: {  	_ =	shalt  }
0x61: {  	_ =	shalt  }
0x62: {  	_ =	shalt  }
0x63: {  	_ =	shalt  }
0x64: {  	_ =	shalt  }
0x65: {  	_ =	shalt  }
0x66: {  	_ =	shalt  }
0x67: {  	_ =	shalt  }
0x68: {  	_ =	shalt  }
0x69: {  	_ =	shalt  }
0x6a: {  	_ =	shalt  }
0x6b: {  	_ =	shalt  }
0x6c: {  	_ =	shalt  }
0x6d: {  	_ =	shalt  }
0x6e: {  	_ =	shalt  }
0x6f: {  	_ =	shalt  }
0x70: {  	_ =	shalt  }
0x71: {  	_ =	shalt  }
0x72: {  	_ =	shalt  }
0x73: {  	_ =	shalt  }
0x74: {  	_ =	shalt  }
0x75: {  	_ =	shalt  }
0x76: {  	_ =	shalt  }
0x77: {  	_ =	shalt  }
0x78: {  	_ =	shalt  }
0x79: {  	_ =	shalt  }
0x7a: {  	_ =	shalt  }
0x7b: {  	_ =	shalt  }
0x7c: {  	_ =	shalt  }
0x7d: {  	_ =	shalt  }
0x7e: {  	_ =	shalt  }
0x7f: {  	_ =	shalt  }
0x80: {  	_ =	shalt  }
0x81: {  	_ =	shalt  }
0x82: {  	_ =	shalt  }
0x83: {  	_ =	shalt  }
0x84: {  	_ =	shalt  }
0x85: {  	_ =	shalt  }
0x86: {  	_ =	shalt  }
0x87: {  	_ =	shalt  }
.Lfunc_end0:
.L_simem_size_0:
called_computation_lowered:
.L_overlay_start_0:
0x88: {  	s2 =	sld [smem:$0x3FD9]  }
0x89: {  	s3 =	sld [smem:$0x3FFE];
	_ =	sdelay $0x1  }
0x8a: {  	s1 =	srdreg.scid  }
0x8b: {  	s0 =	sand.u32 $0x1, s1  }
0x8c: {  	s17 =	sshll.u32 s0, $0xA;
	s2 =	sadd.s32 s3, s2  }
0x8d: {  	s2 =	sadd.s32 s2, s17  }
0x8e: {  	[smem:$0x3FC4] =	sst s2  }
0x8f: {  	_ = 	snop  }
0x90: {  	s2 =	sld [smem:$0x3FC9]  }
0x91: {  	s18 =	sld [smem:$0x3FC8]  }
0x92: {  	s4 =	sld [smem:$0x3FC7]  }
0x93: {  	s5 =	sld [smem:$0x3FC6];
	(tm) =	ssettm $0x1  }
0x94: {  	s6 =	sld [smem:$0x3FFB];
	_ =	sdelay $0x3  }
0x95: {  	_ =	strace s6  }
0x96: {  	s6 =	sld [smem:$0x3FFC];
	_ =	sdelay $0x3  }
0x97: {  	_ =	strace s6  }
0x98: {  	s6 =	sld [smem:$0x3FFD];
	_ =	sdelay $0x3  }
0x99: {  	_ =	strace s6  }
0x9a: {  	_ =	strace $0x8FFFFFFF  }
0x9b: {  	s19 =	sld [smem:$0x3FDB];
	_ =	sdelay $0x1  }
0x9c: {  	s7 =	simm.s32 $_scs_section_size  }
0x9d: {  	s8 =	simm.s32 $_size__tile_overlayer_lowered;
	s9 =	simm.s32 $_tile_overlayer_lowered  }
0x9e: {  	s22 =	simm.s32 $0x1BFF;
	s21 =	sshll.u32 s9, $0x1;
	s6 =	sadd.s32 s7, s19  }
0x9f: {  	s10 =	simm.s32 $0x0;
	s20 =	sshll.u32 s8, $0x1;
	s8 =	sadd.s32 s21, s6  }
0xa0: {  	[timem:s10], [sflag:s22] =	dma.local [hbm:s8], s20  }
0xa1: {  	_ =	swait.ge [sflag:s22], s20  }
0xa2: {  	s7 =	ssub.s32 $0x0, s20;
	[sflag:s22] =	ssyncset.done $0x0  }
0xa3: {  	[sflag:s22] =	ssyncadd.s32 s7;
	_ =	sdelay $0x1  }
0xa4: {  	s23 =	simm.s32 $0x1B8B  }
0xa5: {  	_ =	swait.ge [sflag:s23], $0x1  }
0xa6: {  	[sflag:s23] =	ssyncset.done $0x0  }
0xa7: {  	s25 =	simm.s32 $0x1B8E;
	s24 =	sld [smem:$0x3FFE];
	[sflag:s23] =	ssyncadd.s32 $0xFFFFFFFF  }
0xa8: {  	s26 =	simm.s32 $execute0_lowered;
	[smem:$0x3FD2] =	sst s25  }
0xa9: {  	s8 =	sshll.u32 s26, $0x1;
	_ =	strace $0x80000046;
	[dreg:$0x1] =	wrdreg $0xFFFFFFFF  }
0xaa: {  	s28 =	simm.s32 $_size_execute0_lowered;
	s6 =	sadd.s32 s6, s8;
	[dreg:$0x0] =	wrdreg $0x0  }
0xab: {  	s8 =	sshll.u32 s28, $0x1;
	[dreg:$0x2] =	wrdreg s6  }
0xac: {  	[dreg:$0x3] =	wrdreg s8  }
0xad: {  	[dreg:$0x4] =	wrdreg $0xC0  }
0xae: {  	_ =	task [dreg:s10], $0x5FFFF  }
0xaf: {  	[dreg:$0x1] =	wrdreg $0xFFFFFFFF  }
0xb0: {  	[dreg:$0x0] =	wrdreg $0x60  }
0xb1: {  	[dreg:$0x2] =	wrdreg s2  }
0xb2: {  	[dreg:$0x3] =	wrdreg s18  }
0xb3: {  	[dreg:$0x4] =	wrdreg s4  }
0xb4: {  	[dreg:$0x5] =	wrdreg s5  }
0xb5: {  	[dreg:$0x6] =	wrdreg s24  }
0xb6: {  	[dreg:$0x7] =	wrdreg $0x9  }
0xb7: {  	_ =	task.clear_ibuf [dreg:s10], $0x8FFFF;
	_ =	strace $0x90000046  }
0xb8: {  	s29 =	simm.s32 $0x9;
	_ =	strace $0x80000048  }
0xb9: {  	_ =	swait.ge [sflag:s29], $0x1  }
0xba: {  	[sflag:s29] =	ssyncadd.s32 $0xFFFFFFFF  }
0xbb: {  	_ =	strace $0x90000048  }
0xbc: {  	_ =	sfence  }
0xbd: {  	s30 =	sld [smem:$0x0];
	_ =	sdelay $0x2  }
0xbe: {  	s31 =	sshll.u32 s1, $0xD;
	s1 =	sshrl.u32 s1, $0x2  }
0xbf: {  	s3 =	sand.u32 $0x4000, s31;
	s1 =	sadd.s32 s1, s30  }
0xc0: {  	s0 =	sor.u32 s3, s0;
	s1 =	sshll.u32 s1, $0x11  }
0xc1: {  	s0 =	sor.u32 s1, s0  }
0xc2: {  	s0 =	sadd.s32 $0x8F2B, s0  }
0xc3: {  	[sflag:s0] =	ssyncadd.remote.s32 $0x1  }
0xc4: {  	_ =	sfence.sel $0xFFFF  }
0xc5: {  	[dreg:$0x0] =	wrdreg $0xFFFFFFFF;
	(pc) =	sbr.abs _section_cstart, $3  }
0xc6: {  	[dreg:$0x1] =	wrdreg $0xFFFFFFFF  }
0xc7: {  	_ =	task.clear_ibuf [dreg:s10], $0x2FFFF;
	_ =	strace $0x9FFFFFFF  }
0xc8: {  	(tm) =	ssettm $0x7FFFFFFF  }
0xc9: {  	_ =	shalt  }
tec
execute0_lowered:
.L_overlay_start_1:
0x0: {  	(tag) =	ssettag $0x1  }
0x1: {  	v0 =	vimm.s32 $0xFEDCBA98  }
0x2: {  	v1 =	vimm.s32 $0x76543210;
	v2 =	vimm.s32 $0xBA98FEDC;
	v3 =	vimm.s32 $0x32107654  }
0x3: {  	s0 =	rddreg [dreg:$0x0];
	v4 =	vimm.s32 $0xDCFE98BA;
	v5 =	vimm.s32 $0x54761032;
	v6 =	vimm.s32 $0xEFCDAB89  }
0x4: {  	s1 =	rddreg [dreg:$0x1];
	v7 =	vimm.s32 $0x67452301;
	v0 =	vunpack.c.l.s4.s8 v0;
	v1 =	vunpack.c.l.s4.s8 v1  }
0x5: {  	s2 =	rddreg [dreg:$0x2];
	v2 =	vunpack.c.l.s4.s8 v2;
	v4 =	vunpack.c.l.s4.s8 v4;
	v5 =	vunpack.c.l.s4.s8 v5  }
0x6: {  	s3 =	rddreg [dreg:$0x3];
	v3 =	vunpack.c.l.s4.s8 v3;
	v6 =	vunpack.c.l.s4.s8 v6;
	v7 =	vunpack.c.l.s4.s8 v7  }
0x7: {  	s7 =	rddreg [dreg:$0x4];
	v0 =	vunpack.c.0.s8.s32 v0;
	v4 =	vunpack.c.0.s8.s32 v4;
	v5 =	vunpack.c.0.s8.s32 v5  }
0x8: {  	s6 =	srdreg.scid;
	s4 =	rddreg [dreg:$0x5];
	s5 =	simm.s32 $0x0;
	v6 =	vunpack.c.0.s8.s32 v6;
	v7 =	vunpack.c.0.s8.s32 v7;
	v1 =	vunpack.c.0.s8.s32 v1  }
0x9: {  	s11 =	simm.s32 $0x1;
	s12 =	simm.s32 $0xC400;
	s13 =	simm.s32 $0x4000;
	v2 =	vunpack.c.0.s8.s32 v2;
	v62 =	vcombine.low v5, v4;
	v0 =	vand.u32 $0xF, v0  }
0xa: {  	s14 =	simm.s32 $0x8000;
	s15 =	simm.s32 $0x0;
	s8 =	sand.u32 $0x1, s6;
	v3 =	vunpack.c.0.s8.s32 v3;
	v63 =	vcombine.low v7, v6;
	v7 =	vcombine.low v0, v1  }
0xb: {  	[smem:$0x7FF] =	sst s5;
	s6 =	stileid.u32;
	s9 =	ssub.s32 $0x2, s8  }
0xc: {  	s7 =	sadd.s32 $0xA00, s7;
	_ =	strace $0x80000047;
	s10 =	sshrl.u32 s9, $0x1;
	v2 =	vcombine.low v3, v2;
	v3 =	vand.u32 $0xF, v62;
	[tilespmem:$0x1FFD0] =	vst v7  }
0xd: {  	s8 =	sshll.u32 s8, $0x11;
	s31 =	sshll.u32 s6, $0xD;
	s9 =	ssub.s32 s9, s10;
	v9 =	vand.u32 $0xF, v63;
	[tilespmem:$0x1FFE0] =	vst v3  }
0xe: {  	s8 =	sor.u32 s31, s8;
	s10 =	simm.s32 $0xC000;
	s9 =	smax.u32 s9, $0x1;
	v8 =	vand.u32 $0xF, v2;
	[tilespmem:$0x1FFF0] =	vst v9  }
.LBB2_1:
0xf: {  	[tilespmem:s10], [sflag:$0x1] =	stream.linear.gather [hbm4b:s2+s5], $0x400, $0x38;
	[tilespmem:$0xC800] =	vst v63  }
0x10: {  	_ =	swait.ge [sflag:s11], $0x400  }
0x11: {  	[sflag:s11] =	ssyncset.done $0x0  }
0x12: {  	[sflag:s11] =	ssyncadd.s32 $0xFFFFFC00  }
0x13: {  	[tilespmem:s12], [sflag:$0x1] =	stream.linear.gather [hbm4b:s3+s5], $0x400, $0x38;
	[tilespmem:$0xC800] =	vst v63  }
0x14: {  	_ =	swait.ge [sflag:s11], $0x400  }
0x15: {  	[sflag:s11] =	ssyncset.done $0x0  }
0x16: {  	s16 =	simm.s32 $0x0;
	[sflag:s11] =	ssyncadd.s32 $0xFFFFFC00  }
.LBB2_2:
0x17: {  	s17 =	sshll.u32 s16, $0xB  }
0x18: {  	s17 =	sadd.s32 s8, s17  }
0x19: {  	s18 =	simm.s32 $0x0;
	s19 =	sadd.s32 s0, s17  }
0x1a: {  	[tilespmem:s18], [sflag:$0x1] =	stream.linear.gather [hbm4b:s19+s18], $0x4000, $0x38;
	[tilespmem:$0xC800] =	vst v63  }
0x1b: {  	_ =	swait.ge [sflag:s11], $0x4000  }
0x1c: {  	[sflag:s11] =	ssyncset.done $0x0  }
0x1d: {  	s31 =	sadd.s32 s1, s17;
	[sflag:s11] =	ssyncadd.s32 $0xFFFFC000  }
0x1e: {  	[tilespmem:s13], [sflag:$0x1] =	stream.linear.gather [hbm4b:s31+s18], $0x4000, $0x38;
	[tilespmem:$0xC800] =	vst v63  }
0x1f: {  	_ =	swait.ge [sflag:s11], $0x4000  }
0x20: {  	s20 =	simm.s32 $0x0;
	[sflag:s11] =	ssyncset.done $0x0  }
0x21: {  	s21 =	simm.s32 $0x0;
	s19 =	simm.s32 $0xFFFFC000;
	[sflag:s11] =	ssyncadd.s32 $0xFFFFC000  }
.LBB2_3:
0x22: {  	s22 =	sadd.s32 $0x4000, s19  }
0x23: {  	s23 =	sand.u32 $0x380, s21;
	s22 =	sand.u32 $0x2000, s22  }
0x24: {  	s22 =	sor.u32 s23, s22  }
0x25: {  	v5 =	vld [tilespmem:s22+$0x0]  }
0x26: {  	v6 =	vld [tilespmem:s22+$0x4000]  }
0x27: {  	v9 =	vld [tilespmem:s22+$0x10]  }
0x28: {  	v10 =	vld [tilespmem:s22+$0x4010]  }
0x29: {  	v11 =	vld [tilespmem:s22+$0x20]  }
0x2a: {  	v12 =	vld [tilespmem:s22+$0x4020]  }
0x2b: {  	v13 =	vld [tilespmem:s22+$0x30]  }
0x2c: {  	v14 =	vld [tilespmem:s22+$0x4030]  }
0x2d: {  	v15 =	vld [tilespmem:s22+$0x40]  }
0x2e: {  	v16 =	vld [tilespmem:s22+$0x4040]  }
0x2f: {  	v17 =	vld [tilespmem:s22+$0x50]  }
0x30: {  	v18 =	vld [tilespmem:s22+$0x4050]  }
0x31: {  	v19 =	vld [tilespmem:s22+$0x60]  }
0x32: {  	v20 =	vld [tilespmem:s22+$0x4060]  }
0x33: {  	v21 =	vld [tilespmem:s22+$0x70]  }
0x34: {  	v22 =	vld [tilespmem:s22+$0x4070]  }
0x35: {  	v23 =	vld [tilespmem:s22+$0x400]  }
0x36: {  	v24 =	vld [tilespmem:s22+$0x4400]  }
0x37: {  	v25 =	vld [tilespmem:s22+$0x410]  }
0x38: {  	v26 =	vld [tilespmem:s22+$0x4410]  }
0x39: {  	v27 =	vld [tilespmem:s22+$0x420]  }
0x3a: {  	v28 =	vld [tilespmem:s22+$0x4420]  }
0x3b: {  	v29 =	vld [tilespmem:s22+$0x430]  }
0x3c: {  	v30 =	vld [tilespmem:s22+$0x4430]  }
0x3d: {  	v31 =	vld [tilespmem:s22+$0x440]  }
0x3e: {  	v32 =	vld [tilespmem:s22+$0x4440]  }
0x3f: {  	v33 =	vld [tilespmem:s22+$0x450]  }
0x40: {  	v34 =	vld [tilespmem:s22+$0x4450]  }
0x41: {  	v35 =	vld [tilespmem:s22+$0x460]  }
0x42: {  	v36 =	vld [tilespmem:s22+$0x4460]  }
0x43: {  	v37 =	vld [tilespmem:s22+$0x470]  }
0x44: {  	v38 =	vld [tilespmem:s22+$0x4470]  }
0x45: {  	v39 =	vld [tilespmem:s22+$0x800]  }
0x46: {  	v40 =	vld [tilespmem:s22+$0x4800]  }
0x47: {  	v41 =	vld [tilespmem:s22+$0x810]  }
0x48: {  	v42 =	vld [tilespmem:s22+$0x4810]  }
0x49: {  	v43 =	vld [tilespmem:s22+$0x820]  }
0x4a: {  	v44 =	vld [tilespmem:s22+$0x4820]  }
0x4b: {  	v45 =	vld [tilespmem:s22+$0x830]  }
0x4c: {  	v46 =	vld [tilespmem:s22+$0x4830]  }
0x4d: {  	v47 =	vld [tilespmem:s22+$0x840]  }
0x4e: {  	v48 =	vld [tilespmem:s22+$0x4840]  }
0x4f: {  	v49 =	vld [tilespmem:s22+$0x850]  }
0x50: {  	v50 =	vld [tilespmem:s22+$0x4850]  }
0x51: {  	v51 =	vld [tilespmem:s22+$0x860]  }
0x52: {  	v52 =	vld [tilespmem:s22+$0x4860]  }
0x53: {  	v53 =	vld [tilespmem:s22+$0x870]  }
0x54: {  	v54 =	vld [tilespmem:s22+$0x4870]  }
0x55: {  	v55 =	vld [tilespmem:s22+$0xC00]  }
0x56: {  	v56 =	vld [tilespmem:s22+$0x4C00]  }
0x57: {  	v57 =	vld [tilespmem:s22+$0xC10]  }
0x58: {  	v58 =	vld [tilespmem:s22+$0x4C10]  }
0x59: {  	v59 =	vld [tilespmem:s22+$0xC20]  }
0x5a: {  	v60 =	vld [tilespmem:s22+$0x4C20]  }
0x5b: {  	v61 =	vld [tilespmem:s22+$0xC30]  }
0x5c: {  	v7 =	vld [tilespmem:s22+$0xC50]  }
0x5d: {  	v1 =	vld [tilespmem:s22+$0x4C50]  }
0x5e: {  	v4 =	vld [tilespmem:s22+$0xC60]  }
0x5f: {  	v3 =	vmov v8;
	v8 =	vld [tilespmem:s22+$0x4C60]  }
0x60: {  	v6 =	vadd.f32 v6, v5;
	v5 =	vld [tilespmem:s22+$0xC70]  }
0x61: {  	v12 =	vadd.f32 v12, v11;
	v11 =	vld [tilespmem:s22+$0x4C70]  }
0x62: {  	v10 =	vadd.f32 v10, v9;
	v9 =	vld [tilespmem:s22+$0x1000]  }
0x63: {  	v13 =	vadd.f32 v14, v13;
	v15 =	vadd.f32 v16, v15;
	v16 =	vld [tilespmem:s22+$0x5000]  }
0x64: {  	v62 =	vld [tilespmem:s22+$0x4C30];
	v7 =	vadd.f32 v1, v7;
	[tilespmem:s22+$0x8000] =	vst v6;
	v2 =	vadd.f32 $0.0e+00, v6  }
0x65: {  	v63 =	vld [tilespmem:s22+$0xC40];
	v8 =	vadd.f32 v8, v4;
	[tilespmem:s22+$0x8010] =	vst v10;
	v6 =	vmul.f32 v6, v6;
	v14 =	vmul.f32 v10, v10  }
0x66: {  	v0 =	vld [tilespmem:s22+$0x4C40];
	[tilespmem:s22+$0x8020] =	vst v12;
	v2 =	vadd.f32 v10, v2;
	v10 =	vadd.f32 v18, v17  }
0x67: {  	v1 =	vld [tilespmem:s22+$0x1450];
	[tilespmem:s22+$0x8030] =	vst v13;
	v6 =	vadd.f32 v14, v6;
	v18 =	vadd.f32 v20, v19  }
0x68: {  	[tilespmem:s22+$0x8040] =	vst v15;
	v17 =	vld [tilespmem:s22+$0x1010];
	v14 =	vmul.f32 v12, v12;
	v5 =	vadd.f32 v11, v5;
	v9 =	vadd.f32 v16, v9  }
0x69: {  	[tilespmem:s22+$0x8C50] =	vst v7;
	v19 =	vld [tilespmem:s22+$0x5010];
	v2 =	vadd.f32 v12, v2;
	v12 =	vadd.f32 v22, v21  }
0x6a: {  	[tilespmem:s22+$0x8C60] =	vst v8;
	v20 =	vld [tilespmem:s22+$0x1020];
	v6 =	vadd.f32 v14, v6;
	v14 =	vmul.f32 v13, v13;
	v21 =	vadd.f32 v24, v23  }
0x6b: {  	v11 =	vld [tilespmem:s22+$0x1460];
	[tilespmem:s22+$0x8050] =	vst v10;
	v24 =	vadd.f32 v28, v27;
	v2 =	vadd.f32 v13, v2  }
0x6c: {  	v16 =	vld [tilespmem:s22+$0x5460];
	[tilespmem:s22+$0x8060] =	vst v18;
	v27 =	vadd.f32 v32, v31;
	v6 =	vadd.f32 v14, v6;
	v14 =	vmul.f32 v15, v15  }
0x6d: {  	v22 =	vld [tilespmem:s22+$0x5020];
	[tilespmem:s22+$0x8C70] =	vst v5;
	v13 =	vadd.f32 v26, v25;
	v2 =	vadd.f32 v15, v2  }
0x6e: {  	v23 =	vld [tilespmem:s22+$0x1030];
	[tilespmem:s22+$0x9000] =	vst v9;
	v4 =	vadd.f32 v19, v17;
	v6 =	vadd.f32 v14, v6;
	v14 =	vmul.f32 v10, v10  }
0x6f: {  	v28 =	vld [tilespmem:s22+$0x5040];
	[tilespmem:s22+$0x8070] =	vst v12;
	v15 =	vadd.f32 v30, v29;
	v2 =	vadd.f32 v10, v2  }
0x70: {  	v31 =	vld [tilespmem:s22+$0x5050];
	[tilespmem:s22+$0x8400] =	vst v21;
	v29 =	vadd.f32 v34, v33;
	v6 =	vadd.f32 v14, v6;
	v10 =	vmul.f32 v18, v18  }
0x71: {  	v32 =	vld [tilespmem:s22+$0x1060];
	[tilespmem:s22+$0x8420] =	vst v24;
	v33 =	vadd.f32 v40, v39;
	v2 =	vadd.f32 v18, v2  }
0x72: {  	v25 =	vld [tilespmem:s22+$0x5030];
	[tilespmem:s22+$0x8440] =	vst v27;
	v39 =	vadd.f32 v48, v47;
	v6 =	vadd.f32 v10, v6;
	v10 =	vmul.f32 v12, v12  }
0x73: {  	v26 =	vld [tilespmem:s22+$0x1040];
	[tilespmem:s22+$0x8410] =	vst v13;
	v11 =	vadd.f32 v16, v11;
	v2 =	vadd.f32 v12, v2  }
0x74: {  	v17 =	vld [tilespmem:s22+$0x1470];
	v19 =	vadd.f32 v22, v20;
	[tilespmem:s22+$0x9010] =	vst v4;
	v6 =	vadd.f32 v10, v6;
	v10 =	vmul.f32 v21, v21  }
0x75: {  	v30 =	vld [tilespmem:s22+$0x1050];
	[tilespmem:s22+$0x8430] =	vst v15;
	v14 =	vadd.f32 v36, v35;
	v2 =	vadd.f32 v21, v2  }
0x76: {  	v34 =	vld [tilespmem:s22+$0x5060];
	[tilespmem:s22+$0x8450] =	vst v29;
	v36 =	vadd.f32 v44, v43;
	v6 =	vadd.f32 v10, v6;
	v10 =	vmul.f32 v13, v13  }
0x77: {  	v40 =	vld [tilespmem:s22+$0x5400];
	[tilespmem:s22+$0x8800] =	vst v33;
	v22 =	vadd.f32 v25, v23;
	v2 =	vadd.f32 v13, v2  }
0x78: {  	v47 =	vld [tilespmem:s22+$0x1430];
	[tilespmem:s22+$0x8840] =	vst v39;
	v25 =	vadd.f32 v28, v26;
	v6 =	vadd.f32 v10, v6;
	v10 =	vmul.f32 v24, v24  }
0x79: {  	[tilespmem:s22+$0x9460] =	vst v11;
	v23 =	vld [tilespmem:s22+$0x1800];
	v18 =	vadd.f32 v38, v37;
	v2 =	vadd.f32 v24, v2  }
0x7a: {  	[tilespmem:s22+$0x9020] =	vst v19;
	v26 =	vld [tilespmem:s22+$0x5800];
	v12 =	vadd.f32 v42, v41;
	v6 =	vadd.f32 v10, v6;
	v10 =	vmul.f32 v15, v15  }
0x7b: {  	v35 =	vld [tilespmem:s22+$0x1070];
	[tilespmem:s22+$0x8460] =	vst v14;
	v42 =	vadd.f32 v52, v51;
	v2 =	vadd.f32 v15, v2  }
0x7c: {  	v43 =	vld [tilespmem:s22+$0x5410];
	[tilespmem:s22+$0x8820] =	vst v36;
	v24 =	vadd.f32 v54, v53;
	v54 =	vmul.f32 v27, v27;
	v6 =	vadd.f32 v10, v6  }
0x7d: {  	v44 =	vld [tilespmem:s22+$0x1420];
	[tilespmem:s22+$0x9030] =	vst v22;
	v21 =	vadd.f32 v46, v45;
	v2 =	vadd.f32 v27, v2  }
0x7e: {  	v28 =	vld [tilespmem:s22+$0x1810];
	[tilespmem:s22+$0x9040] =	vst v25;
	v45 =	vadd.f32 v56, v55;
	v55 =	vmul.f32 v29, v29;
	v48 =	vadd.f32 v54, v6  }
0x7f: {  	[tilespmem:s22+$0x8470] =	vst v18;
	v51 =	vld [tilespmem:s22+$0x5450];
	v23 =	vadd.f32 v26, v23;
	v2 =	vadd.f32 v29, v2  }
0x80: {  	v37 =	vld [tilespmem:s22+$0x5070];
	[tilespmem:s22+$0x8810] =	vst v12;
	v15 =	vadd.f32 v58, v57;
	v57 =	vmul.f32 v14, v14;
	v56 =	vadd.f32 v55, v48  }
0x81: {  	v38 =	vld [tilespmem:s22+$0x1400];
	[tilespmem:s22+$0x8860] =	vst v42;
	v13 =	vadd.f32 v50, v49;
	v2 =	vadd.f32 v14, v2  }
0x82: {  	v41 =	vld [tilespmem:s22+$0x1410];
	[tilespmem:s22+$0x8830] =	vst v21;
	v49 =	vadd.f32 v60, v59;
	v59 =	vmul.f32 v18, v18;
	v58 =	vadd.f32 v57, v56  }
0x83: {  	v52 =	vld [tilespmem:s22+$0x1830];
	[tilespmem:s22+$0x8C00] =	vst v45;
	v2 =	vadd.f32 v18, v2  }
0x84: {  	v46 =	vld [tilespmem:s22+$0x5420];
	v60 =	vmul.f32 v33, v33;
	[tilespmem:s22+$0x9800] =	vst v23;
	v1 =	vadd.f32 v51, v1;
	v14 =	vadd.f32 v59, v58  }
0x85: {  	[tilespmem:s22+$0x8850] =	vst v13;
	v10 =	vadd.f32 v62, v61;
	v61 =	vld [tilespmem:s22+$0x5470];
	v2 =	vadd.f32 v33, v2  }
0x86: {  	[tilespmem:s22+$0x8C20] =	vst v49;
	v62 =	vmul.f32 v12, v12;
	v27 =	vld [tilespmem:s22+$0x1440];
	v14 =	vadd.f32 v60, v14  }
0x87: {  	[tilespmem:s22+$0x9450] =	vst v1;
	v6 =	vadd.f32 v0, v63;
	v0 =	vld [tilespmem:s22+$0x5440];
	v2 =	vadd.f32 v12, v2  }
0x88: {  	v50 =	vld [tilespmem:s22+$0x5430];
	[tilespmem:s22+$0x8870] =	vst v24;
	v63 =	vmul.f32 v36, v36;
	v29 =	vadd.f32 v34, v32;
	v14 =	vadd.f32 v62, v14  }
0x89: {  	[tilespmem:s22+$0x8C10] =	vst v15;
	v32 =	vld [tilespmem:s22+$0x1820];
	v12 =	vadd.f32 v31, v30;
	v2 =	vadd.f32 v36, v2  }
0x8a: {  	[tilespmem:s22+$0x8C30] =	vst v10;
	v48 =	vld [tilespmem:s22+$0x5820];
	v31 =	vadd.f32 v37, v35;
	v37 =	vmul.f32 v21, v21;
	v14 =	vadd.f32 v63, v14  }
0x8b: {  	[tilespmem:s22+$0x8C40] =	vst v6;
	v55 =	vld [tilespmem:s22+$0x1840];
	v17 =	vadd.f32 v61, v17;
	v2 =	vadd.f32 v21, v2  }
0x8c: {  	v53 =	vmul.f32 v39, v39;
	v61 =	vld [tilespmem:s22+$0x1860];
	[tilespmem:s22+$0x9060] =	vst v29;
	v0 =	vadd.f32 v0, v27;
	v14 =	vadd.f32 v37, v14  }
0x8d: {  	v57 =	vld [tilespmem:s22+$0x5840];
	[tilespmem:s22+$0x9470] =	vst v17;
	v33 =	vadd.f32 v40, v38;
	v2 =	vadd.f32 v39, v2  }
0x8e: {  	v56 =	vmul.f32 v13, v13;
	v58 =	vld [tilespmem:s22+$0x1850];
	[tilespmem:s22+$0x9440] =	vst v0;
	v38 =	vadd.f32 v50, v47;
	v14 =	vadd.f32 v53, v14  }
0x8f: {  	v60 =	vld [tilespmem:s22+$0x5850];
	[tilespmem:s22+$0x9400] =	vst v33;
	v2 =	vadd.f32 v13, v2  }
0x90: {  	v59 =	vmul.f32 v42, v42;
	v30 =	vld [tilespmem:s22+$0x5810];
	[tilespmem:s22+$0x9430] =	vst v38;
	v14 =	vadd.f32 v56, v14  }
0x91: {  	[tilespmem:s22+$0x9050] =	vst v12;
	v36 =	vadd.f32 v46, v44;
	v63 =	vld [tilespmem:s22+$0x5860];
	v2 =	vadd.f32 v42, v2  }
0x92: {  	v62 =	vmul.f32 v24, v24;
	[tilespmem:s22+$0x9070] =	vst v31;
	v44 =	vld [tilespmem:s22+$0x5870];
	v46 =	vadd.f32 v57, v55;
	v14 =	vadd.f32 v59, v14  }
0x93: {  	v21 =	vadd.f32 v43, v41;
	[tilespmem:s22+$0x9420] =	vst v36;
	v41 =	vld [tilespmem:s22+$0x1870];
	v2 =	vadd.f32 v24, v2  }
0x94: {  	v54 =	vld [tilespmem:s22+$0x5830];
	v43 =	vadd.f32 v48, v32;
	[tilespmem:s22+$0x9840] =	vst v46;
	v42 =	vmul.f32 v45, v45;
	v14 =	vadd.f32 v62, v14  }
0x95: {  	v40 =	vadd.f32 v30, v28;
	[tilespmem:s22+$0x9410] =	vst v21;
	v2 =	vadd.f32 v45, v2  }
0x96: {  	v47 =	vmul.f32 v15, v15;
	[tilespmem:s22+$0x9820] =	vst v43;
	v48 =	vadd.f32 v63, v61;
	v14 =	vadd.f32 v42, v14  }
0x97: {  	[tilespmem:s22+$0x9810] =	vst v40;
	v13 =	vadd.f32 v60, v58;
	v2 =	vadd.f32 v15, v2  }
0x98: {  	s31 =	sand.u32 $0x7, s18;
	v50 =	vmul.f32 v49, v49;
	v51 =	vadd.f32 v44, v41;
	[tilespmem:s22+$0x9860] =	vst v48;
	v14 =	vadd.f32 v47, v14  }
0x99: {  	s23 =	sshll.u32 s31, $0x7;
	[tilespmem:s22+$0x9850] =	vst v13;
	v45 =	vadd.f32 v54, v52;
	v2 =	vadd.f32 v49, v2  }
0x9a: {  	s31 =	sadd.s32 s23, s20;
	[tilespmem:s22+$0x9870] =	vst v51;
	v52 =	vmul.f32 v10, v10;
	v14 =	vadd.f32 v50, v14  }
0x9b: {  	s23 =	sor.u32 $0x1C00, s31;
	[tilespmem:s22+$0x9830] =	vst v45;
	v2 =	vadd.f32 v10, v2  }
0x9c: {  	v53 =	vmul.f32 v6, v6;
	v54 =	vld [tilespmem:s23+$0x0];
	v10 =	vadd.f32 v52, v14  }
0x9d: {  	v2 =	vadd.f32 v6, v2;
	v6 =	vld [tilespmem:s23+$0x4000]  }
0x9e: {  	v55 =	vmul.f32 v7, v7;
	v10 =	vadd.f32 v53, v10  }
0x9f: {  	v2 =	vadd.f32 v7, v2  }
0xa0: {  	v7 =	vadd.f32 v55, v10;
	v10 =	vmul.f32 v8, v8  }
0xa1: {  	v2 =	vadd.f32 v8, v2  }
0xa2: {  	v7 =	vadd.f32 v10, v7;
	v8 =	vmul.f32 v5, v5;
	v6 =	vadd.f32 v6, v54  }
0xa3: {  	v2 =	vadd.f32 v5, v2  }
0xa4: {  	s24 =	sor.u32 $0x1C10, s31;
	v56 =	vadd.f32 v8, v7;
	v7 =	vmul.f32 v9, v9;
	[tilespmem:s23+$0x8000] =	vst v6  }
0xa5: {  	v2 =	vadd.f32 v9, v2;
	v8 =	vld [tilespmem:s24+$0x0]  }
0xa6: {  	v5 =	vadd.f32 v7, v56;
	v7 =	vmul.f32 v4, v4;
	v9 =	vld [tilespmem:s24+$0x4000]  }
0xa7: {  	v2 =	vadd.f32 v4, v2  }
0xa8: {  	v58 =	vmul.f32 v19, v19;
	v57 =	vadd.f32 v7, v5  }
0xa9: {  	v2 =	vadd.f32 v19, v2  }
0xaa: {  	v59 =	vmul.f32 v22, v22;
	v4 =	vadd.f32 v58, v57  }
0xab: {  	v7 =	vadd.f32 v9, v8;
	v2 =	vadd.f32 v22, v2  }
0xac: {  	v60 =	vmul.f32 v25, v25;
	v4 =	vadd.f32 v59, v4  }
0xad: {  	s25 =	sor.u32 $0x1C20, s31;
	[tilespmem:s24+$0x8000] =	vst v7;
	v2 =	vadd.f32 v25, v2  }
0xae: {  	v61 =	vmul.f32 v12, v12;
	v4 =	vadd.f32 v60, v4;
	v8 =	vld [tilespmem:s25+$0x0]  }
0xaf: {  	v9 =	vld [tilespmem:s25+$0x4000];
	v2 =	vadd.f32 v12, v2  }
0xb0: {  	v62 =	vmul.f32 v29, v29;
	v4 =	vadd.f32 v61, v4  }
0xb1: {  	v2 =	vadd.f32 v29, v2  }
0xb2: {  	v63 =	vmul.f32 v31, v31;
	v4 =	vadd.f32 v62, v4  }
0xb3: {  	v2 =	vadd.f32 v31, v2  }
0xb4: {  	v12 =	vadd.f32 v9, v8;
	v8 =	vmul.f32 v33, v33;
	v4 =	vadd.f32 v63, v4  }
0xb5: {  	v2 =	vadd.f32 v33, v2  }
0xb6: {  	s26 =	sor.u32 $0x1C30, s31;
	[tilespmem:s25+$0x8000] =	vst v12;
	v4 =	vadd.f32 v8, v4;
	v8 =	vmul.f32 v21, v21  }
0xb7: {  	v9 =	vld [tilespmem:s26+$0x0];
	v2 =	vadd.f32 v21, v2  }
0xb8: {  	v10 =	vld [tilespmem:s26+$0x4000];
	v4 =	vadd.f32 v8, v4;
	v8 =	vmul.f32 v36, v36  }
0xb9: {  	v2 =	vadd.f32 v36, v2  }
0xba: {  	v4 =	vadd.f32 v8, v4;
	v8 =	vmul.f32 v38, v38  }
0xbb: {  	v2 =	vadd.f32 v38, v2  }
0xbc: {  	v4 =	vadd.f32 v8, v4;
	v8 =	vmul.f32 v0, v0  }
0xbd: {  	v14 =	vadd.f32 v10, v9;
	v0 =	vadd.f32 v0, v2  }
0xbe: {  	v4 =	vadd.f32 v8, v4;
	v8 =	vmul.f32 v1, v1  }
0xbf: {  	s28 =	sor.u32 $0x1C40, s31;
	[tilespmem:s26+$0x8000] =	vst v14;
	v0 =	vadd.f32 v1, v0  }
0xc0: {  	v19 =	vmul.f32 v11, v11;
	v9 =	vld [tilespmem:s28+$0x4000];
	v16 =	vadd.f32 v8, v4  }
0xc1: {  	v8 =	vld [tilespmem:s28+$0x0];
	v0 =	vadd.f32 v11, v0  }
0xc2: {  	v21 =	vmul.f32 v17, v17;
	v1 =	vadd.f32 v19, v16  }
0xc3: {  	v0 =	vadd.f32 v17, v0  }
0xc4: {  	v22 =	vmul.f32 v23, v23;
	v1 =	vadd.f32 v21, v1  }
0xc5: {  	v0 =	vadd.f32 v23, v0  }
0xc6: {  	v1 =	vadd.f32 v22, v1;
	v23 =	vadd.f32 v9, v8;
	v8 =	vmul.f32 v40, v40  }
0xc7: {  	v0 =	vadd.f32 v40, v0  }
0xc8: {  	s29 =	sor.u32 $0x1C50, s31;
	v1 =	vadd.f32 v8, v1;
	v8 =	vmul.f32 v43, v43;
	[tilespmem:s28+$0x8000] =	vst v23  }
0xc9: {  	v9 =	vld [tilespmem:s29+$0x0];
	v0 =	vadd.f32 v43, v0  }
0xca: {  	v10 =	vld [tilespmem:s29+$0x4000];
	v1 =	vadd.f32 v8, v1;
	v8 =	vmul.f32 v45, v45  }
0xcb: {  	v0 =	vadd.f32 v45, v0  }
0xcc: {  	v1 =	vadd.f32 v8, v1;
	v8 =	vmul.f32 v46, v46  }
0xcd: {  	v0 =	vadd.f32 v46, v0  }
0xce: {  	v1 =	vadd.f32 v8, v1;
	v8 =	vmul.f32 v13, v13  }
0xcf: {  	v9 =	vadd.f32 v10, v9;
	v0 =	vadd.f32 v13, v0  }
0xd0: {  	v1 =	vadd.f32 v8, v1;
	v8 =	vmul.f32 v48, v48  }
0xd1: {  	s30 =	sor.u32 $0x1C60, s31;
	[tilespmem:s29+$0x8000] =	vst v9;
	v0 =	vadd.f32 v48, v0  }
0xd2: {  	v10 =	vld [tilespmem:s30+$0x0];
	v1 =	vadd.f32 v8, v1;
	v8 =	vmul.f32 v51, v51  }
0xd3: {  	v11 =	vld [tilespmem:s30+$0x4000];
	v0 =	vadd.f32 v51, v0  }
0xd4: {  	v1 =	vadd.f32 v8, v1;
	v8 =	vmul.f32 v6, v6  }
0xd5: {  	v0 =	vadd.f32 v6, v0  }
0xd6: {  	v1 =	vadd.f32 v8, v1;
	v6 =	vmul.f32 v7, v7  }
0xd7: {  	v0 =	vadd.f32 v7, v0  }
0xd8: {  	v1 =	vadd.f32 v6, v1;
	v6 =	vadd.f32 v11, v10;
	_ =	sdelay $0x1  }
0xd9: {  	s31 =	sor.u32 $0x1C70, s31;
	v7 =	vmul.f32 v12, v12;
	v0 =	vadd.f32 v12, v0;
	[tilespmem:s30+$0x8000] =	vst v6  }
0xda: {  	v26 =	vld [tilespmem:s31+$0x0]  }
0xdb: {  	v25 =	vmul.f32 v14, v14;
	v1 =	vadd.f32 v7, v1;
	v7 =	vld [tilespmem:s31+$0x4000];
	v0 =	vadd.f32 v14, v0;
	_ =	sdelay $0x1  }
0xdc: {  	v27 =	vmul.f32 v23, v23;
	v1 =	vadd.f32 v25, v1;
	v0 =	vadd.f32 v23, v0;
	_ =	sdelay $0x1  }
0xdd: {  	v28 =	vmul.f32 v9, v9;
	v1 =	vadd.f32 v27, v1;
	v0 =	vadd.f32 v9, v0  }
0xde: {  	v2 =	vadd.f32 v7, v26;
	v7 =	vld [tilespmem:$0x1FFD0]  }
0xdf: {  	v29 =	vmul.f32 v6, v6;
	v1 =	vadd.f32 v28, v1;
	v0 =	vadd.f32 v6, v0;
	_ =	sdelay $0x1  }
0xe0: {  	v1 =	vadd.f32 v29, v1;
	v30 =	vmul.f32 v2, v2;
	v0 =	vadd.f32 v2, v0;
	_ =	sdelay $0x1  }
0xe1: {  	v1 =	vadd.f32 v30, v1;
	v31 =	vperm.xlane v0, v7;
	_ =	sdelay $0x1  }
0xe2: {  	v32 =	vperm.xlane v1, v7;
	v0 =	vadd.f32 v31, v0  }
0xe3: {  	v24 =	vld [tilespmem:$0x1FFE0];
	v8 =	vmov v3  }
0xe4: {  	v1 =	vadd.f32 v32, v1;
	v33 =	vperm.xlane v0, v8;
	_ =	sdelay $0x1  }
0xe5: {  	v4 =	vperm.xlane v1, v8;
	v0 =	vadd.f32 v33, v0  }
0xe6: {  	v9 =	vld [tilespmem:$0x1FFF0]  }
0xe7: {  	v1 =	vadd.f32 v4, v1;
	v5 =	vperm.xlane v0, v24;
	_ =	sdelay $0x1  }
0xe8: {  	v4 =	vperm.xlane v1, v24;
	v0 =	vadd.f32 v5, v0;
	_ =	sdelay $0x1  }
0xe9: {  	v1 =	vadd.f32 v4, v1;
	v5 =	vperm.xlane v0, v9;
	_ =	sdelay $0x1  }
0xea: {  	v34 =	vperm.xlane v1, v9;
	v0 =	vadd.f32 v5, v0;
	_ =	sdelay $0x1  }
0xeb: {  	v35 =	vadd.f32 v34, v1;
	v4 =	vmul.f32 $9.765625000e-04, v0;
	_ =	sdelay $0x1  }
0xec: {  	v0 =	vmul.f32 $9.765625000e-04, v35;
	v36 =	vmul.f32 v4, v4;
	_ =	sdelay $0x1  }
0xed: {  	v0 =	vsub.f32 v0, v36;
	_ =	sdelay $0x1  }
0xee: {  	v0 =	vadd.f32 $9.999999960e-13, v0;
	_ =	sdelay $0x1  }
0xef: {  	v37 =	vshra.s32 v0, $0x1;
	v0 =	vmul.f32 $5.000000000e-01, v0  }
0xf0: {  	v1 =	vsub.s32 $0x5F3759DF, v37  }
0xf1: {  	v38 =	vmul.f32 v1, v0;
	_ =	sdelay $0x1  }
0xf2: {  	v5 =	vmul.f32 v1, v38;
	_ =	sdelay $0x1  }
0xf3: {  	v5 =	vsub.f32 $1.500000000e+00, v5;
	_ =	sdelay $0x1  }
0xf4: {  	v1 =	vmul.f32 v1, v5;
	_ =	sdelay $0x1  }
0xf5: {  	v5 =	vmul.f32 v1, v0;
	_ =	sdelay $0x1  }
0xf6: {  	v5 =	vmul.f32 v5, v1;
	_ =	sdelay $0x1  }
0xf7: {  	v5 =	vsub.f32 $1.500000000e+00, v5;
	_ =	sdelay $0x1  }
0xf8: {  	v1 =	vmul.f32 v5, v1;
	_ =	sdelay $0x1  }
0xf9: {  	[tilespmem:s31+$0x8000] =	vst v2;
	v0 =	vmul.f32 v1, v0  }
0xfa: {  	v2 =	vld [tilespmem:s22+$0x8000]  }
0xfb: {  	v0 =	vmul.f32 v0, v1;
	_ =	sdelay $0x1  }
0xfc: {  	v0 =	vsub.f32 $1.500000000e+00, v0  }
0xfd: {  	v6 =	vld [tilespmem:$0xC000]  }
0xfe: {  	v39 =	vsub.f32 v2, v4;
	v5 =	vmul.f32 v0, v1  }
0xff: {  	v40 =	vld [tilespmem:$0xC400]  }
0x100: {  	v0 =	vmul.f32 v5, v39;
	_ =	sdelay $0x1  }
0x101: {  	v0 =	vmul.f32 v0, v6  }
0x102: {  	v41 =	vld [tilespmem:s22+$0x8010]  }
0x103: {  	v0 =	vadd.f32 v0, v40;
	_ =	sdelay $0x1  }
0x104: {  	[tilespmem:s22+$0x8000] =	vst v0  }
0x105: {  	v0 =	vld [tilespmem:$0xC010]  }
0x106: {  	v42 =	vsub.f32 v41, v4  }
0x107: {  	v43 =	vld [tilespmem:$0xC410]  }
0x108: {  	v1 =	vmul.f32 v5, v42;
	_ =	sdelay $0x1  }
0x109: {  	v0 =	vmul.f32 v1, v0  }
0x10a: {  	v44 =	vld [tilespmem:s22+$0x8020]  }
0x10b: {  	v0 =	vadd.f32 v0, v43;
	_ =	sdelay $0x1  }
0x10c: {  	[tilespmem:s22+$0x8010] =	vst v0  }
0x10d: {  	v0 =	vld [tilespmem:$0xC020]  }
0x10e: {  	v1 =	vsub.f32 v44, v4  }
0x10f: {  	v45 =	vld [tilespmem:$0xC420]  }
0x110: {  	v1 =	vmul.f32 v5, v1;
	_ =	sdelay $0x1  }
0x111: {  	v0 =	vmul.f32 v1, v0  }
0x112: {  	v46 =	vld [tilespmem:s22+$0x8030]  }
0x113: {  	v0 =	vadd.f32 v0, v45;
	_ =	sdelay $0x1  }
0x114: {  	[tilespmem:s22+$0x8020] =	vst v0  }
0x115: {  	v0 =	vld [tilespmem:$0xC030]  }
0x116: {  	v1 =	vsub.f32 v46, v4  }
0x117: {  	v47 =	vld [tilespmem:$0xC430]  }
0x118: {  	v1 =	vmul.f32 v5, v1;
	_ =	sdelay $0x1  }
0x119: {  	v0 =	vmul.f32 v1, v0  }
0x11a: {  	v48 =	vld [tilespmem:s22+$0x8040]  }
0x11b: {  	v0 =	vadd.f32 v0, v47;
	_ =	sdelay $0x1  }
0x11c: {  	[tilespmem:s22+$0x8030] =	vst v0  }
0x11d: {  	v0 =	vld [tilespmem:$0xC040]  }
0x11e: {  	v1 =	vsub.f32 v48, v4  }
0x11f: {  	v49 =	vld [tilespmem:$0xC440]  }
0x120: {  	v1 =	vmul.f32 v5, v1;
	_ =	sdelay $0x1  }
0x121: {  	v0 =	vmul.f32 v1, v0  }
0x122: {  	v50 =	vld [tilespmem:s22+$0x8050]  }
0x123: {  	v0 =	vadd.f32 v0, v49;
	_ =	sdelay $0x1  }
0x124: {  	[tilespmem:s22+$0x8040] =	vst v0  }
0x125: {  	v0 =	vld [tilespmem:$0xC050]  }
0x126: {  	v1 =	vsub.f32 v50, v4  }
0x127: {  	v51 =	vld [tilespmem:$0xC450]  }
0x128: {  	v1 =	vmul.f32 v1, v5;
	_ =	sdelay $0x1  }
0x129: {  	v0 =	vmul.f32 v1, v0  }
0x12a: {  	v52 =	vld [tilespmem:s22+$0x8060]  }
0x12b: {  	v0 =	vadd.f32 v0, v51;
	_ =	sdelay $0x1  }
0x12c: {  	[tilespmem:s22+$0x8050] =	vst v0  }
0x12d: {  	v0 =	vld [tilespmem:$0xC060]  }
0x12e: {  	v1 =	vsub.f32 v52, v4  }
0x12f: {  	v53 =	vld [tilespmem:$0xC460]  }
0x130: {  	v1 =	vmul.f32 v1, v5;
	_ =	sdelay $0x1  }
0x131: {  	v0 =	vmul.f32 v1, v0  }
0x132: {  	v54 =	vld [tilespmem:s22+$0x8070]  }
0x133: {  	v0 =	vadd.f32 v0, v53;
	_ =	sdelay $0x1  }
0x134: {  	[tilespmem:s22+$0x8060] =	vst v0  }
0x135: {  	v0 =	vld [tilespmem:$0xC070]  }
0x136: {  	v1 =	vsub.f32 v54, v4  }
0x137: {  	v55 =	vld [tilespmem:$0xC470]  }
0x138: {  	v1 =	vmul.f32 v1, v5;
	_ =	sdelay $0x1  }
0x139: {  	v0 =	vmul.f32 v1, v0  }
0x13a: {  	v56 =	vld [tilespmem:s22+$0x8400]  }
0x13b: {  	v0 =	vadd.f32 v0, v55;
	_ =	sdelay $0x1  }
0x13c: {  	[tilespmem:s22+$0x8070] =	vst v0  }
0x13d: {  	v0 =	vld [tilespmem:$0xC080]  }
0x13e: {  	v1 =	vsub.f32 v56, v4  }
0x13f: {  	v57 =	vld [tilespmem:$0xC480]  }
0x140: {  	v1 =	vmul.f32 v1, v5;
	_ =	sdelay $0x1  }
0x141: {  	v0 =	vmul.f32 v1, v0  }
0x142: {  	v58 =	vld [tilespmem:s22+$0x8410]  }
0x143: {  	v0 =	vadd.f32 v0, v57;
	_ =	sdelay $0x1  }
0x144: {  	[tilespmem:s22+$0x8400] =	vst v0  }
0x145: {  	v0 =	vld [tilespmem:$0xC090]  }
0x146: {  	v1 =	vsub.f32 v58, v4  }
0x147: {  	v59 =	vld [tilespmem:$0xC490]  }
0x148: {  	v1 =	vmul.f32 v1, v5;
	_ =	sdelay $0x1  }
0x149: {  	v0 =	vmul.f32 v1, v0  }
0x14a: {  	v60 =	vld [tilespmem:s22+$0x8420]  }
0x14b: {  	v0 =	vadd.f32 v0, v59;
	_ =	sdelay $0x1  }
0x14c: {  	[tilespmem:s22+$0x8410] =	vst v0  }
0x14d: {  	v0 =	vld [tilespmem:$0xC0A0]  }
0x14e: {  	v1 =	vsub.f32 v60, v4  }
0x14f: {  	v61 =	vld [tilespmem:$0xC4A0]  }
0x150: {  	v1 =	vmul.f32 v1, v5;
	_ =	sdelay $0x1  }
0x151: {  	v0 =	vmul.f32 v1, v0  }
0x152: {  	v62 =	vld [tilespmem:s22+$0x8430]  }
0x153: {  	v0 =	vadd.f32 v0, v61;
	_ =	sdelay $0x1  }
0x154: {  	[tilespmem:s22+$0x8420] =	vst v0  }
0x155: {  	v0 =	vld [tilespmem:$0xC0B0]  }
0x156: {  	v1 =	vsub.f32 v62, v4  }
0x157: {  	v63 =	vld [tilespmem:$0xC4B0]  }
0x158: {  	v1 =	vmul.f32 v1, v5;
	_ =	sdelay $0x1  }
0x159: {  	v0 =	vmul.f32 v1, v0  }
0x15a: {  	v12 =	vld [tilespmem:s22+$0x8440]  }
0x15b: {  	v0 =	vadd.f32 v0, v63;
	_ =	sdelay $0x1  }
0x15c: {  	[tilespmem:s22+$0x8430] =	vst v0  }
0x15d: {  	v0 =	vld [tilespmem:$0xC0C0]  }
0x15e: {  	v1 =	vsub.f32 v12, v4  }
0x15f: {  	v13 =	vld [tilespmem:$0xC4C0]  }
0x160: {  	v1 =	vmul.f32 v1, v5;
	_ =	sdelay $0x1  }
0x161: {  	v0 =	vmul.f32 v1, v0  }
0x162: {  	v14 =	vld [tilespmem:s22+$0x8450]  }
0x163: {  	v0 =	vadd.f32 v0, v13;
	_ =	sdelay $0x1  }
0x164: {  	[tilespmem:s22+$0x8440] =	vst v0  }
0x165: {  	v0 =	vld [tilespmem:$0xC0D0]  }
0x166: {  	v1 =	vsub.f32 v14, v4  }
0x167: {  	v15 =	vld [tilespmem:$0xC4D0]  }
0x168: {  	v1 =	vmul.f32 v1, v5;
	_ =	sdelay $0x1  }
0x169: {  	v0 =	vmul.f32 v1, v0  }
0x16a: {  	v16 =	vld [tilespmem:s22+$0x8460]  }
0x16b: {  	v0 =	vadd.f32 v0, v15;
	_ =	sdelay $0x1  }
0x16c: {  	[tilespmem:s22+$0x8450] =	vst v0  }
0x16d: {  	v0 =	vld [tilespmem:$0xC0E0]  }
0x16e: {  	v1 =	vsub.f32 v16, v4  }
0x16f: {  	v17 =	vld [tilespmem:$0xC4E0]  }
0x170: {  	v1 =	vmul.f32 v1, v5;
	_ =	sdelay $0x1  }
0x171: {  	v0 =	vmul.f32 v1, v0  }
0x172: {  	v18 =	vld [tilespmem:s22+$0x8470]  }
0x173: {  	v0 =	vadd.f32 v0, v17;
	_ =	sdelay $0x1  }
0x174: {  	[tilespmem:s22+$0x8460] =	vst v0  }
0x175: {  	v0 =	vld [tilespmem:$0xC0F0]  }
0x176: {  	v1 =	vsub.f32 v18, v4  }
0x177: {  	v19 =	vld [tilespmem:$0xC4F0]  }
0x178: {  	v1 =	vmul.f32 v1, v5;
	_ =	sdelay $0x1  }
0x179: {  	v0 =	vmul.f32 v1, v0  }
0x17a: {  	v20 =	vld [tilespmem:s22+$0x8800]  }
0x17b: {  	v0 =	vadd.f32 v0, v19;
	_ =	sdelay $0x1  }
0x17c: {  	[tilespmem:s22+$0x8470] =	vst v0  }
0x17d: {  	v0 =	vld [tilespmem:$0xC100]  }
0x17e: {  	v1 =	vsub.f32 v20, v4  }
0x17f: {  	v21 =	vld [tilespmem:$0xC500]  }
0x180: {  	v1 =	vmul.f32 v1, v5;
	_ =	sdelay $0x1  }
0x181: {  	v0 =	vmul.f32 v1, v0  }
0x182: {  	v22 =	vld [tilespmem:s22+$0x8810]  }
0x183: {  	v0 =	vadd.f32 v0, v21;
	_ =	sdelay $0x1  }
0x184: {  	[tilespmem:s22+$0x8800] =	vst v0  }
0x185: {  	v0 =	vld [tilespmem:$0xC110]  }
0x186: {  	v1 =	vsub.f32 v22, v4  }
0x187: {  	v23 =	vld [tilespmem:$0xC510]  }
0x188: {  	v1 =	vmul.f32 v1, v5;
	_ =	sdelay $0x1  }
0x189: {  	v0 =	vmul.f32 v1, v0  }
0x18a: {  	v24 =	vld [tilespmem:s22+$0x8820]  }
0x18b: {  	v0 =	vadd.f32 v0, v23;
	_ =	sdelay $0x1  }
0x18c: {  	[tilespmem:s22+$0x8810] =	vst v0  }
0x18d: {  	v0 =	vld [tilespmem:$0xC120]  }
0x18e: {  	v1 =	vsub.f32 v24, v4  }
0x18f: {  	v25 =	vld [tilespmem:$0xC520]  }
0x190: {  	v1 =	vmul.f32 v1, v5;
	_ =	sdelay $0x1  }
0x191: {  	v0 =	vmul.f32 v1, v0  }
0x192: {  	v26 =	vld [tilespmem:s22+$0x8830]  }
0x193: {  	v0 =	vadd.f32 v0, v25;
	_ =	sdelay $0x1  }
0x194: {  	[tilespmem:s22+$0x8820] =	vst v0  }
0x195: {  	v0 =	vld [tilespmem:$0xC130]  }
0x196: {  	v1 =	vsub.f32 v26, v4  }
0x197: {  	v27 =	vld [tilespmem:$0xC530]  }
0x198: {  	v1 =	vmul.f32 v1, v5;
	_ =	sdelay $0x1  }
0x199: {  	v0 =	vmul.f32 v1, v0  }
0x19a: {  	v28 =	vld [tilespmem:s22+$0x8840]  }
0x19b: {  	v0 =	vadd.f32 v0, v27;
	_ =	sdelay $0x1  }
0x19c: {  	[tilespmem:s22+$0x8830] =	vst v0  }
0x19d: {  	v0 =	vld [tilespmem:$0xC140]  }
0x19e: {  	v1 =	vsub.f32 v28, v4  }
0x19f: {  	v29 =	vld [tilespmem:$0xC540]  }
0x1a0: {  	v1 =	vmul.f32 v1, v5;
	_ =	sdelay $0x1  }
0x1a1: {  	v0 =	vmul.f32 v1, v0  }
0x1a2: {  	v30 =	vld [tilespmem:s22+$0x8850]  }
0x1a3: {  	v0 =	vadd.f32 v0, v29;
	_ =	sdelay $0x1  }
0x1a4: {  	[tilespmem:s22+$0x8840] =	vst v0  }
0x1a5: {  	v0 =	vld [tilespmem:$0xC150]  }
0x1a6: {  	v1 =	vsub.f32 v30, v4  }
0x1a7: {  	v31 =	vld [tilespmem:$0xC550]  }
0x1a8: {  	v1 =	vmul.f32 v1, v5;
	_ =	sdelay $0x1  }
0x1a9: {  	v0 =	vmul.f32 v1, v0  }
0x1aa: {  	v32 =	vld [tilespmem:s22+$0x8860]  }
0x1ab: {  	v0 =	vadd.f32 v0, v31;
	_ =	sdelay $0x1  }
0x1ac: {  	[tilespmem:s22+$0x8850] =	vst v0  }
0x1ad: {  	v0 =	vld [tilespmem:$0xC160]  }
0x1ae: {  	v1 =	vsub.f32 v32, v4  }
0x1af: {  	v33 =	vld [tilespmem:$0xC560]  }
0x1b0: {  	v1 =	vmul.f32 v1, v5;
	_ =	sdelay $0x1  }
0x1b1: {  	v0 =	vmul.f32 v1, v0  }
0x1b2: {  	v34 =	vld [tilespmem:s22+$0x8870]  }
0x1b3: {  	v0 =	vadd.f32 v0, v33;
	_ =	sdelay $0x1  }
0x1b4: {  	[tilespmem:s22+$0x8860] =	vst v0  }
0x1b5: {  	v0 =	vld [tilespmem:$0xC170]  }
0x1b6: {  	v1 =	vsub.f32 v34, v4  }
0x1b7: {  	v35 =	vld [tilespmem:$0xC570]  }
0x1b8: {  	v1 =	vmul.f32 v1, v5;
	_ =	sdelay $0x1  }
0x1b9: {  	v0 =	vmul.f32 v1, v0  }
0x1ba: {  	v36 =	vld [tilespmem:s22+$0x8C00]  }
0x1bb: {  	v0 =	vadd.f32 v0, v35;
	_ =	sdelay $0x1  }
0x1bc: {  	[tilespmem:s22+$0x8870] =	vst v0  }
0x1bd: {  	v0 =	vld [tilespmem:$0xC180]  }
0x1be: {  	v1 =	vsub.f32 v36, v4  }
0x1bf: {  	v37 =	vld [tilespmem:$0xC580]  }
0x1c0: {  	v1 =	vmul.f32 v1, v5;
	_ =	sdelay $0x1  }
0x1c1: {  	v0 =	vmul.f32 v1, v0  }
0x1c2: {  	v38 =	vld [tilespmem:s22+$0x8C10]  }
0x1c3: {  	v0 =	vadd.f32 v0, v37;
	_ =	sdelay $0x1  }
0x1c4: {  	[tilespmem:s22+$0x8C00] =	vst v0  }
0x1c5: {  	v0 =	vld [tilespmem:$0xC190]  }
0x1c6: {  	v1 =	vsub.f32 v38, v4  }
0x1c7: {  	v39 =	vld [tilespmem:$0xC590]  }
0x1c8: {  	v1 =	vmul.f32 v1, v5;
	_ =	sdelay $0x1  }
0x1c9: {  	v0 =	vmul.f32 v1, v0  }
0x1ca: {  	v40 =	vld [tilespmem:s22+$0x8C20]  }
0x1cb: {  	v0 =	vadd.f32 v0, v39;
	_ =	sdelay $0x1  }
0x1cc: {  	[tilespmem:s22+$0x8C10] =	vst v0  }
0x1cd: {  	v0 =	vld [tilespmem:$0xC1A0]  }
0x1ce: {  	v1 =	vsub.f32 v40, v4  }
0x1cf: {  	v41 =	vld [tilespmem:$0xC5A0]  }
0x1d0: {  	v1 =	vmul.f32 v1, v5;
	_ =	sdelay $0x1  }
0x1d1: {  	v0 =	vmul.f32 v1, v0  }
0x1d2: {  	v42 =	vld [tilespmem:s22+$0x8C30]  }
0x1d3: {  	v0 =	vadd.f32 v0, v41;
	_ =	sdelay $0x1  }
0x1d4: {  	[tilespmem:s22+$0x8C20] =	vst v0  }
0x1d5: {  	v0 =	vld [tilespmem:$0xC1B0]  }
0x1d6: {  	v1 =	vsub.f32 v42, v4  }
0x1d7: {  	v43 =	vld [tilespmem:$0xC5B0]  }
0x1d8: {  	v1 =	vmul.f32 v1, v5;
	_ =	sdelay $0x1  }
0x1d9: {  	v0 =	vmul.f32 v1, v0  }
0x1da: {  	v44 =	vld [tilespmem:s22+$0x8C40]  }
0x1db: {  	v0 =	vadd.f32 v0, v43;
	_ =	sdelay $0x1  }
0x1dc: {  	[tilespmem:s22+$0x8C30] =	vst v0  }
0x1dd: {  	v0 =	vld [tilespmem:$0xC1C0]  }
0x1de: {  	v1 =	vsub.f32 v44, v4  }
0x1df: {  	v45 =	vld [tilespmem:$0xC5C0]  }
0x1e0: {  	v1 =	vmul.f32 v1, v5;
	_ =	sdelay $0x1  }
0x1e1: {  	v0 =	vmul.f32 v1, v0  }
0x1e2: {  	v46 =	vld [tilespmem:s22+$0x8C50]  }
0x1e3: {  	v0 =	vadd.f32 v0, v45;
	_ =	sdelay $0x1  }
0x1e4: {  	[tilespmem:s22+$0x8C40] =	vst v0  }
0x1e5: {  	v0 =	vld [tilespmem:$0xC1D0]  }
0x1e6: {  	v1 =	vsub.f32 v46, v4  }
0x1e7: {  	v47 =	vld [tilespmem:$0xC5D0]  }
0x1e8: {  	v1 =	vmul.f32 v1, v5;
	_ =	sdelay $0x1  }
0x1e9: {  	v0 =	vmul.f32 v1, v0  }
0x1ea: {  	v48 =	vld [tilespmem:s22+$0x8C60]  }
0x1eb: {  	v0 =	vadd.f32 v0, v47;
	_ =	sdelay $0x1  }
0x1ec: {  	[tilespmem:s22+$0x8C50] =	vst v0  }
0x1ed: {  	v0 =	vld [tilespmem:$0xC1E0]  }
0x1ee: {  	v1 =	vsub.f32 v48, v4  }
0x1ef: {  	v49 =	vld [tilespmem:$0xC5E0]  }
0x1f0: {  	v1 =	vmul.f32 v1, v5;
	_ =	sdelay $0x1  }
0x1f1: {  	v0 =	vmul.f32 v1, v0  }
0x1f2: {  	v50 =	vld [tilespmem:s22+$0x8C70]  }
0x1f3: {  	v0 =	vadd.f32 v0, v49;
	_ =	sdelay $0x1  }
0x1f4: {  	[tilespmem:s22+$0x8C60] =	vst v0  }
0x1f5: {  	v0 =	vld [tilespmem:$0xC1F0]  }
0x1f6: {  	v1 =	vsub.f32 v50, v4  }
0x1f7: {  	v51 =	vld [tilespmem:$0xC5F0]  }
0x1f8: {  	v1 =	vmul.f32 v1, v5;
	_ =	sdelay $0x1  }
0x1f9: {  	v0 =	vmul.f32 v1, v0  }
0x1fa: {  	v52 =	vld [tilespmem:s22+$0x9000]  }
0x1fb: {  	v0 =	vadd.f32 v0, v51;
	_ =	sdelay $0x1  }
0x1fc: {  	[tilespmem:s22+$0x8C70] =	vst v0  }
0x1fd: {  	v0 =	vld [tilespmem:$0xC200]  }
0x1fe: {  	v1 =	vsub.f32 v52, v4  }
0x1ff: {  	v53 =	vld [tilespmem:$0xC600]  }
0x200: {  	v1 =	vmul.f32 v1, v5;
	_ =	sdelay $0x1  }
0x201: {  	v0 =	vmul.f32 v1, v0  }
0x202: {  	v54 =	vld [tilespmem:s22+$0x9010]  }
0x203: {  	v0 =	vadd.f32 v0, v53;
	_ =	sdelay $0x1  }
0x204: {  	[tilespmem:s22+$0x9000] =	vst v0  }
0x205: {  	v0 =	vld [tilespmem:$0xC210]  }
0x206: {  	v1 =	vsub.f32 v54, v4  }
0x207: {  	v55 =	vld [tilespmem:$0xC610]  }
0x208: {  	v1 =	vmul.f32 v1, v5;
	_ =	sdelay $0x1  }
0x209: {  	v0 =	vmul.f32 v1, v0  }
0x20a: {  	v56 =	vld [tilespmem:s22+$0x9020]  }
0x20b: {  	v0 =	vadd.f32 v0, v55;
	_ =	sdelay $0x1  }
0x20c: {  	[tilespmem:s22+$0x9010] =	vst v0  }
0x20d: {  	v0 =	vld [tilespmem:$0xC220]  }
0x20e: {  	v1 =	vsub.f32 v56, v4  }
0x20f: {  	v57 =	vld [tilespmem:$0xC620]  }
0x210: {  	v1 =	vmul.f32 v1, v5;
	_ =	sdelay $0x1  }
0x211: {  	v0 =	vmul.f32 v1, v0  }
0x212: {  	v58 =	vld [tilespmem:s22+$0x9030]  }
0x213: {  	v0 =	vadd.f32 v0, v57;
	_ =	sdelay $0x1  }
0x214: {  	[tilespmem:s22+$0x9020] =	vst v0  }
0x215: {  	v0 =	vld [tilespmem:$0xC230]  }
0x216: {  	v1 =	vsub.f32 v58, v4  }
0x217: {  	v59 =	vld [tilespmem:$0xC630]  }
0x218: {  	v1 =	vmul.f32 v1, v5;
	_ =	sdelay $0x1  }
0x219: {  	v0 =	vmul.f32 v1, v0  }
0x21a: {  	v60 =	vld [tilespmem:s22+$0x9040]  }
0x21b: {  	v0 =	vadd.f32 v0, v59;
	_ =	sdelay $0x1  }
0x21c: {  	[tilespmem:s22+$0x9030] =	vst v0  }
0x21d: {  	v0 =	vld [tilespmem:$0xC240]  }
0x21e: {  	v1 =	vsub.f32 v60, v4  }
0x21f: {  	v61 =	vld [tilespmem:$0xC640]  }
0x220: {  	v1 =	vmul.f32 v1, v5;
	_ =	sdelay $0x1  }
0x221: {  	v0 =	vmul.f32 v1, v0  }
0x222: {  	v62 =	vld [tilespmem:s22+$0x9050]  }
0x223: {  	v0 =	vadd.f32 v0, v61;
	_ =	sdelay $0x1  }
0x224: {  	[tilespmem:s22+$0x9040] =	vst v0  }
0x225: {  	v0 =	vld [tilespmem:$0xC250]  }
0x226: {  	v1 =	vsub.f32 v62, v4  }
0x227: {  	v63 =	vld [tilespmem:$0xC650]  }
0x228: {  	v1 =	vmul.f32 v1, v5;
	_ =	sdelay $0x1  }
0x229: {  	v0 =	vmul.f32 v1, v0  }
0x22a: {  	v12 =	vld [tilespmem:s22+$0x9060]  }
0x22b: {  	v0 =	vadd.f32 v0, v63;
	_ =	sdelay $0x1  }
0x22c: {  	[tilespmem:s22+$0x9050] =	vst v0  }
0x22d: {  	v0 =	vld [tilespmem:$0xC260]  }
0x22e: {  	v1 =	vsub.f32 v12, v4  }
0x22f: {  	v13 =	vld [tilespmem:$0xC660]  }
0x230: {  	v1 =	vmul.f32 v1, v5;
	_ =	sdelay $0x1  }
0x231: {  	v0 =	vmul.f32 v1, v0  }
0x232: {  	v14 =	vld [tilespmem:s22+$0x9070]  }
0x233: {  	v0 =	vadd.f32 v0, v13;
	_ =	sdelay $0x1  }
0x234: {  	[tilespmem:s22+$0x9060] =	vst v0  }
0x235: {  	v0 =	vld [tilespmem:$0xC270]  }
0x236: {  	v1 =	vsub.f32 v14, v4  }
0x237: {  	v15 =	vld [tilespmem:$0xC670]  }
0x238: {  	v1 =	vmul.f32 v1, v5;
	_ =	sdelay $0x1  }
0x239: {  	v0 =	vmul.f32 v1, v0  }
0x23a: {  	v16 =	vld [tilespmem:s22+$0x9400]  }
0x23b: {  	v0 =	vadd.f32 v0, v15;
	_ =	sdelay $0x1  }
0x23c: {  	[tilespmem:s22+$0x9070] =	vst v0  }
0x23d: {  	v0 =	vld [tilespmem:$0xC280]  }
0x23e: {  	v1 =	vsub.f32 v16, v4  }
0x23f: {  	v17 =	vld [tilespmem:$0xC680]  }
0x240: {  	v1 =	vmul.f32 v1, v5;
	_ =	sdelay $0x1  }
0x241: {  	v0 =	vmul.f32 v1, v0  }
0x242: {  	v18 =	vld [tilespmem:s22+$0x9410]  }
0x243: {  	v0 =	vadd.f32 v0, v17;
	_ =	sdelay $0x1  }
0x244: {  	[tilespmem:s22+$0x9400] =	vst v0  }
0x245: {  	v0 =	vld [tilespmem:$0xC290]  }
0x246: {  	v1 =	vsub.f32 v18, v4  }
0x247: {  	v19 =	vld [tilespmem:$0xC690]  }
0x248: {  	v1 =	vmul.f32 v1, v5;
	_ =	sdelay $0x1  }
0x249: {  	v0 =	vmul.f32 v1, v0  }
0x24a: {  	v20 =	vld [tilespmem:s22+$0x9420]  }
0x24b: {  	v0 =	vadd.f32 v0, v19;
	_ =	sdelay $0x1  }
0x24c: {  	[tilespmem:s22+$0x9410] =	vst v0  }
0x24d: {  	v0 =	vld [tilespmem:$0xC2A0]  }
0x24e: {  	v1 =	vsub.f32 v20, v4  }
0x24f: {  	v21 =	vld [tilespmem:$0xC6A0]  }
0x250: {  	v1 =	vmul.f32 v1, v5;
	_ =	sdelay $0x1  }
0x251: {  	v0 =	vmul.f32 v1, v0  }
0x252: {  	v22 =	vld [tilespmem:s22+$0x9430]  }
0x253: {  	v0 =	vadd.f32 v0, v21;
	_ =	sdelay $0x1  }
0x254: {  	[tilespmem:s22+$0x9420] =	vst v0  }
0x255: {  	v0 =	vld [tilespmem:$0xC2B0]  }
0x256: {  	v1 =	vsub.f32 v22, v4  }
0x257: {  	v23 =	vld [tilespmem:$0xC6B0]  }
0x258: {  	v1 =	vmul.f32 v1, v5;
	_ =	sdelay $0x1  }
0x259: {  	v0 =	vmul.f32 v1, v0  }
0x25a: {  	v24 =	vld [tilespmem:s22+$0x9440]  }
0x25b: {  	v0 =	vadd.f32 v0, v23;
	_ =	sdelay $0x1  }
0x25c: {  	[tilespmem:s22+$0x9430] =	vst v0  }
0x25d: {  	v0 =	vld [tilespmem:$0xC2C0]  }
0x25e: {  	v1 =	vsub.f32 v24, v4  }
0x25f: {  	v25 =	vld [tilespmem:$0xC6C0]  }
0x260: {  	v1 =	vmul.f32 v1, v5;
	_ =	sdelay $0x1  }
0x261: {  	v0 =	vmul.f32 v1, v0  }
0x262: {  	v26 =	vld [tilespmem:s22+$0x9450]  }
0x263: {  	v0 =	vadd.f32 v0, v25;
	_ =	sdelay $0x1  }
0x264: {  	[tilespmem:s22+$0x9440] =	vst v0  }
0x265: {  	v0 =	vld [tilespmem:$0xC2D0]  }
0x266: {  	v1 =	vsub.f32 v26, v4  }
0x267: {  	v27 =	vld [tilespmem:$0xC6D0]  }
0x268: {  	v1 =	vmul.f32 v1, v5;
	_ =	sdelay $0x1  }
0x269: {  	v0 =	vmul.f32 v1, v0  }
0x26a: {  	v28 =	vld [tilespmem:s22+$0x9460]  }
0x26b: {  	v0 =	vadd.f32 v0, v27;
	_ =	sdelay $0x1  }
0x26c: {  	[tilespmem:s22+$0x9450] =	vst v0  }
0x26d: {  	v0 =	vld [tilespmem:$0xC2E0]  }
0x26e: {  	v1 =	vsub.f32 v28, v4  }
0x26f: {  	v29 =	vld [tilespmem:$0xC6E0]  }
0x270: {  	v1 =	vmul.f32 v1, v5;
	_ =	sdelay $0x1  }
0x271: {  	v0 =	vmul.f32 v1, v0  }
0x272: {  	v30 =	vld [tilespmem:s22+$0x9470]  }
0x273: {  	v0 =	vadd.f32 v0, v29;
	_ =	sdelay $0x1  }
0x274: {  	[tilespmem:s22+$0x9460] =	vst v0  }
0x275: {  	v0 =	vld [tilespmem:$0xC2F0]  }
0x276: {  	v1 =	vsub.f32 v30, v4  }
0x277: {  	v31 =	vld [tilespmem:$0xC6F0]  }
0x278: {  	v1 =	vmul.f32 v1, v5;
	_ =	sdelay $0x1  }
0x279: {  	v0 =	vmul.f32 v1, v0  }
0x27a: {  	v32 =	vld [tilespmem:s22+$0x9800]  }
0x27b: {  	v0 =	vadd.f32 v0, v31;
	_ =	sdelay $0x1  }
0x27c: {  	[tilespmem:s22+$0x9470] =	vst v0  }
0x27d: {  	v0 =	vld [tilespmem:$0xC300]  }
0x27e: {  	v1 =	vsub.f32 v32, v4  }
0x27f: {  	v33 =	vld [tilespmem:$0xC700]  }
0x280: {  	v1 =	vmul.f32 v1, v5;
	_ =	sdelay $0x1  }
0x281: {  	v0 =	vmul.f32 v1, v0  }
0x282: {  	v34 =	vld [tilespmem:s22+$0x9810]  }
0x283: {  	v0 =	vadd.f32 v0, v33;
	_ =	sdelay $0x1  }
0x284: {  	[tilespmem:s22+$0x9800] =	vst v0  }
0x285: {  	v0 =	vld [tilespmem:$0xC310]  }
0x286: {  	v1 =	vsub.f32 v34, v4  }
0x287: {  	v35 =	vld [tilespmem:$0xC710]  }
0x288: {  	v1 =	vmul.f32 v1, v5;
	_ =	sdelay $0x1  }
0x289: {  	v0 =	vmul.f32 v1, v0  }
0x28a: {  	v36 =	vld [tilespmem:s22+$0x9820]  }
0x28b: {  	v0 =	vadd.f32 v0, v35;
	_ =	sdelay $0x1  }
0x28c: {  	[tilespmem:s22+$0x9810] =	vst v0  }
0x28d: {  	v0 =	vld [tilespmem:$0xC320]  }
0x28e: {  	v1 =	vsub.f32 v36, v4  }
0x28f: {  	v37 =	vld [tilespmem:$0xC720]  }
0x290: {  	v1 =	vmul.f32 v1, v5;
	_ =	sdelay $0x1  }
0x291: {  	v0 =	vmul.f32 v1, v0  }
0x292: {  	v38 =	vld [tilespmem:s22+$0x9830]  }
0x293: {  	v0 =	vadd.f32 v0, v37;
	_ =	sdelay $0x1  }
0x294: {  	[tilespmem:s22+$0x9820] =	vst v0  }
0x295: {  	v0 =	vld [tilespmem:$0xC330]  }
0x296: {  	v1 =	vsub.f32 v38, v4  }
0x297: {  	v39 =	vld [tilespmem:$0xC730]  }
0x298: {  	v1 =	vmul.f32 v1, v5;
	_ =	sdelay $0x1  }
0x299: {  	v0 =	vmul.f32 v1, v0  }
0x29a: {  	v40 =	vld [tilespmem:s22+$0x9840]  }
0x29b: {  	v0 =	vadd.f32 v0, v39;
	_ =	sdelay $0x1  }
0x29c: {  	[tilespmem:s22+$0x9830] =	vst v0  }
0x29d: {  	v0 =	vld [tilespmem:$0xC340]  }
0x29e: {  	v1 =	vsub.f32 v40, v4  }
0x29f: {  	v41 =	vld [tilespmem:$0xC740]  }
0x2a0: {  	v1 =	vmul.f32 v1, v5;
	_ =	sdelay $0x1  }
0x2a1: {  	v0 =	vmul.f32 v1, v0  }
0x2a2: {  	v42 =	vld [tilespmem:s22+$0x9850]  }
0x2a3: {  	v0 =	vadd.f32 v0, v41;
	_ =	sdelay $0x1  }
0x2a4: {  	[tilespmem:s22+$0x9840] =	vst v0  }
0x2a5: {  	v0 =	vld [tilespmem:$0xC350]  }
0x2a6: {  	v1 =	vsub.f32 v42, v4  }
0x2a7: {  	v43 =	vld [tilespmem:$0xC750]  }
0x2a8: {  	v1 =	vmul.f32 v1, v5;
	_ =	sdelay $0x1  }
0x2a9: {  	v0 =	vmul.f32 v1, v0  }
0x2aa: {  	v44 =	vld [tilespmem:s22+$0x9860]  }
0x2ab: {  	v0 =	vadd.f32 v0, v43;
	_ =	sdelay $0x1  }
0x2ac: {  	[tilespmem:s22+$0x9850] =	vst v0  }
0x2ad: {  	v0 =	vld [tilespmem:$0xC360]  }
0x2ae: {  	v1 =	vsub.f32 v44, v4  }
0x2af: {  	v45 =	vld [tilespmem:$0xC760]  }
0x2b0: {  	v1 =	vmul.f32 v1, v5;
	_ =	sdelay $0x1  }
0x2b1: {  	v0 =	vmul.f32 v1, v0  }
0x2b2: {  	v46 =	vld [tilespmem:s22+$0x9870]  }
0x2b3: {  	v0 =	vadd.f32 v0, v45;
	_ =	sdelay $0x1  }
0x2b4: {  	[tilespmem:s22+$0x9860] =	vst v0  }
0x2b5: {  	v0 =	vld [tilespmem:$0xC370]  }
0x2b6: {  	v1 =	vsub.f32 v46, v4  }
0x2b7: {  	v47 =	vld [tilespmem:$0xC770]  }
0x2b8: {  	v1 =	vmul.f32 v1, v5;
	_ =	sdelay $0x1  }
0x2b9: {  	v0 =	vmul.f32 v1, v0;
	_ =	sdelay $0x1  }
0x2ba: {  	v0 =	vadd.f32 v0, v47;
	_ =	sdelay $0x1  }
0x2bb: {  	[tilespmem:s22+$0x9870] =	vst v0  }
0x2bc: {  	v0 =	vld [tilespmem:s23+$0x8000];
	_ =	sdelay $0x3  }
0x2bd: {  	v48 =	vld [tilespmem:$0xC380]  }
0x2be: {  	v0 =	vsub.f32 v0, v4  }
0x2bf: {  	v49 =	vld [tilespmem:$0xC780]  }
0x2c0: {  	v0 =	vmul.f32 v0, v5;
	_ =	sdelay $0x1  }
0x2c1: {  	v0 =	vmul.f32 v0, v48;
	_ =	sdelay $0x1  }
0x2c2: {  	v0 =	vadd.f32 v0, v49;
	_ =	sdelay $0x1  }
0x2c3: {  	[tilespmem:s23+$0x8000] =	vst v0  }
0x2c4: {  	v0 =	vld [tilespmem:s24+$0x8000];
	_ =	sdelay $0x3  }
0x2c5: {  	v50 =	vld [tilespmem:$0xC390]  }
0x2c6: {  	v0 =	vsub.f32 v0, v4  }
0x2c7: {  	v51 =	vld [tilespmem:$0xC790]  }
0x2c8: {  	v0 =	vmul.f32 v0, v5;
	_ =	sdelay $0x1  }
0x2c9: {  	v0 =	vmul.f32 v0, v50;
	_ =	sdelay $0x1  }
0x2ca: {  	v0 =	vadd.f32 v0, v51;
	_ =	sdelay $0x1  }
0x2cb: {  	[tilespmem:s24+$0x8000] =	vst v0  }
0x2cc: {  	v0 =	vld [tilespmem:s25+$0x8000];
	_ =	sdelay $0x3  }
0x2cd: {  	v52 =	vld [tilespmem:$0xC3A0]  }
0x2ce: {  	v0 =	vsub.f32 v0, v4  }
0x2cf: {  	v53 =	vld [tilespmem:$0xC7A0]  }
0x2d0: {  	v0 =	vmul.f32 v0, v5;
	_ =	sdelay $0x1  }
0x2d1: {  	v0 =	vmul.f32 v0, v52;
	_ =	sdelay $0x1  }
0x2d2: {  	v0 =	vadd.f32 v0, v53;
	_ =	sdelay $0x1  }
0x2d3: {  	[tilespmem:s25+$0x8000] =	vst v0  }
0x2d4: {  	v0 =	vld [tilespmem:s26+$0x8000];
	_ =	sdelay $0x3  }
0x2d5: {  	v54 =	vld [tilespmem:$0xC3B0]  }
0x2d6: {  	v0 =	vsub.f32 v0, v4  }
0x2d7: {  	v55 =	vld [tilespmem:$0xC7B0]  }
0x2d8: {  	v0 =	vmul.f32 v0, v5;
	_ =	sdelay $0x1  }
0x2d9: {  	v0 =	vmul.f32 v0, v54;
	_ =	sdelay $0x1  }
0x2da: {  	v0 =	vadd.f32 v0, v55;
	_ =	sdelay $0x1  }
0x2db: {  	[tilespmem:s26+$0x8000] =	vst v0  }
0x2dc: {  	v0 =	vld [tilespmem:s28+$0x8000];
	_ =	sdelay $0x3  }
0x2dd: {  	v56 =	vld [tilespmem:$0xC3C0]  }
0x2de: {  	v0 =	vsub.f32 v0, v4  }
0x2df: {  	v57 =	vld [tilespmem:$0xC7C0]  }
0x2e0: {  	v0 =	vmul.f32 v0, v5;
	_ =	sdelay $0x1  }
0x2e1: {  	v0 =	vmul.f32 v0, v56;
	_ =	sdelay $0x1  }
0x2e2: {  	v0 =	vadd.f32 v0, v57;
	_ =	sdelay $0x1  }
0x2e3: {  	[tilespmem:s28+$0x8000] =	vst v0  }
0x2e4: {  	v0 =	vld [tilespmem:s29+$0x8000];
	_ =	sdelay $0x3  }
0x2e5: {  	v58 =	vld [tilespmem:$0xC3D0]  }
0x2e6: {  	v0 =	vsub.f32 v0, v4  }
0x2e7: {  	v59 =	vld [tilespmem:$0xC7D0]  }
0x2e8: {  	v0 =	vmul.f32 v0, v5;
	_ =	sdelay $0x1  }
0x2e9: {  	v0 =	vmul.f32 v0, v58;
	_ =	sdelay $0x1  }
0x2ea: {  	v0 =	vadd.f32 v0, v59;
	_ =	sdelay $0x1  }
0x2eb: {  	[tilespmem:s29+$0x8000] =	vst v0  }
0x2ec: {  	v0 =	vld [tilespmem:s30+$0x8000];
	_ =	sdelay $0x3  }
0x2ed: {  	v60 =	vld [tilespmem:$0xC3E0]  }
0x2ee: {  	v0 =	vsub.f32 v0, v4  }
0x2ef: {  	v61 =	vld [tilespmem:$0xC7E0]  }
0x2f0: {  	v0 =	vmul.f32 v0, v5;
	_ =	sdelay $0x1  }
0x2f1: {  	v0 =	vmul.f32 v0, v60;
	_ =	sdelay $0x1  }
0x2f2: {  	v0 =	vadd.f32 v0, v61;
	_ =	sdelay $0x1  }
0x2f3: {  	[tilespmem:s30+$0x8000] =	vst v0  }
0x2f4: {  	v0 =	vld [tilespmem:s31+$0x8000];
	_ =	sdelay $0x3  }
0x2f5: {  	v62 =	vld [tilespmem:$0xC3F0]  }
0x2f6: {  	v0 =	vsub.f32 v0, v4  }
0x2f7: {  	v63 =	vld [tilespmem:$0xC7F0]  }
0x2f8: {  	v0 =	vmul.f32 v0, v5  }
0x2f9: {  	p0 =	sne.s32 s21, $0x780  }
.Ltmp0:
0x2fa: {  	v0 =	vmul.f32 v0, v62;
	(pc) =	sbr.rel @p0 .LBB2_3-.Ltmp0, $4  }
0x2fb: {  	_ = 	snop  }
0x2fc: {  	v0 =	vadd.f32 v0, v63  }
0x2fd: {  	s18 =	sadd.s32 $0x1, s18  }
0x2fe: {  	s19 =	sadd.s32 $0x400, s19;
	s21 =	sadd.s32 $0x80, s21;
	s20 =	sadd.s32 $0x400, s20;
	[tilespmem:s31+$0x8000] =	vst v0  }
0x2ff: {  	s16 =	sadd.s32 $0x1, s16  }
0x300: {  	p0 =	sne.s32 s16, $0x4  }
.Ltmp1:
0x301: {  	s17 =	sadd.s32 s7, s17;
	(pc) =	sbr.rel @p0 .LBB2_2-.Ltmp1, $4  }
0x302: {  	[hbm4b:s17+s5] =	stream.linear.scatter [tilespmem:s14], [sflag:$0x1], $0x4000, $0x38;
	[tilespmem:$0xC800] =	vst v63  }
0x303: {  	_ =	swait.ge [sflag:s11], $0x4000  }
0x304: {  	[sflag:s11] =	ssyncset.done $0x0  }
0x305: {  	[sflag:s11] =	ssyncadd.s32 $0xFFFFC000  }
0x306: {  	s15 =	sadd.s32 $0x1, s15  }
0x307: {  	p0 =	sne.s32 s15, s9  }
.Ltmp2:
0x308: {  	_ = 	snop;
	(pc) =	sbr.rel @p0 .LBB2_1-.Ltmp2, $1  }
0x309: {  	_ =	sdelay $0x3  }
0x30a: {  	_ =	sfence.sel $0x180000  }
0x30b: {  	[bflag:$0x0] =	sbarrier.arrive $0xFFFF  }
0x30c: {  	p0 =	sne.s32 s6, $0x0;
	_ =	strace $0x90000047  }
0x30d: {  	s0 =	sadd.s32 @!p0 $0x100000, s4;
	[bflag:$0x2] =	sbarrier.arrive $0xFFFF  }
0x30e: {  	[sflag:s0] =	ssyncadd.tile.s32 @!p0 $0x1;
	_ =	shalt  }
.Lfunc_end2:
_tile_overlayer_lowered:
.L_overlay_start_2:
0x30f: {  	(tag) =	ssettag $0x2  }
0x310: {  	s0 =	rddreg [dreg:$0x0];
	s2 =	stileid.u32  }
0x311: {  	s1 =	rddreg [dreg:$0x1];
	p0 =	sne.s32 s2, $0x0  }
0x312: {  	s3 =	rddreg [dreg:$0x2];
	[bflag:$0x3] =	sbarrier.arrive $0xFFFF;
	s2 =	simm.s32 @!p0 $0x1C01  }
0x313: {  	[timem:s3], [sflag:s2] =	dma.local @!p0 [hbm:s0], s1  }
0x314: {  	s0 =	simm.s32 @!p0 $0x1  }
0x315: {  	_ =	swait.ge @!p0 [sflag:s0], s1  }
0x316: {  	s1 =	ssub.s32 @!p0 $0x0, s1;
	[sflag:s0] =	ssyncset.done @!p0 $0x0  }
0x317: {  	[sflag:s0] =	ssyncadd.s32 @!p0 s1  }
0x318: {  	[bflag:$0x3] =	sbarrier.arrive $0xFFFF  }
0x319: {  	_ =	shalt  }

</sc_bundles>
